<compile_context>
chip_gen: v7x
topology: tpu7x:2x2x1
jax: 0.10.2.dev20260603
libtpu: 0.0.44.dev20260713+nightly
codegen_flags: <defaults>
</compile_context>

<pallas_src>
import functools

import jax
import jax.numpy as jnp
from jax import lax
from jax.experimental import pallas as pl
from jax.experimental.pallas import tpu as pltpu
from jax.experimental.pallas import tpu_sc as plsc

H = W = 2048
NUM_BINS = 64
NC, NS, L = 2, 16, 16
NW = NC * NS
ROWS_PER_W = H // NW
ROW_CHUNK = 8
NCHUNKS = ROWS_PER_W // ROW_CHUNK
VECS_PER_ROW = W // L


def _sc_body(od_hbm, mask_hbm, pd_hbm, out_hbm,
             m0, m1, o0, o1, p0, p1, bins, row, sem0, sem1):
    c = lax.axis_index("c")
    s = lax.axis_index("s")
    wid = s * NC + c
    base = wid * ROWS_PER_W

    zero16 = jnp.zeros((L,), jnp.float32)
    for r in range(L * NUM_BINS // L):
        bins[pl.ds(r * L, L)] = zero16

    bufs = ((m0, o0, p0, sem0), (m1, o1, p1, sem1))

    def start(g):
        mb, ob, pb, sem = bufs[g & 1]
        r0 = base + g * ROW_CHUNK
        return (pltpu.async_copy(mask_hbm.at[pl.ds(r0, ROW_CHUNK)], mb, sem),
                pltpu.async_copy(od_hbm.at[pl.ds(r0, ROW_CHUNK)], ob, sem),
                pltpu.async_copy(pd_hbm.at[pl.ds(r0, ROW_CHUNK)], pb, sem))

    iota64 = lax.iota(jnp.int32, L) * NUM_BINS
    handles = {0: start(0)}
    for g in range(NCHUNKS):
        if g + 1 < NCHUNKS:
            handles[g + 1] = start(g + 1)
        for h in handles.pop(g):
            h.wait()
        mb, ob, pb, _ = bufs[g & 1]

        def cbody(i, carry, mb=mb, ob=ob, pb=pb):
            o = i * L
            ms = [mb[r, pl.ds(o, L)] for r in range(ROW_CHUNK)]
            ps = [pb[r, pl.ds(o, L)] for r in range(ROW_CHUNK)]
            osv = [ob[r, pl.ds(o, L)] for r in range(ROW_CHUNK)]
            for r in range(ROW_CHUNK):
                plsc.addupdate_scatter(bins, [iota64 + ms[r]], ps[r] - osv[r])
            return carry + ps[0]

        acc = plsc.parallel_loop(
            0, VECS_PER_ROW, unroll=2,
            carry=jnp.zeros((L,), jnp.float32))(cbody)
        plsc.addupdate(bins.at[pl.ds(0, L)], acc * 0.0)

    for j in range(NUM_BINS // L):
        acc = bins[pl.ds(j * L, L)]
        for r in range(1, L):
            acc = acc + bins[pl.ds(r * NUM_BINS + j * L, L)]
        row[pl.ds(j * L, L)] = acc
    pltpu.sync_copy(row, out_hbm.at[wid])


_sc_bins = functools.partial(
    pl.kernel,
    out_type=jax.ShapeDtypeStruct((NW, NUM_BINS), jnp.float32),
    mesh=plsc.VectorSubcoreMesh(core_axis_name="c", subcore_axis_name="s"),
    compiler_params=pltpu.CompilerParams(needs_layout_passes=False),
    scratch_types=[
        pltpu.VMEM((ROW_CHUNK, W), jnp.int32),
        pltpu.VMEM((ROW_CHUNK, W), jnp.int32),
        pltpu.VMEM((ROW_CHUNK, W), jnp.float32),
        pltpu.VMEM((ROW_CHUNK, W), jnp.float32),
        pltpu.VMEM((ROW_CHUNK, W), jnp.float32),
        pltpu.VMEM((ROW_CHUNK, W), jnp.float32),
        pltpu.VMEM((L * NUM_BINS,), jnp.float32),
        pltpu.VMEM((NUM_BINS,), jnp.float32),
        pltpu.SemaphoreType.DMA,
        pltpu.SemaphoreType.DMA,
    ],
)(_sc_body)


def _finish_body(p_ref, o_ref):
    b = jnp.sum(p_ref[...], axis=0)
    o_ref[0, 0] = jnp.sum(jnp.abs(b))


def _finish(partial):
    out = pl.pallas_call(
        _finish_body,
        out_shape=jax.ShapeDtypeStruct((1, 1), jnp.float32),
        in_specs=[pl.BlockSpec(memory_space=pltpu.VMEM)],
        out_specs=pl.BlockSpec(memory_space=pltpu.SMEM),
    )(partial)
    return out[0, 0]


def kernel(origin_density, origin_mask, pre_density, new_mask):
    del new_mask
    mask = origin_mask.astype(jnp.int32)
    partial = _sc_bins(origin_density, mask, pre_density)
    return partial[0, 0]

# --- scband reference (transcript-rebuilt; emitter-appended) ---
"""Pipeline reference for scband-transform-loss-11398843203872 (READ-ONLY COPY).

The authoritative reference and input builder live on the scoring server;
editing this copy changes nothing except your own understanding.
"""

import jax, jax.numpy as jnp
import numpy as np


def setup_inputs(seed: int = 0) -> dict:
    key = jax.random.key(seed)
    k1, k2, k3, k4 = jax.random.split(key, 4)
    H, W = 2048, 2048
    K = 64
    origin_density = jax.random.uniform(k1, (H, W), dtype=jnp.float32)
    origin_mask = jax.random.randint(k2, (H, W), 0, K, dtype=jnp.int64)
    pre_density = jax.random.uniform(k3, (H, W), dtype=jnp.float32)
    new_mask = jax.random.randint(k4, (H, W), 0, K, dtype=jnp.int64)
    return {
        "origin_density": origin_density,
        "origin_mask": origin_mask,
        "pre_density": pre_density,
        "new_mask": new_mask,
    }


def reference(origin_density, origin_mask, pre_density, new_mask):
    # Intended semantics of TransformLoss.forward: segment-sum each density map
    # by mask region id (the original code uses origin_mask for BOTH sums),
    # then take the L1 distance between the per-region totals.
    mask_max = jnp.max(origin_mask)
    new_max = jnp.max(new_mask)
    num_segments = 64
    flat_mask = origin_mask.reshape(-1)
    origin_count = jax.ops.segment_sum(
        origin_density.reshape(-1), flat_mask, num_segments=num_segments
    )
    new_count = jax.ops.segment_sum(
        pre_density.reshape(-1), flat_mask, num_segments=num_segments
    )
    affine_loss = jnp.sum(jnp.abs(new_count - origin_count))
    affine_loss = affine_loss + (mask_max - new_max).astype(affine_loss.dtype) * 0.0
    return affine_loss

if __name__ == "__main__":
    import jax
    _d = setup_inputs()
    print(jax.jit(kernel)(*tuple(_d.values())))

</pallas_src>

<mosaic_0001>
#map = affine_map<(d0, d1) -> (0, 0)>
module attributes {stable_mosaic.version = 14 : i64} {
  func.func @_sc_body(%arg0: i32, %arg1: i32, %arg2: memref<2048x2048xf32, #tpu.memory_space<hbm>>, %arg3: memref<2048x2048xi32, #tpu.memory_space<hbm>>, %arg4: memref<2048x2048xf32, #tpu.memory_space<hbm>>, %arg5: memref<32x64xf32, #tpu.memory_space<hbm>>, %arg6: memref<8x2048xi32, #tpu.memory_space<vmem>>, %arg7: memref<8x2048xi32, #tpu.memory_space<vmem>>, %arg8: memref<8x2048xf32, #tpu.memory_space<vmem>>, %arg9: memref<8x2048xf32, #tpu.memory_space<vmem>>, %arg10: memref<8x2048xf32, #tpu.memory_space<vmem>>, %arg11: memref<8x2048xf32, #tpu.memory_space<vmem>>, %arg12: memref<1024xf32, #tpu.memory_space<vmem>>, %arg13: memref<64xf32, #tpu.memory_space<vmem>>, %arg14: memref<!tpu.dma_semaphore, #tpu.memory_space<semaphore_mem>>, %arg15: memref<!tpu.dma_semaphore, #tpu.memory_space<semaphore_mem>>) attributes {dimension_semantics = [#tpu.dimension_semantics<core_parallel>, #tpu.dimension_semantics<subcore_parallel>], iteration_bounds = array<i64: 2, 16>, scalar_prefetch = 0 : i64, scratch_operands = 10 : i64, tpu.core_type = #tpu.core_type<sc_vector_subcore>, window_params = [{transform_indices = #map}, {transform_indices = #map}, {transform_indices = #map}, {transform_indices = #map}]} {
    %mul3A = arith.constant 2 : i32
    %mul3A_0 = arith.muli %arg1, %mul3A : i32
    %add3A = arith.addi %mul3A_0, %arg0 : i32
    %mul3A_1 = arith.constant 64 : i32
    %mul3A_2 = arith.muli %add3A, %mul3A_1 : i32
    %broadcast_in_dim3A = arith.constant 0.000000e+00 : f32
    %broadcast_in_dim3A_3 = vector.broadcast %broadcast_in_dim3A : f32 to vector<16xf32>
    %swap3A = arith.constant 0 : index
    %swap3A_4 = tpu.vector_load %arg12[%swap3A] {strides = array<i32>} : memref<1024xf32, #tpu.memory_space<vmem>>, vector<16xf32>,
    tpu.vector_store %arg12[%swap3A], %broadcast_in_dim3A_3 {strides = array<i32>} : memref<1024xf32, #tpu.memory_space<vmem>>, vector<16xf32>,
    %swap3A_5 = arith.constant 16 : index
    %swap3A_6 = tpu.vector_load %arg12[%swap3A_5] {strides = array<i32>} : memref<1024xf32, #tpu.memory_space<vmem>>, vector<16xf32>,
    tpu.vector_store %arg12[%swap3A_5], %broadcast_in_dim3A_3 {strides = array<i32>} : memref<1024xf32, #tpu.memory_space<vmem>>, vector<16xf32>,
    %swap3A_7 = arith.constant 32 : index
    %swap3A_8 = tpu.vector_load %arg12[%swap3A_7] {strides = array<i32>} : memref<1024xf32, #tpu.memory_space<vmem>>, vector<16xf32>,
    tpu.vector_store %arg12[%swap3A_7], %broadcast_in_dim3A_3 {strides = array<i32>} : memref<1024xf32, #tpu.memory_space<vmem>>, vector<16xf32>,
    %swap3A_9 = arith.constant 48 : index
    %swap3A_10 = tpu.vector_load %arg12[%swap3A_9] {strides = array<i32>} : memref<1024xf32, #tpu.memory_space<vmem>>, vector<16xf32>,
    tpu.vector_store %arg12[%swap3A_9], %broadcast_in_dim3A_3 {strides = array<i32>} : memref<1024xf32, #tpu.memory_space<vmem>>, vector<16xf32>,
    %swap3A_11 = arith.constant 64 : index
    %swap3A_12 = tpu.vector_load %arg12[%swap3A_11] {strides = array<i32>} : memref<1024xf32, #tpu.memory_space<vmem>>, vector<16xf32>,
    tpu.vector_store %arg12[%swap3A_11], %broadcast_in_dim3A_3 {strides = array<i32>} : memref<1024xf32, #tpu.memory_space<vmem>>, vector<16xf32>,
    %swap3A_13 = arith.constant 80 : index
    %swap3A_14 = tpu.vector_load %arg12[%swap3A_13] {strides = array<i32>} : memref<1024xf32, #tpu.memory_space<vmem>>, vector<16xf32>,
    tpu.vector_store %arg12[%swap3A_13], %broadcast_in_dim3A_3 {strides = array<i32>} : memref<1024xf32, #tpu.memory_space<vmem>>, vector<16xf32>,
    %swap3A_15 = arith.constant 96 : index
    %swap3A_16 = tpu.vector_load %arg12[%swap3A_15] {strides = array<i32>} : memref<1024xf32, #tpu.memory_space<vmem>>, vector<16xf32>,
    tpu.vector_store %arg12[%swap3A_15], %broadcast_in_dim3A_3 {strides = array<i32>} : memref<1024xf32, #tpu.memory_space<vmem>>, vector<16xf32>,
    %swap3A_17 = arith.constant 112 : index
    %swap3A_18 = tpu.vector_load %arg12[%swap3A_17] {strides = array<i32>} : memref<1024xf32, #tpu.memory_space<vmem>>, vector<16xf32>,
    tpu.vector_store %arg12[%swap3A_17], %broadcast_in_dim3A_3 {strides = array<i32>} : memref<1024xf32, #tpu.memory_space<vmem>>, vector<16xf32>,
    %swap3A_19 = arith.constant 128 : index
    %swap3A_20 = tpu.vector_load %arg12[%swap3A_19] {strides = array<i32>} : memref<1024xf32, #tpu.memory_space<vmem>>, vector<16xf32>,
    tpu.vector_store %arg12[%swap3A_19], %broadcast_in_dim3A_3 {strides = array<i32>} : memref<1024xf32, #tpu.memory_space<vmem>>, vector<16xf32>,
    %swap3A_21 = arith.constant 144 : index
    %swap3A_22 = tpu.vector_load %arg12[%swap3A_21] {strides = array<i32>} : memref<1024xf32, #tpu.memory_space<vmem>>, vector<16xf32>,
    tpu.vector_store %arg12[%swap3A_21], %broadcast_in_dim3A_3 {strides = array<i32>} : memref<1024xf32, #tpu.memory_space<vmem>>, vector<16xf32>,
    %swap3A_23 = arith.constant 160 : index
    %swap3A_24 = tpu.vector_load %arg12[%swap3A_23] {strides = array<i32>} : memref<1024xf32, #tpu.memory_space<vmem>>, vector<16xf32>,
    tpu.vector_store %arg12[%swap3A_23], %broadcast_in_dim3A_3 {strides = array<i32>} : memref<1024xf32, #tpu.memory_space<vmem>>, vector<16xf32>,
    %swap3A_25 = arith.constant 176 : index
    %swap3A_26 = tpu.vector_load %arg12[%swap3A_25] {strides = array<i32>} : memref<1024xf32, #tpu.memory_space<vmem>>, vector<16xf32>,
    tpu.vector_store %arg12[%swap3A_25], %broadcast_in_dim3A_3 {strides = array<i32>} : memref<1024xf32, #tpu.memory_space<vmem>>, vector<16xf32>,
    %swap3A_27 = arith.constant 192 : index
    %swap3A_28 = tpu.vector_load %arg12[%swap3A_27] {strides = array<i32>} : memref<1024xf32, #tpu.memory_space<vmem>>, vector<16xf32>,
    tpu.vector_store %arg12[%swap3A_27], %broadcast_in_dim3A_3 {strides = array<i32>} : memref<1024xf32, #tpu.memory_space<vmem>>, vector<16xf32>,
    %swap3A_29 = arith.constant 208 : index
    %swap3A_30 = tpu.vector_load %arg12[%swap3A_29] {strides = array<i32>} : memref<1024xf32, #tpu.memory_space<vmem>>, vector<16xf32>,
    tpu.vector_store %arg12[%swap3A_29], %broadcast_in_dim3A_3 {strides = array<i32>} : memref<1024xf32, #tpu.memory_space<vmem>>, vector<16xf32>,
    %swap3A_31 = arith.constant 224 : index
    %swap3A_32 = tpu.vector_load %arg12[%swap3A_31] {strides = array<i32>} : memref<1024xf32, #tpu.memory_space<vmem>>, vector<16xf32>,
    tpu.vector_store %arg12[%swap3A_31], %broadcast_in_dim3A_3 {strides = array<i32>} : memref<1024xf32, #tpu.memory_space<vmem>>, vector<16xf32>,
    %swap3A_33 = arith.constant 240 : index
    %swap3A_34 = tpu.vector_load %arg12[%swap3A_33] {strides = array<i32>} : memref<1024xf32, #tpu.memory_space<vmem>>, vector<16xf32>,
    tpu.vector_store %arg12[%swap3A_33], %broadcast_in_dim3A_3 {strides = array<i32>} : memref<1024xf32, #tpu.memory_space<vmem>>, vector<16xf32>,
    %swap3A_35 = arith.constant 256 : index
    %swap3A_36 = tpu.vector_load %arg12[%swap3A_35] {strides = array<i32>} : memref<1024xf32, #tpu.memory_space<vmem>>, vector<16xf32>,
    tpu.vector_store %arg12[%swap3A_35], %broadcast_in_dim3A_3 {strides = array<i32>} : memref<1024xf32, #tpu.memory_space<vmem>>, vector<16xf32>,
    %swap3A_37 = arith.constant 272 : index
    %swap3A_38 = tpu.vector_load %arg12[%swap3A_37] {strides = array<i32>} : memref<1024xf32, #tpu.memory_space<vmem>>, vector<16xf32>,
    tpu.vector_store %arg12[%swap3A_37], %broadcast_in_dim3A_3 {strides = array<i32>} : memref<1024xf32, #tpu.memory_space<vmem>>, vector<16xf32>,
    %swap3A_39 = arith.constant 288 : index
    %swap3A_40 = tpu.vector_load %arg12[%swap3A_39] {strides = array<i32>} : memref<1024xf32, #tpu.memory_space<vmem>>, vector<16xf32>,
    tpu.vector_store %arg12[%swap3A_39], %broadcast_in_dim3A_3 {strides = array<i32>} : memref<1024xf32, #tpu.memory_space<vmem>>, vector<16xf32>,
    %swap3A_41 = arith.constant 304 : index
    %swap3A_42 = tpu.vector_load %arg12[%swap3A_41] {strides = array<i32>} : memref<1024xf32, #tpu.memory_space<vmem>>, vector<16xf32>,
    tpu.vector_store %arg12[%swap3A_41], %broadcast_in_dim3A_3 {strides = array<i32>} : memref<1024xf32, #tpu.memory_space<vmem>>, vector<16xf32>,
    %swap3A_43 = arith.constant 320 : index
    %swap3A_44 = tpu.vector_load %arg12[%swap3A_43] {strides = array<i32>} : memref<1024xf32, #tpu.memory_space<vmem>>, vector<16xf32>,
    tpu.vector_store %arg12[%swap3A_43], %broadcast_in_dim3A_3 {strides = array<i32>} : memref<1024xf32, #tpu.memory_space<vmem>>, vector<16xf32>,
    %swap3A_45 = arith.constant 336 : index
    %swap3A_46 = tpu.vector_load %arg12[%swap3A_45] {strides = array<i32>} : memref<1024xf32, #tpu.memory_space<vmem>>, vector<16xf32>,
    tpu.vector_store %arg12[%swap3A_45], %broadcast_in_dim3A_3 {strides = array<i32>} : memref<1024xf32, #tpu.memory_space<vmem>>, vector<16xf32>,
    %swap3A_47 = arith.constant 352 : index
    %swap3A_48 = tpu.vector_load %arg12[%swap3A_47] {strides = array<i32>} : memref<1024xf32, #tpu.memory_space<vmem>>, vector<16xf32>,
    tpu.vector_store %arg12[%swap3A_47], %broadcast_in_dim3A_3 {strides = array<i32>} : memref<1024xf32, #tpu.memory_space<vmem>>, vector<16xf32>,
    %swap3A_49 = arith.constant 368 : index
    %swap3A_50 = tpu.vector_load %arg12[%swap3A_49] {strides = array<i32>} : memref<1024xf32, #tpu.memory_space<vmem>>, vector<16xf32>,
    tpu.vector_store %arg12[%swap3A_49], %broadcast_in_dim3A_3 {strides = array<i32>} : memref<1024xf32, #tpu.memory_space<vmem>>, vector<16xf32>,
    %swap3A_51 = arith.constant 384 : index
    %swap3A_52 = tpu.vector_load %arg12[%swap3A_51] {strides = array<i32>} : memref<1024xf32, #tpu.memory_space<vmem>>, vector<16xf32>,
    tpu.vector_store %arg12[%swap3A_51], %broadcast_in_dim3A_3 {strides = array<i32>} : memref<1024xf32, #tpu.memory_space<vmem>>, vector<16xf32>,
    %swap3A_53 = arith.constant 400 : index
    %swap3A_54 = tpu.vector_load %arg12[%swap3A_53] {strides = array<i32>} : memref<1024xf32, #tpu.memory_space<vmem>>, vector<16xf32>,
    tpu.vector_store %arg12[%swap3A_53], %broadcast_in_dim3A_3 {strides = array<i32>} : memref<1024xf32, #tpu.memory_space<vmem>>, vector<16xf32>,
    %swap3A_55 = arith.constant 416 : index
    %swap3A_56 = tpu.vector_load %arg12[%swap3A_55] {strides = array<i32>} : memref<1024xf32, #tpu.memory_space<vmem>>, vector<16xf32>,
    tpu.vector_store %arg12[%swap3A_55], %broadcast_in_dim3A_3 {strides = array<i32>} : memref<1024xf32, #tpu.memory_space<vmem>>, vector<16xf32>,
    %swap3A_57 = arith.constant 432 : index
    %swap3A_58 = tpu.vector_load %arg12[%swap3A_57] {strides = array<i32>} : memref<1024xf32, #tpu.memory_space<vmem>>, vector<16xf32>,
    tpu.vector_store %arg12[%swap3A_57], %broadcast_in_dim3A_3 {strides = array<i32>} : memref<1024xf32, #tpu.memory_space<vmem>>, vector<16xf32>,
    %swap3A_59 = arith.constant 448 : index
    %swap3A_60 = tpu.vector_load %arg12[%swap3A_59] {strides = array<i32>} : memref<1024xf32, #tpu.memory_space<vmem>>, vector<16xf32>,
    tpu.vector_store %arg12[%swap3A_59], %broadcast_in_dim3A_3 {strides = array<i32>} : memref<1024xf32, #tpu.memory_space<vmem>>, vector<16xf32>,
    %swap3A_61 = arith.constant 464 : index
    %swap3A_62 = tpu.vector_load %arg12[%swap3A_61] {strides = array<i32>} : memref<1024xf32, #tpu.memory_space<vmem>>, vector<16xf32>,
    tpu.vector_store %arg12[%swap3A_61], %broadcast_in_dim3A_3 {strides = array<i32>} : memref<1024xf32, #tpu.memory_space<vmem>>, vector<16xf32>,
    %swap3A_63 = arith.constant 480 : index
    %swap3A_64 = tpu.vector_load %arg12[%swap3A_63] {strides = array<i32>} : memref<1024xf32, #tpu.memory_space<vmem>>, vector<16xf32>,
    tpu.vector_store %arg12[%swap3A_63], %broadcast_in_dim3A_3 {strides = array<i32>} : memref<1024xf32, #tpu.memory_space<vmem>>, vector<16xf32>,
    %swap3A_65 = arith.constant 496 : index
    %swap3A_66 = tpu.vector_load %arg12[%swap3A_65] {strides = array<i32>} : memref<1024xf32, #tpu.memory_space<vmem>>, vector<16xf32>,
    tpu.vector_store %arg12[%swap3A_65], %broadcast_in_dim3A_3 {strides = array<i32>} : memref<1024xf32, #tpu.memory_space<vmem>>, vector<16xf32>,
    %swap3A_67 = arith.constant 512 : index
    %swap3A_68 = tpu.vector_load %arg12[%swap3A_67] {strides = array<i32>} : memref<1024xf32, #tpu.memory_space<vmem>>, vector<16xf32>,
    tpu.vector_store %arg12[%swap3A_67], %broadcast_in_dim3A_3 {strides = array<i32>} : memref<1024xf32, #tpu.memory_space<vmem>>, vector<16xf32>,
    %swap3A_69 = arith.constant 528 : index
    %swap3A_70 = tpu.vector_load %arg12[%swap3A_69] {strides = array<i32>} : memref<1024xf32, #tpu.memory_space<vmem>>, vector<16xf32>,
    tpu.vector_store %arg12[%swap3A_69], %broadcast_in_dim3A_3 {strides = array<i32>} : memref<1024xf32, #tpu.memory_space<vmem>>, vector<16xf32>,
    %swap3A_71 = arith.constant 544 : index
    %swap3A_72 = tpu.vector_load %arg12[%swap3A_71] {strides = array<i32>} : memref<1024xf32, #tpu.memory_space<vmem>>, vector<16xf32>,
    tpu.vector_store %arg12[%swap3A_71], %broadcast_in_dim3A_3 {strides = array<i32>} : memref<1024xf32, #tpu.memory_space<vmem>>, vector<16xf32>,
    %swap3A_73 = arith.constant 560 : index
    %swap3A_74 = tpu.vector_load %arg12[%swap3A_73] {strides = array<i32>} : memref<1024xf32, #tpu.memory_space<vmem>>, vector<16xf32>,
    tpu.vector_store %arg12[%swap3A_73], %broadcast_in_dim3A_3 {strides = array<i32>} : memref<1024xf32, #tpu.memory_space<vmem>>, vector<16xf32>,
    %swap3A_75 = arith.constant 576 : index
    %swap3A_76 = tpu.vector_load %arg12[%swap3A_75] {strides = array<i32>} : memref<1024xf32, #tpu.memory_space<vmem>>, vector<16xf32>,
    tpu.vector_store %arg12[%swap3A_75], %broadcast_in_dim3A_3 {strides = array<i32>} : memref<1024xf32, #tpu.memory_space<vmem>>, vector<16xf32>,
    %swap3A_77 = arith.constant 592 : index
    %swap3A_78 = tpu.vector_load %arg12[%swap3A_77] {strides = array<i32>} : memref<1024xf32, #tpu.memory_space<vmem>>, vector<16xf32>,
    tpu.vector_store %arg12[%swap3A_77], %broadcast_in_dim3A_3 {strides = array<i32>} : memref<1024xf32, #tpu.memory_space<vmem>>, vector<16xf32>,
    %swap3A_79 = arith.constant 608 : index
    %swap3A_80 = tpu.vector_load %arg12[%swap3A_79] {strides = array<i32>} : memref<1024xf32, #tpu.memory_space<vmem>>, vector<16xf32>,
    tpu.vector_store %arg12[%swap3A_79], %broadcast_in_dim3A_3 {strides = array<i32>} : memref<1024xf32, #tpu.memory_space<vmem>>, vector<16xf32>,
    %swap3A_81 = arith.constant 624 : index
    %swap3A_82 = tpu.vector_load %arg12[%swap3A_81] {strides = array<i32>} : memref<1024xf32, #tpu.memory_space<vmem>>, vector<16xf32>,
    tpu.vector_store %arg12[%swap3A_81], %broadcast_in_dim3A_3 {strides = array<i32>} : memref<1024xf32, #tpu.memory_space<vmem>>, vector<16xf32>,
    %swap3A_83 = arith.constant 640 : index
    %swap3A_84 = tpu.vector_load %arg12[%swap3A_83] {strides = array<i32>} : memref<1024xf32, #tpu.memory_space<vmem>>, vector<16xf32>,
    tpu.vector_store %arg12[%swap3A_83], %broadcast_in_dim3A_3 {strides = array<i32>} : memref<1024xf32, #tpu.memory_space<vmem>>, vector<16xf32>,
    %swap3A_85 = arith.constant 656 : index
    %swap3A_86 = tpu.vector_load %arg12[%swap3A_85] {strides = array<i32>} : memref<1024xf32, #tpu.memory_space<vmem>>, vector<16xf32>,
    tpu.vector_store %arg12[%swap3A_85], %broadcast_in_dim3A_3 {strides = array<i32>} : memref<1024xf32, #tpu.memory_space<vmem>>, vector<16xf32>,
    %swap3A_87 = arith.constant 672 : index
    %swap3A_88 = tpu.vector_load %arg12[%swap3A_87] {strides = array<i32>} : memref<1024xf32, #tpu.memory_space<vmem>>, vector<16xf32>,
    tpu.vector_store %arg12[%swap3A_87], %broadcast_in_dim3A_3 {strides = array<i32>} : memref<1024xf32, #tpu.memory_space<vmem>>, vector<16xf32>,
    %swap3A_89 = arith.constant 688 : index
    %swap3A_90 = tpu.vector_load %arg12[%swap3A_89] {strides = array<i32>} : memref<1024xf32, #tpu.memory_space<vmem>>, vector<16xf32>,
    tpu.vector_store %arg12[%swap3A_89], %broadcast_in_dim3A_3 {strides = array<i32>} : memref<1024xf32, #tpu.memory_space<vmem>>, vector<16xf32>,
    %swap3A_91 = arith.constant 704 : index
    %swap3A_92 = tpu.vector_load %arg12[%swap3A_91] {strides = array<i32>} : memref<1024xf32, #tpu.memory_space<vmem>>, vector<16xf32>,
    tpu.vector_store %arg12[%swap3A_91], %broadcast_in_dim3A_3 {strides = array<i32>} : memref<1024xf32, #tpu.memory_space<vmem>>, vector<16xf32>,
    %swap3A_93 = arith.constant 720 : index
    %swap3A_94 = tpu.vector_load %arg12[%swap3A_93] {strides = array<i32>} : memref<1024xf32, #tpu.memory_space<vmem>>, vector<16xf32>,
    tpu.vector_store %arg12[%swap3A_93], %broadcast_in_dim3A_3 {strides = array<i32>} : memref<1024xf32, #tpu.memory_space<vmem>>, vector<16xf32>,
    %swap3A_95 = arith.constant 736 : index
    %swap3A_96 = tpu.vector_load %arg12[%swap3A_95] {strides = array<i32>} : memref<1024xf32, #tpu.memory_space<vmem>>, vector<16xf32>,
    tpu.vector_store %arg12[%swap3A_95], %broadcast_in_dim3A_3 {strides = array<i32>} : memref<1024xf32, #tpu.memory_space<vmem>>, vector<16xf32>,
    %swap3A_97 = arith.constant 752 : index
    %swap3A_98 = tpu.vector_load %arg12[%swap3A_97] {strides = array<i32>} : memref<1024xf32, #tpu.memory_space<vmem>>, vector<16xf32>,
    tpu.vector_store %arg12[%swap3A_97], %broadcast_in_dim3A_3 {strides = array<i32>} : memref<1024xf32, #tpu.memory_space<vmem>>, vector<16xf32>,
    %swap3A_99 = arith.constant 768 : index
    %swap3A_100 = tpu.vector_load %arg12[%swap3A_99] {strides = array<i32>} : memref<1024xf32, #tpu.memory_space<vmem>>, vector<16xf32>,
    tpu.vector_store %arg12[%swap3A_99], %broadcast_in_dim3A_3 {strides = array<i32>} : memref<1024xf32, #tpu.memory_space<vmem>>, vector<16xf32>,
    %swap3A_101 = arith.constant 784 : index
    %swap3A_102 = tpu.vector_load %arg12[%swap3A_101] {strides = array<i32>} : memref<1024xf32, #tpu.memory_space<vmem>>, vector<16xf32>,
    tpu.vector_store %arg12[%swap3A_101], %broadcast_in_dim3A_3 {strides = array<i32>} : memref<1024xf32, #tpu.memory_space<vmem>>, vector<16xf32>,
    %swap3A_103 = arith.constant 800 : index
    %swap3A_104 = tpu.vector_load %arg12[%swap3A_103] {strides = array<i32>} : memref<1024xf32, #tpu.memory_space<vmem>>, vector<16xf32>,
    tpu.vector_store %arg12[%swap3A_103], %broadcast_in_dim3A_3 {strides = array<i32>} : memref<1024xf32, #tpu.memory_space<vmem>>, vector<16xf32>,
    %swap3A_105 = arith.constant 816 : index
    %swap3A_106 = tpu.vector_load %arg12[%swap3A_105] {strides = array<i32>} : memref<1024xf32, #tpu.memory_space<vmem>>, vector<16xf32>,
    tpu.vector_store %arg12[%swap3A_105], %broadcast_in_dim3A_3 {strides = array<i32>} : memref<1024xf32, #tpu.memory_space<vmem>>, vector<16xf32>,
    %swap3A_107 = arith.constant 832 : index
    %swap3A_108 = tpu.vector_load %arg12[%swap3A_107] {strides = array<i32>} : memref<1024xf32, #tpu.memory_space<vmem>>, vector<16xf32>,
    tpu.vector_store %arg12[%swap3A_107], %broadcast_in_dim3A_3 {strides = array<i32>} : memref<1024xf32, #tpu.memory_space<vmem>>, vector<16xf32>,
    %swap3A_109 = arith.constant 848 : index
    %swap3A_110 = tpu.vector_load %arg12[%swap3A_109] {strides = array<i32>} : memref<1024xf32, #tpu.memory_space<vmem>>, vector<16xf32>,
    tpu.vector_store %arg12[%swap3A_109], %broadcast_in_dim3A_3 {strides = array<i32>} : memref<1024xf32, #tpu.memory_space<vmem>>, vector<16xf32>,
    %swap3A_111 = arith.constant 864 : index
    %swap3A_112 = tpu.vector_load %arg12[%swap3A_111] {strides = array<i32>} : memref<1024xf32, #tpu.memory_space<vmem>>, vector<16xf32>,
    tpu.vector_store %arg12[%swap3A_111], %broadcast_in_dim3A_3 {strides = array<i32>} : memref<1024xf32, #tpu.memory_space<vmem>>, vector<16xf32>,
    %swap3A_113 = arith.constant 880 : index
    %swap3A_114 = tpu.vector_load %arg12[%swap3A_113] {strides = array<i32>} : memref<1024xf32, #tpu.memory_space<vmem>>, vector<16xf32>,
    tpu.vector_store %arg12[%swap3A_113], %broadcast_in_dim3A_3 {strides = array<i32>} : memref<1024xf32, #tpu.memory_space<vmem>>, vector<16xf32>,
    %swap3A_115 = arith.constant 896 : index
    %swap3A_116 = tpu.vector_load %arg12[%swap3A_115] {strides = array<i32>} : memref<1024xf32, #tpu.memory_space<vmem>>, vector<16xf32>,
    tpu.vector_store %arg12[%swap3A_115], %broadcast_in_dim3A_3 {strides = array<i32>} : memref<1024xf32, #tpu.memory_space<vmem>>, vector<16xf32>,
    %swap3A_117 = arith.constant 912 : index
    %swap3A_118 = tpu.vector_load %arg12[%swap3A_117] {strides = array<i32>} : memref<1024xf32, #tpu.memory_space<vmem>>, vector<16xf32>,
    tpu.vector_store %arg12[%swap3A_117], %broadcast_in_dim3A_3 {strides = array<i32>} : memref<1024xf32, #tpu.memory_space<vmem>>, vector<16xf32>,
    %swap3A_119 = arith.constant 928 : index
    %swap3A_120 = tpu.vector_load %arg12[%swap3A_119] {strides = array<i32>} : memref<1024xf32, #tpu.memory_space<vmem>>, vector<16xf32>,
    tpu.vector_store %arg12[%swap3A_119], %broadcast_in_dim3A_3 {strides = array<i32>} : memref<1024xf32, #tpu.memory_space<vmem>>, vector<16xf32>,
    %swap3A_121 = arith.constant 944 : index
    %swap3A_122 = tpu.vector_load %arg12[%swap3A_121] {strides = array<i32>} : memref<1024xf32, #tpu.memory_space<vmem>>, vector<16xf32>,
    tpu.vector_store %arg12[%swap3A_121], %broadcast_in_dim3A_3 {strides = array<i32>} : memref<1024xf32, #tpu.memory_space<vmem>>, vector<16xf32>,
    %swap3A_123 = arith.constant 960 : index
    %swap3A_124 = tpu.vector_load %arg12[%swap3A_123] {strides = array<i32>} : memref<1024xf32, #tpu.memory_space<vmem>>, vector<16xf32>,
    tpu.vector_store %arg12[%swap3A_123], %broadcast_in_dim3A_3 {strides = array<i32>} : memref<1024xf32, #tpu.memory_space<vmem>>, vector<16xf32>,
    %swap3A_125 = arith.constant 976 : index
    %swap3A_126 = tpu.vector_load %arg12[%swap3A_125] {strides = array<i32>} : memref<1024xf32, #tpu.memory_space<vmem>>, vector<16xf32>,
    tpu.vector_store %arg12[%swap3A_125], %broadcast_in_dim3A_3 {strides = array<i32>} : memref<1024xf32, #tpu.memory_space<vmem>>, vector<16xf32>,
    %swap3A_127 = arith.constant 992 : index
    %swap3A_128 = tpu.vector_load %arg12[%swap3A_127] {strides = array<i32>} : memref<1024xf32, #tpu.memory_space<vmem>>, vector<16xf32>,
    tpu.vector_store %arg12[%swap3A_127], %broadcast_in_dim3A_3 {strides = array<i32>} : memref<1024xf32, #tpu.memory_space<vmem>>, vector<16xf32>,
    %swap3A_129 = arith.constant 1008 : index
    %swap3A_130 = tpu.vector_load %arg12[%swap3A_129] {strides = array<i32>} : memref<1024xf32, #tpu.memory_space<vmem>>, vector<16xf32>,
    tpu.vector_store %arg12[%swap3A_129], %broadcast_in_dim3A_3 {strides = array<i32>} : memref<1024xf32, #tpu.memory_space<vmem>>, vector<16xf32>,
    %iota3A = tpu.iota {dimensions = array<i32: 0>} : vector<16xi32>
    %mul3A_131 = arith.constant 64 : i32
    %mul3A_132 = vector.broadcast %mul3A_131 : i32 to vector<16xi32>
    %mul3A_133 = arith.muli %iota3A, %mul3A_132 : vector<16xi32>
    %add3A_134 = arith.constant 0 : i32
    %add3A_135 = arith.addi %mul3A_2, %add3A_134 : i32
    %dma_start3A = arith.constant 0 : i32
    %dma_start3A_136 = tpu.memref_slice %arg3[%add3A_135, %dma_start3A] : memref<2048x2048xi32, #tpu.memory_space<hbm>> -> memref<8x2048xi32, #tpu.memory_space<hbm>>
    %dma_start3A_137 = arith.constant 0 : i32
    %dma_start3A_138 = tpu.memref_slice %arg3[%add3A_135, %dma_start3A_137] : memref<2048x2048xi32, #tpu.memory_space<hbm>> -> memref<8x2048xi32, #tpu.memory_space<hbm>>
    tpu.enqueue_dma source(%dma_start3A_138 : memref<8x2048xi32, #tpu.memory_space<hbm>>) target(%arg6 : memref<8x2048xi32, #tpu.memory_space<vmem>>) target_semaphore(%arg14 : memref<!tpu.dma_semaphore, #tpu.memory_space<semaphore_mem>>)
    %dma_start3A_139 = arith.constant 0 : i32
    %dma_start3A_140 = tpu.memref_slice %arg2[%add3A_135, %dma_start3A_139] : memref<2048x2048xf32, #tpu.memory_space<hbm>> -> memref<8x2048xf32, #tpu.memory_space<hbm>>
    %dma_start3A_141 = arith.constant 0 : i32
    %dma_start3A_142 = tpu.memref_slice %arg2[%add3A_135, %dma_start3A_141] : memref<2048x2048xf32, #tpu.memory_space<hbm>> -> memref<8x2048xf32, #tpu.memory_space<hbm>>
    tpu.enqueue_dma source(%dma_start3A_142 : memref<8x2048xf32, #tpu.memory_space<hbm>>) target(%arg8 : memref<8x2048xf32, #tpu.memory_space<vmem>>) target_semaphore(%arg14 : memref<!tpu.dma_semaphore, #tpu.memory_space<semaphore_mem>>)
    %dma_start3A_143 = arith.constant 0 : i32
    %dma_start3A_144 = tpu.memref_slice %arg4[%add3A_135, %dma_start3A_143] : memref<2048x2048xf32, #tpu.memory_space<hbm>> -> memref<8x2048xf32, #tpu.memory_space<hbm>>
    %dma_start3A_145 = arith.constant 0 : i32
    %dma_start3A_146 = tpu.memref_slice %arg4[%add3A_135, %dma_start3A_145] : memref<2048x2048xf32, #tpu.memory_space<hbm>> -> memref<8x2048xf32, #tpu.memory_space<hbm>>
    tpu.enqueue_dma source(%dma_start3A_146 : memref<8x2048xf32, #tpu.memory_space<hbm>>) target(%arg10 : memref<8x2048xf32, #tpu.memory_space<vmem>>) target_semaphore(%arg14 : memref<!tpu.dma_semaphore, #tpu.memory_space<semaphore_mem>>)
    %add3A_147 = arith.constant 8 : i32
    %add3A_148 = arith.addi %mul3A_2, %add3A_147 : i32
    %dma_start3A_149 = arith.constant 0 : i32
    %dma_start3A_150 = tpu.memref_slice %arg3[%add3A_148, %dma_start3A_149] : memref<2048x2048xi32, #tpu.memory_space<hbm>> -> memref<8x2048xi32, #tpu.memory_space<hbm>>
    %dma_start3A_151 = arith.constant 0 : i32
    %dma_start3A_152 = tpu.memref_slice %arg3[%add3A_148, %dma_start3A_151] : memref<2048x2048xi32, #tpu.memory_space<hbm>> -> memref<8x2048xi32, #tpu.memory_space<hbm>>
    tpu.enqueue_dma source(%dma_start3A_152 : memref<8x2048xi32, #tpu.memory_space<hbm>>) target(%arg7 : memref<8x2048xi32, #tpu.memory_space<vmem>>) target_semaphore(%arg15 : memref<!tpu.dma_semaphore, #tpu.memory_space<semaphore_mem>>)
    %dma_start3A_153 = arith.constant 0 : i32
    %dma_start3A_154 = tpu.memref_slice %arg2[%add3A_148, %dma_start3A_153] : memref<2048x2048xf32, #tpu.memory_space<hbm>> -> memref<8x2048xf32, #tpu.memory_space<hbm>>
    %dma_start3A_155 = arith.constant 0 : i32
    %dma_start3A_156 = tpu.memref_slice %arg2[%add3A_148, %dma_start3A_155] : memref<2048x2048xf32, #tpu.memory_space<hbm>> -> memref<8x2048xf32, #tpu.memory_space<hbm>>
    tpu.enqueue_dma source(%dma_start3A_156 : memref<8x2048xf32, #tpu.memory_space<hbm>>) target(%arg9 : memref<8x2048xf32, #tpu.memory_space<vmem>>) target_semaphore(%arg15 : memref<!tpu.dma_semaphore, #tpu.memory_space<semaphore_mem>>)
    %dma_start3A_157 = arith.constant 0 : i32
    %dma_start3A_158 = tpu.memref_slice %arg4[%add3A_148, %dma_start3A_157] : memref<2048x2048xf32, #tpu.memory_space<hbm>> -> memref<8x2048xf32, #tpu.memory_space<hbm>>
    %dma_start3A_159 = arith.constant 0 : i32
    %dma_start3A_160 = tpu.memref_slice %arg4[%add3A_148, %dma_start3A_159] : memref<2048x2048xf32, #tpu.memory_space<hbm>> -> memref<8x2048xf32, #tpu.memory_space<hbm>>
    tpu.enqueue_dma source(%dma_start3A_160 : memref<8x2048xf32, #tpu.memory_space<hbm>>) target(%arg11 : memref<8x2048xf32, #tpu.memory_space<vmem>>) target_semaphore(%arg15 : memref<!tpu.dma_semaphore, #tpu.memory_space<semaphore_mem>>)
    %dma_wait3A = arith.constant 0 : i32
    %dma_wait3A_161 = tpu.memref_slice %arg3[%add3A_135, %dma_wait3A] : memref<2048x2048xi32, #tpu.memory_space<hbm>> -> memref<8x2048xi32, #tpu.memory_space<hbm>>
    %dma_wait3A_162 = arith.constant 0 : i32
    %dma_wait3A_163 = tpu.memref_slice %arg3[%add3A_135, %dma_wait3A_162] : memref<2048x2048xi32, #tpu.memory_space<hbm>> -> memref<8x2048xi32, #tpu.memory_space<hbm>>
    tpu.wait_dma2 semaphore(%arg14 : memref<!tpu.dma_semaphore, #tpu.memory_space<semaphore_mem>>) src(%dma_wait3A_163 : memref<8x2048xi32, #tpu.memory_space<hbm>>) dst(%arg6 : memref<8x2048xi32, #tpu.memory_space<vmem>>)
    %dma_wait3A_164 = arith.constant 0 : i32
    %dma_wait3A_165 = tpu.memref_slice %arg2[%add3A_135, %dma_wait3A_164] : memref<2048x2048xf32, #tpu.memory_space<hbm>> -> memref<8x2048xf32, #tpu.memory_space<hbm>>
    %dma_wait3A_166 = arith.constant 0 : i32
    %dma_wait3A_167 = tpu.memref_slice %arg2[%add3A_135, %dma_wait3A_166] : memref<2048x2048xf32, #tpu.memory_space<hbm>> -> memref<8x2048xf32, #tpu.memory_space<hbm>>
    tpu.wait_dma2 semaphore(%arg14 : memref<!tpu.dma_semaphore, #tpu.memory_space<semaphore_mem>>) src(%dma_wait3A_167 : memref<8x2048xf32, #tpu.memory_space<hbm>>) dst(%arg8 : memref<8x2048xf32, #tpu.memory_space<vmem>>)
    %dma_wait3A_168 = arith.constant 0 : i32
    %dma_wait3A_169 = tpu.memref_slice %arg4[%add3A_135, %dma_wait3A_168] : memref<2048x2048xf32, #tpu.memory_space<hbm>> -> memref<8x2048xf32, #tpu.memory_space<hbm>>
    %dma_wait3A_170 = arith.constant 0 : i32
    %dma_wait3A_171 = tpu.memref_slice %arg4[%add3A_135, %dma_wait3A_170] : memref<2048x2048xf32, #tpu.memory_space<hbm>> -> memref<8x2048xf32, #tpu.memory_space<hbm>>
    tpu.wait_dma2 semaphore(%arg14 : memref<!tpu.dma_semaphore, #tpu.memory_space<semaphore_mem>>) src(%dma_wait3A_171 : memref<8x2048xf32, #tpu.memory_space<hbm>>) dst(%arg10 : memref<8x2048xf32, #tpu.memory_space<vmem>>)
    %broadcast_in_dim3A_172 = arith.constant 0.000000e+00 : f32
    %broadcast_in_dim3A_173 = vector.broadcast %broadcast_in_dim3A_172 : f32 to vector<16xf32>
    %parallel_loop3A = arith.constant 0 : i32
    %parallel_loop3A_174 = arith.constant 128 : i32
    %parallel_loop3A_175 = arith.constant 1 : i32
    %parallel_loop3A_176 = scf.for %parallel_loop3A_622 = %parallel_loop3A to %parallel_loop3A_174 step %parallel_loop3A_175 iter_args(%parallel_loop3A_623 = %broadcast_in_dim3A_173) -> (vector<16xf32>)  : i32 {
      %parallel_loop3A_624 = arith.constant 16 : i32
      %parallel_loop3A_625 = arith.muli %parallel_loop3A_622, %parallel_loop3A_624 : i32
      %parallel_loop3A_626 = arith.constant 0 : i32
      %parallel_loop3A_627 = arith.index_cast %parallel_loop3A_626 : i32 to index
      %parallel_loop3A_628 = arith.index_cast %parallel_loop3A_625 : i32 to index
      %parallel_loop3A_629 = tpu.vector_load %arg6[%parallel_loop3A_627, %parallel_loop3A_628] {strides = array<i32>} : memref<8x2048xi32, #tpu.memory_space<vmem>>, vector<16xi32>,
      %parallel_loop3A_630 = arith.constant 1 : i32
      %parallel_loop3A_631 = arith.index_cast %parallel_loop3A_630 : i32 to index
      %parallel_loop3A_632 = arith.index_cast %parallel_loop3A_625 : i32 to index
      %parallel_loop3A_633 = tpu.vector_load %arg6[%parallel_loop3A_631, %parallel_loop3A_632] {strides = array<i32>} : memref<8x2048xi32, #tpu.memory_space<vmem>>, vector<16xi32>,
      %parallel_loop3A_634 = arith.constant 2 : i32
      %parallel_loop3A_635 = arith.index_cast %parallel_loop3A_634 : i32 to index
      %parallel_loop3A_636 = arith.index_cast %parallel_loop3A_625 : i32 to index
      %parallel_loop3A_637 = tpu.vector_load %arg6[%parallel_loop3A_635, %parallel_loop3A_636] {strides = array<i32>} : memref<8x2048xi32, #tpu.memory_space<vmem>>, vector<16xi32>,
      %parallel_loop3A_638 = arith.constant 3 : i32
      %parallel_loop3A_639 = arith.index_cast %parallel_loop3A_638 : i32 to index
      %parallel_loop3A_640 = arith.index_cast %parallel_loop3A_625 : i32 to index
      %parallel_loop3A_641 = tpu.vector_load %arg6[%parallel_loop3A_639, %parallel_loop3A_640] {strides = array<i32>} : memref<8x2048xi32, #tpu.memory_space<vmem>>, vector<16xi32>,
      %parallel_loop3A_642 = arith.constant 4 : i32
      %parallel_loop3A_643 = arith.index_cast %parallel_loop3A_642 : i32 to index
      %parallel_loop3A_644 = arith.index_cast %parallel_loop3A_625 : i32 to index
      %parallel_loop3A_645 = tpu.vector_load %arg6[%parallel_loop3A_643, %parallel_loop3A_644] {strides = array<i32>} : memref<8x2048xi32, #tpu.memory_space<vmem>>, vector<16xi32>,
      %parallel_loop3A_646 = arith.constant 5 : i32
      %parallel_loop3A_647 = arith.index_cast %parallel_loop3A_646 : i32 to index
      %parallel_loop3A_648 = arith.index_cast %parallel_loop3A_625 : i32 to index
      %parallel_loop3A_649 = tpu.vector_load %arg6[%parallel_loop3A_647, %parallel_loop3A_648] {strides = array<i32>} : memref<8x2048xi32, #tpu.memory_space<vmem>>, vector<16xi32>,
      %parallel_loop3A_650 = arith.constant 6 : i32
      %parallel_loop3A_651 = arith.index_cast %parallel_loop3A_650 : i32 to index
      %parallel_loop3A_652 = arith.index_cast %parallel_loop3A_625 : i32 to index
      %parallel_loop3A_653 = tpu.vector_load %arg6[%parallel_loop3A_651, %parallel_loop3A_652] {strides = array<i32>} : memref<8x2048xi32, #tpu.memory_space<vmem>>, vector<16xi32>,
      %parallel_loop3A_654 = arith.constant 7 : i32
      %parallel_loop3A_655 = arith.index_cast %parallel_loop3A_654 : i32 to index
      %parallel_loop3A_656 = arith.index_cast %parallel_loop3A_625 : i32 to index
      %parallel_loop3A_657 = tpu.vector_load %arg6[%parallel_loop3A_655, %parallel_loop3A_656] {strides = array<i32>} : memref<8x2048xi32, #tpu.memory_space<vmem>>, vector<16xi32>,
      %parallel_loop3A_658 = arith.constant 0 : i32
      %parallel_loop3A_659 = arith.index_cast %parallel_loop3A_658 : i32 to index
      %parallel_loop3A_660 = arith.index_cast %parallel_loop3A_625 : i32 to index
      %parallel_loop3A_661 = tpu.vector_load %arg10[%parallel_loop3A_659, %parallel_loop3A_660] {strides = array<i32>} : memref<8x2048xf32, #tpu.memory_space<vmem>>, vector<16xf32>,
      %parallel_loop3A_662 = arith.constant 1 : i32
      %parallel_loop3A_663 = arith.index_cast %parallel_loop3A_662 : i32 to index
      %parallel_loop3A_664 = arith.index_cast %parallel_loop3A_625 : i32 to index
      %parallel_loop3A_665 = tpu.vector_load %arg10[%parallel_loop3A_663, %parallel_loop3A_664] {strides = array<i32>} : memref<8x2048xf32, #tpu.memory_space<vmem>>, vector<16xf32>,
      %parallel_loop3A_666 = arith.constant 2 : i32
      %parallel_loop3A_667 = arith.index_cast %parallel_loop3A_666 : i32 to index
      %parallel_loop3A_668 = arith.index_cast %parallel_loop3A_625 : i32 to index
      %parallel_loop3A_669 = tpu.vector_load %arg10[%parallel_loop3A_667, %parallel_loop3A_668] {strides = array<i32>} : memref<8x2048xf32, #tpu.memory_space<vmem>>, vector<16xf32>,
      %parallel_loop3A_670 = arith.constant 3 : i32
      %parallel_loop3A_671 = arith.index_cast %parallel_loop3A_670 : i32 to index
      %parallel_loop3A_672 = arith.index_cast %parallel_loop3A_625 : i32 to index
      %parallel_loop3A_673 = tpu.vector_load %arg10[%parallel_loop3A_671, %parallel_loop3A_672] {strides = array<i32>} : memref<8x2048xf32, #tpu.memory_space<vmem>>, vector<16xf32>,
      %parallel_loop3A_674 = arith.constant 4 : i32
      %parallel_loop3A_675 = arith.index_cast %parallel_loop3A_674 : i32 to index
      %parallel_loop3A_676 = arith.index_cast %parallel_loop3A_625 : i32 to index
      %parallel_loop3A_677 = tpu.vector_load %arg10[%parallel_loop3A_675, %parallel_loop3A_676] {strides = array<i32>} : memref<8x2048xf32, #tpu.memory_space<vmem>>, vector<16xf32>,
      %parallel_loop3A_678 = arith.constant 5 : i32
      %parallel_loop3A_679 = arith.index_cast %parallel_loop3A_678 : i32 to index
      %parallel_loop3A_680 = arith.index_cast %parallel_loop3A_625 : i32 to index
      %parallel_loop3A_681 = tpu.vector_load %arg10[%parallel_loop3A_679, %parallel_loop3A_680] {strides = array<i32>} : memref<8x2048xf32, #tpu.memory_space<vmem>>, vector<16xf32>,
      %parallel_loop3A_682 = arith.constant 6 : i32
      %parallel_loop3A_683 = arith.index_cast %parallel_loop3A_682 : i32 to index
      %parallel_loop3A_684 = arith.index_cast %parallel_loop3A_625 : i32 to index
      %parallel_loop3A_685 = tpu.vector_load %arg10[%parallel_loop3A_683, %parallel_loop3A_684] {strides = array<i32>} : memref<8x2048xf32, #tpu.memory_space<vmem>>, vector<16xf32>,
      %parallel_loop3A_686 = arith.constant 7 : i32
      %parallel_loop3A_687 = arith.index_cast %parallel_loop3A_686 : i32 to index
      %parallel_loop3A_688 = arith.index_cast %parallel_loop3A_625 : i32 to index
      %parallel_loop3A_689 = tpu.vector_load %arg10[%parallel_loop3A_687, %parallel_loop3A_688] {strides = array<i32>} : memref<8x2048xf32, #tpu.memory_space<vmem>>, vector<16xf32>,
      %parallel_loop3A_690 = arith.constant 0 : i32
      %parallel_loop3A_691 = arith.index_cast %parallel_loop3A_690 : i32 to index
      %parallel_loop3A_692 = arith.index_cast %parallel_loop3A_625 : i32 to index
      %parallel_loop3A_693 = tpu.vector_load %arg8[%parallel_loop3A_691, %parallel_loop3A_692] {strides = array<i32>} : memref<8x2048xf32, #tpu.memory_space<vmem>>, vector<16xf32>,
      %parallel_loop3A_694 = arith.constant 1 : i32
      %parallel_loop3A_695 = arith.index_cast %parallel_loop3A_694 : i32 to index
      %parallel_loop3A_696 = arith.index_cast %parallel_loop3A_625 : i32 to index
      %parallel_loop3A_697 = tpu.vector_load %arg8[%parallel_loop3A_695, %parallel_loop3A_696] {strides = array<i32>} : memref<8x2048xf32, #tpu.memory_space<vmem>>, vector<16xf32>,
      %parallel_loop3A_698 = arith.constant 2 : i32
      %parallel_loop3A_699 = arith.index_cast %parallel_loop3A_698 : i32 to index
      %parallel_loop3A_700 = arith.index_cast %parallel_loop3A_625 : i32 to index
      %parallel_loop3A_701 = tpu.vector_load %arg8[%parallel_loop3A_699, %parallel_loop3A_700] {strides = array<i32>} : memref<8x2048xf32, #tpu.memory_space<vmem>>, vector<16xf32>,
      %parallel_loop3A_702 = arith.constant 3 : i32
      %parallel_loop3A_703 = arith.index_cast %parallel_loop3A_702 : i32 to index
      %parallel_loop3A_704 = arith.index_cast %parallel_loop3A_625 : i32 to index
      %parallel_loop3A_705 = tpu.vector_load %arg8[%parallel_loop3A_703, %parallel_loop3A_704] {strides = array<i32>} : memref<8x2048xf32, #tpu.memory_space<vmem>>, vector<16xf32>,
      %parallel_loop3A_706 = arith.constant 4 : i32
      %parallel_loop3A_707 = arith.index_cast %parallel_loop3A_706 : i32 to index
      %parallel_loop3A_708 = arith.index_cast %parallel_loop3A_625 : i32 to index
      %parallel_loop3A_709 = tpu.vector_load %arg8[%parallel_loop3A_707, %parallel_loop3A_708] {strides = array<i32>} : memref<8x2048xf32, #tpu.memory_space<vmem>>, vector<16xf32>,
      %parallel_loop3A_710 = arith.constant 5 : i32
      %parallel_loop3A_711 = arith.index_cast %parallel_loop3A_710 : i32 to index
      %parallel_loop3A_712 = arith.index_cast %parallel_loop3A_625 : i32 to index
      %parallel_loop3A_713 = tpu.vector_load %arg8[%parallel_loop3A_711, %parallel_loop3A_712] {strides = array<i32>} : memref<8x2048xf32, #tpu.memory_space<vmem>>, vector<16xf32>,
      %parallel_loop3A_714 = arith.constant 6 : i32
      %parallel_loop3A_715 = arith.index_cast %parallel_loop3A_714 : i32 to index
      %parallel_loop3A_716 = arith.index_cast %parallel_loop3A_625 : i32 to index
      %parallel_loop3A_717 = tpu.vector_load %arg8[%parallel_loop3A_715, %parallel_loop3A_716] {strides = array<i32>} : memref<8x2048xf32, #tpu.memory_space<vmem>>, vector<16xf32>,
      %parallel_loop3A_718 = arith.constant 7 : i32
      %parallel_loop3A_719 = arith.index_cast %parallel_loop3A_718 : i32 to index
      %parallel_loop3A_720 = arith.index_cast %parallel_loop3A_625 : i32 to index
      %parallel_loop3A_721 = tpu.vector_load %arg8[%parallel_loop3A_719, %parallel_loop3A_720] {strides = array<i32>} : memref<8x2048xf32, #tpu.memory_space<vmem>>, vector<16xf32>,
      %parallel_loop3A_722 = arith.addi %mul3A_133, %parallel_loop3A_629 : vector<16xi32>
      %parallel_loop3A_723 = arith.subf %parallel_loop3A_661, %parallel_loop3A_693 : vector<16xf32>
      tpu.vector_store_idx %arg12[%parallel_loop3A_722], %parallel_loop3A_723 {add = true} : memref<1024xf32, #tpu.memory_space<vmem>>[vector<16xi32>], vector<16xf32>,
      %parallel_loop3A_724 = arith.addi %mul3A_133, %parallel_loop3A_633 : vector<16xi32>
      %parallel_loop3A_725 = arith.subf %parallel_loop3A_665, %parallel_loop3A_697 : vector<16xf32>
      tpu.vector_store_idx %arg12[%parallel_loop3A_724], %parallel_loop3A_725 {add = true} : memref<1024xf32, #tpu.memory_space<vmem>>[vector<16xi32>], vector<16xf32>,
      %parallel_loop3A_726 = arith.addi %mul3A_133, %parallel_loop3A_637 : vector<16xi32>
      %parallel_loop3A_727 = arith.subf %parallel_loop3A_669, %parallel_loop3A_701 : vector<16xf32>
      tpu.vector_store_idx %arg12[%parallel_loop3A_726], %parallel_loop3A_727 {add = true} : memref<1024xf32, #tpu.memory_space<vmem>>[vector<16xi32>], vector<16xf32>,
      %parallel_loop3A_728 = arith.addi %mul3A_133, %parallel_loop3A_641 : vector<16xi32>
      %parallel_loop3A_729 = arith.subf %parallel_loop3A_673, %parallel_loop3A_705 : vector<16xf32>
      tpu.vector_store_idx %arg12[%parallel_loop3A_728], %parallel_loop3A_729 {add = true} : memref<1024xf32, #tpu.memory_space<vmem>>[vector<16xi32>], vector<16xf32>,
      %parallel_loop3A_730 = arith.addi %mul3A_133, %parallel_loop3A_645 : vector<16xi32>
      %parallel_loop3A_731 = arith.subf %parallel_loop3A_677, %parallel_loop3A_709 : vector<16xf32>
      tpu.vector_store_idx %arg12[%parallel_loop3A_730], %parallel_loop3A_731 {add = true} : memref<1024xf32, #tpu.memory_space<vmem>>[vector<16xi32>], vector<16xf32>,
      %parallel_loop3A_732 = arith.addi %mul3A_133, %parallel_loop3A_649 : vector<16xi32>
      %parallel_loop3A_733 = arith.subf %parallel_loop3A_681, %parallel_loop3A_713 : vector<16xf32>
      tpu.vector_store_idx %arg12[%parallel_loop3A_732], %parallel_loop3A_733 {add = true} : memref<1024xf32, #tpu.memory_space<vmem>>[vector<16xi32>], vector<16xf32>,
      %parallel_loop3A_734 = arith.addi %mul3A_133, %parallel_loop3A_653 : vector<16xi32>
      %parallel_loop3A_735 = arith.subf %parallel_loop3A_685, %parallel_loop3A_717 : vector<16xf32>
      tpu.vector_store_idx %arg12[%parallel_loop3A_734], %parallel_loop3A_735 {add = true} : memref<1024xf32, #tpu.memory_space<vmem>>[vector<16xi32>], vector<16xf32>,
      %parallel_loop3A_736 = arith.addi %mul3A_133, %parallel_loop3A_657 : vector<16xi32>
      %parallel_loop3A_737 = arith.subf %parallel_loop3A_689, %parallel_loop3A_721 : vector<16xf32>
      tpu.vector_store_idx %arg12[%parallel_loop3A_736], %parallel_loop3A_737 {add = true} : memref<1024xf32, #tpu.memory_space<vmem>>[vector<16xi32>], vector<16xf32>,
      %parallel_loop3A_738 = arith.addf %parallel_loop3A_623, %parallel_loop3A_661 : vector<16xf32>
      scf.yield %parallel_loop3A_738 : vector<16xf32>
    } {sc.loop_unroll_factor = 2 : i64, sc.parallel_access}
    %mul3A_177 = arith.constant 0.000000e+00 : f32
    %mul3A_178 = vector.broadcast %mul3A_177 : f32 to vector<16xf32>
    %mul3A_179 = arith.mulf %parallel_loop3A_176, %mul3A_178 : vector<16xf32>
    %swap3A_180 = arith.constant 0 : index
    %swap3A_181 = tpu.vector_load %arg12[%swap3A_180] {strides = array<i32>} : memref<1024xf32, #tpu.memory_space<vmem>>, vector<16xf32>,
    tpu.vector_store %arg12[%swap3A_180], %mul3A_179 {add = true, strides = array<i32>} : memref<1024xf32, #tpu.memory_space<vmem>>, vector<16xf32>,
    %add3A_182 = arith.constant 16 : i32
    %add3A_183 = arith.addi %mul3A_2, %add3A_182 : i32
    %dma_start3A_184 = arith.constant 0 : i32
    %dma_start3A_185 = tpu.memref_slice %arg3[%add3A_183, %dma_start3A_184] : memref<2048x2048xi32, #tpu.memory_space<hbm>> -> memref<8x2048xi32, #tpu.memory_space<hbm>>
    %dma_start3A_186 = arith.constant 0 : i32
    %dma_start3A_187 = tpu.memref_slice %arg3[%add3A_183, %dma_start3A_186] : memref<2048x2048xi32, #tpu.memory_space<hbm>> -> memref<8x2048xi32, #tpu.memory_space<hbm>>
    tpu.enqueue_dma source(%dma_start3A_187 : memref<8x2048xi32, #tpu.memory_space<hbm>>) target(%arg6 : memref<8x2048xi32, #tpu.memory_space<vmem>>) target_semaphore(%arg14 : memref<!tpu.dma_semaphore, #tpu.memory_space<semaphore_mem>>)
    %dma_start3A_188 = arith.constant 0 : i32
    %dma_start3A_189 = tpu.memref_slice %arg2[%add3A_183, %dma_start3A_188] : memref<2048x2048xf32, #tpu.memory_space<hbm>> -> memref<8x2048xf32, #tpu.memory_space<hbm>>
    %dma_start3A_190 = arith.constant 0 : i32
    %dma_start3A_191 = tpu.memref_slice %arg2[%add3A_183, %dma_start3A_190] : memref<2048x2048xf32, #tpu.memory_space<hbm>> -> memref<8x2048xf32, #tpu.memory_space<hbm>>
    tpu.enqueue_dma source(%dma_start3A_191 : memref<8x2048xf32, #tpu.memory_space<hbm>>) target(%arg8 : memref<8x2048xf32, #tpu.memory_space<vmem>>) target_semaphore(%arg14 : memref<!tpu.dma_semaphore, #tpu.memory_space<semaphore_mem>>)
    %dma_start3A_192 = arith.constant 0 : i32
    %dma_start3A_193 = tpu.memref_slice %arg4[%add3A_183, %dma_start3A_192] : memref<2048x2048xf32, #tpu.memory_space<hbm>> -> memref<8x2048xf32, #tpu.memory_space<hbm>>
    %dma_start3A_194 = arith.constant 0 : i32
    %dma_start3A_195 = tpu.memref_slice %arg4[%add3A_183, %dma_start3A_194] : memref<2048x2048xf32, #tpu.memory_space<hbm>> -> memref<8x2048xf32, #tpu.memory_space<hbm>>
    tpu.enqueue_dma source(%dma_start3A_195 : memref<8x2048xf32, #tpu.memory_space<hbm>>) target(%arg10 : memref<8x2048xf32, #tpu.memory_space<vmem>>) target_semaphore(%arg14 : memref<!tpu.dma_semaphore, #tpu.memory_space<semaphore_mem>>)
    %dma_wait3A_196 = arith.constant 0 : i32
    %dma_wait3A_197 = tpu.memref_slice %arg3[%add3A_148, %dma_wait3A_196] : memref<2048x2048xi32, #tpu.memory_space<hbm>> -> memref<8x2048xi32, #tpu.memory_space<hbm>>
    %dma_wait3A_198 = arith.constant 0 : i32
    %dma_wait3A_199 = tpu.memref_slice %arg3[%add3A_148, %dma_wait3A_198] : memref<2048x2048xi32, #tpu.memory_space<hbm>> -> memref<8x2048xi32, #tpu.memory_space<hbm>>
    tpu.wait_dma2 semaphore(%arg15 : memref<!tpu.dma_semaphore, #tpu.memory_space<semaphore_mem>>) src(%dma_wait3A_199 : memref<8x2048xi32, #tpu.memory_space<hbm>>) dst(%arg7 : memref<8x2048xi32, #tpu.memory_space<vmem>>)
    %dma_wait3A_200 = arith.constant 0 : i32
    %dma_wait3A_201 = tpu.memref_slice %arg2[%add3A_148, %dma_wait3A_200] : memref<2048x2048xf32, #tpu.memory_space<hbm>> -> memref<8x2048xf32, #tpu.memory_space<hbm>>
    %dma_wait3A_202 = arith.constant 0 : i32
    %dma_wait3A_203 = tpu.memref_slice %arg2[%add3A_148, %dma_wait3A_202] : memref<2048x2048xf32, #tpu.memory_space<hbm>> -> memref<8x2048xf32, #tpu.memory_space<hbm>>
    tpu.wait_dma2 semaphore(%arg15 : memref<!tpu.dma_semaphore, #tpu.memory_space<semaphore_mem>>) src(%dma_wait3A_203 : memref<8x2048xf32, #tpu.memory_space<hbm>>) dst(%arg9 : memref<8x2048xf32, #tpu.memory_space<vmem>>)
    %dma_wait3A_204 = arith.constant 0 : i32
    %dma_wait3A_205 = tpu.memref_slice %arg4[%add3A_148, %dma_wait3A_204] : memref<2048x2048xf32, #tpu.memory_space<hbm>> -> memref<8x2048xf32, #tpu.memory_space<hbm>>
    %dma_wait3A_206 = arith.constant 0 : i32
    %dma_wait3A_207 = tpu.memref_slice %arg4[%add3A_148, %dma_wait3A_206] : memref<2048x2048xf32, #tpu.memory_space<hbm>> -> memref<8x2048xf32, #tpu.memory_space<hbm>>
    tpu.wait_dma2 semaphore(%arg15 : memref<!tpu.dma_semaphore, #tpu.memory_space<semaphore_mem>>) src(%dma_wait3A_207 : memref<8x2048xf32, #tpu.memory_space<hbm>>) dst(%arg11 : memref<8x2048xf32, #tpu.memory_space<vmem>>)
    %broadcast_in_dim3A_208 = arith.constant 0.000000e+00 : f32
    %broadcast_in_dim3A_209 = vector.broadcast %broadcast_in_dim3A_208 : f32 to vector<16xf32>
    %parallel_loop3A_210 = arith.constant 0 : i32
    %parallel_loop3A_211 = arith.constant 128 : i32
    %parallel_loop3A_212 = arith.constant 1 : i32
    %parallel_loop3A_213 = scf.for %parallel_loop3A_622 = %parallel_loop3A_210 to %parallel_loop3A_211 step %parallel_loop3A_212 iter_args(%parallel_loop3A_623 = %broadcast_in_dim3A_209) -> (vector<16xf32>)  : i32 {
      %parallel_loop3A_624 = arith.constant 16 : i32
      %parallel_loop3A_625 = arith.muli %parallel_loop3A_622, %parallel_loop3A_624 : i32
      %parallel_loop3A_626 = arith.constant 0 : i32
      %parallel_loop3A_627 = arith.index_cast %parallel_loop3A_626 : i32 to index
      %parallel_loop3A_628 = arith.index_cast %parallel_loop3A_625 : i32 to index
      %parallel_loop3A_629 = tpu.vector_load %arg7[%parallel_loop3A_627, %parallel_loop3A_628] {strides = array<i32>} : memref<8x2048xi32, #tpu.memory_space<vmem>>, vector<16xi32>,
      %parallel_loop3A_630 = arith.constant 1 : i32
      %parallel_loop3A_631 = arith.index_cast %parallel_loop3A_630 : i32 to index
      %parallel_loop3A_632 = arith.index_cast %parallel_loop3A_625 : i32 to index
      %parallel_loop3A_633 = tpu.vector_load %arg7[%parallel_loop3A_631, %parallel_loop3A_632] {strides = array<i32>} : memref<8x2048xi32, #tpu.memory_space<vmem>>, vector<16xi32>,
      %parallel_loop3A_634 = arith.constant 2 : i32
      %parallel_loop3A_635 = arith.index_cast %parallel_loop3A_634 : i32 to index
      %parallel_loop3A_636 = arith.index_cast %parallel_loop3A_625 : i32 to index
      %parallel_loop3A_637 = tpu.vector_load %arg7[%parallel_loop3A_635, %parallel_loop3A_636] {strides = array<i32>} : memref<8x2048xi32, #tpu.memory_space<vmem>>, vector<16xi32>,
      %parallel_loop3A_638 = arith.constant 3 : i32
      %parallel_loop3A_639 = arith.index_cast %parallel_loop3A_638 : i32 to index
      %parallel_loop3A_640 = arith.index_cast %parallel_loop3A_625 : i32 to index
      %parallel_loop3A_641 = tpu.vector_load %arg7[%parallel_loop3A_639, %parallel_loop3A_640] {strides = array<i32>} : memref<8x2048xi32, #tpu.memory_space<vmem>>, vector<16xi32>,
      %parallel_loop3A_642 = arith.constant 4 : i32
      %parallel_loop3A_643 = arith.index_cast %parallel_loop3A_642 : i32 to index
      %parallel_loop3A_644 = arith.index_cast %parallel_loop3A_625 : i32 to index
      %parallel_loop3A_645 = tpu.vector_load %arg7[%parallel_loop3A_643, %parallel_loop3A_644] {strides = array<i32>} : memref<8x2048xi32, #tpu.memory_space<vmem>>, vector<16xi32>,
      %parallel_loop3A_646 = arith.constant 5 : i32
      %parallel_loop3A_647 = arith.index_cast %parallel_loop3A_646 : i32 to index
      %parallel_loop3A_648 = arith.index_cast %parallel_loop3A_625 : i32 to index
      %parallel_loop3A_649 = tpu.vector_load %arg7[%parallel_loop3A_647, %parallel_loop3A_648] {strides = array<i32>} : memref<8x2048xi32, #tpu.memory_space<vmem>>, vector<16xi32>,
      %parallel_loop3A_650 = arith.constant 6 : i32
      %parallel_loop3A_651 = arith.index_cast %parallel_loop3A_650 : i32 to index
      %parallel_loop3A_652 = arith.index_cast %parallel_loop3A_625 : i32 to index
      %parallel_loop3A_653 = tpu.vector_load %arg7[%parallel_loop3A_651, %parallel_loop3A_652] {strides = array<i32>} : memref<8x2048xi32, #tpu.memory_space<vmem>>, vector<16xi32>,
      %parallel_loop3A_654 = arith.constant 7 : i32
      %parallel_loop3A_655 = arith.index_cast %parallel_loop3A_654 : i32 to index
      %parallel_loop3A_656 = arith.index_cast %parallel_loop3A_625 : i32 to index
      %parallel_loop3A_657 = tpu.vector_load %arg7[%parallel_loop3A_655, %parallel_loop3A_656] {strides = array<i32>} : memref<8x2048xi32, #tpu.memory_space<vmem>>, vector<16xi32>,
      %parallel_loop3A_658 = arith.constant 0 : i32
      %parallel_loop3A_659 = arith.index_cast %parallel_loop3A_658 : i32 to index
      %parallel_loop3A_660 = arith.index_cast %parallel_loop3A_625 : i32 to index
      %parallel_loop3A_661 = tpu.vector_load %arg11[%parallel_loop3A_659, %parallel_loop3A_660] {strides = array<i32>} : memref<8x2048xf32, #tpu.memory_space<vmem>>, vector<16xf32>,
      %parallel_loop3A_662 = arith.constant 1 : i32
      %parallel_loop3A_663 = arith.index_cast %parallel_loop3A_662 : i32 to index
      %parallel_loop3A_664 = arith.index_cast %parallel_loop3A_625 : i32 to index
      %parallel_loop3A_665 = tpu.vector_load %arg11[%parallel_loop3A_663, %parallel_loop3A_664] {strides = array<i32>} : memref<8x2048xf32, #tpu.memory_space<vmem>>, vector<16xf32>,
      %parallel_loop3A_666 = arith.constant 2 : i32
      %parallel_loop3A_667 = arith.index_cast %parallel_loop3A_666 : i32 to index
      %parallel_loop3A_668 = arith.index_cast %parallel_loop3A_625 : i32 to index
      %parallel_loop3A_669 = tpu.vector_load %arg11[%parallel_loop3A_667, %parallel_loop3A_668] {strides = array<i32>} : memref<8x2048xf32, #tpu.memory_space<vmem>>, vector<16xf32>,
      %parallel_loop3A_670 = arith.constant 3 : i32
      %parallel_loop3A_671 = arith.index_cast %parallel_loop3A_670 : i32 to index
      %parallel_loop3A_672 = arith.index_cast %parallel_loop3A_625 : i32 to index
      %parallel_loop3A_673 = tpu.vector_load %arg11[%parallel_loop3A_671, %parallel_loop3A_672] {strides = array<i32>} : memref<8x2048xf32, #tpu.memory_space<vmem>>, vector<16xf32>,
      %parallel_loop3A_674 = arith.constant 4 : i32
      %parallel_loop3A_675 = arith.index_cast %parallel_loop3A_674 : i32 to index
      %parallel_loop3A_676 = arith.index_cast %parallel_loop3A_625 : i32 to index
      %parallel_loop3A_677 = tpu.vector_load %arg11[%parallel_loop3A_675, %parallel_loop3A_676] {strides = array<i32>} : memref<8x2048xf32, #tpu.memory_space<vmem>>, vector<16xf32>,
      %parallel_loop3A_678 = arith.constant 5 : i32
      %parallel_loop3A_679 = arith.index_cast %parallel_loop3A_678 : i32 to index
      %parallel_loop3A_680 = arith.index_cast %parallel_loop3A_625 : i32 to index
      %parallel_loop3A_681 = tpu.vector_load %arg11[%parallel_loop3A_679, %parallel_loop3A_680] {strides = array<i32>} : memref<8x2048xf32, #tpu.memory_space<vmem>>, vector<16xf32>,
      %parallel_loop3A_682 = arith.constant 6 : i32
      %parallel_loop3A_683 = arith.index_cast %parallel_loop3A_682 : i32 to index
      %parallel_loop3A_684 = arith.index_cast %parallel_loop3A_625 : i32 to index
      %parallel_loop3A_685 = tpu.vector_load %arg11[%parallel_loop3A_683, %parallel_loop3A_684] {strides = array<i32>} : memref<8x2048xf32, #tpu.memory_space<vmem>>, vector<16xf32>,
      %parallel_loop3A_686 = arith.constant 7 : i32
      %parallel_loop3A_687 = arith.index_cast %parallel_loop3A_686 : i32 to index
      %parallel_loop3A_688 = arith.index_cast %parallel_loop3A_625 : i32 to index
      %parallel_loop3A_689 = tpu.vector_load %arg11[%parallel_loop3A_687, %parallel_loop3A_688] {strides = array<i32>} : memref<8x2048xf32, #tpu.memory_space<vmem>>, vector<16xf32>,
      %parallel_loop3A_690 = arith.constant 0 : i32
      %parallel_loop3A_691 = arith.index_cast %parallel_loop3A_690 : i32 to index
      %parallel_loop3A_692 = arith.index_cast %parallel_loop3A_625 : i32 to index
      %parallel_loop3A_693 = tpu.vector_load %arg9[%parallel_loop3A_691, %parallel_loop3A_692] {strides = array<i32>} : memref<8x2048xf32, #tpu.memory_space<vmem>>, vector<16xf32>,
      %parallel_loop3A_694 = arith.constant 1 : i32
      %parallel_loop3A_695 = arith.index_cast %parallel_loop3A_694 : i32 to index
      %parallel_loop3A_696 = arith.index_cast %parallel_loop3A_625 : i32 to index
      %parallel_loop3A_697 = tpu.vector_load %arg9[%parallel_loop3A_695, %parallel_loop3A_696] {strides = array<i32>} : memref<8x2048xf32, #tpu.memory_space<vmem>>, vector<16xf32>,
      %parallel_loop3A_698 = arith.constant 2 : i32
      %parallel_loop3A_699 = arith.index_cast %parallel_loop3A_698 : i32 to index
      %parallel_loop3A_700 = arith.index_cast %parallel_loop3A_625 : i32 to index
      %parallel_loop3A_701 = tpu.vector_load %arg9[%parallel_loop3A_699, %parallel_loop3A_700] {strides = array<i32>} : memref<8x2048xf32, #tpu.memory_space<vmem>>, vector<16xf32>,
      %parallel_loop3A_702 = arith.constant 3 : i32
      %parallel_loop3A_703 = arith.index_cast %parallel_loop3A_702 : i32 to index
      %parallel_loop3A_704 = arith.index_cast %parallel_loop3A_625 : i32 to index
      %parallel_loop3A_705 = tpu.vector_load %arg9[%parallel_loop3A_703, %parallel_loop3A_704] {strides = array<i32>} : memref<8x2048xf32, #tpu.memory_space<vmem>>, vector<16xf32>,
      %parallel_loop3A_706 = arith.constant 4 : i32
      %parallel_loop3A_707 = arith.index_cast %parallel_loop3A_706 : i32 to index
      %parallel_loop3A_708 = arith.index_cast %parallel_loop3A_625 : i32 to index
      %parallel_loop3A_709 = tpu.vector_load %arg9[%parallel_loop3A_707, %parallel_loop3A_708] {strides = array<i32>} : memref<8x2048xf32, #tpu.memory_space<vmem>>, vector<16xf32>,
      %parallel_loop3A_710 = arith.constant 5 : i32
      %parallel_loop3A_711 = arith.index_cast %parallel_loop3A_710 : i32 to index
      %parallel_loop3A_712 = arith.index_cast %parallel_loop3A_625 : i32 to index
      %parallel_loop3A_713 = tpu.vector_load %arg9[%parallel_loop3A_711, %parallel_loop3A_712] {strides = array<i32>} : memref<8x2048xf32, #tpu.memory_space<vmem>>, vector<16xf32>,
      %parallel_loop3A_714 = arith.constant 6 : i32
      %parallel_loop3A_715 = arith.index_cast %parallel_loop3A_714 : i32 to index
      %parallel_loop3A_716 = arith.index_cast %parallel_loop3A_625 : i32 to index
      %parallel_loop3A_717 = tpu.vector_load %arg9[%parallel_loop3A_715, %parallel_loop3A_716] {strides = array<i32>} : memref<8x2048xf32, #tpu.memory_space<vmem>>, vector<16xf32>,
      %parallel_loop3A_718 = arith.constant 7 : i32
      %parallel_loop3A_719 = arith.index_cast %parallel_loop3A_718 : i32 to index
      %parallel_loop3A_720 = arith.index_cast %parallel_loop3A_625 : i32 to index
      %parallel_loop3A_721 = tpu.vector_load %arg9[%parallel_loop3A_719, %parallel_loop3A_720] {strides = array<i32>} : memref<8x2048xf32, #tpu.memory_space<vmem>>, vector<16xf32>,
      %parallel_loop3A_722 = arith.addi %mul3A_133, %parallel_loop3A_629 : vector<16xi32>
      %parallel_loop3A_723 = arith.subf %parallel_loop3A_661, %parallel_loop3A_693 : vector<16xf32>
      tpu.vector_store_idx %arg12[%parallel_loop3A_722], %parallel_loop3A_723 {add = true} : memref<1024xf32, #tpu.memory_space<vmem>>[vector<16xi32>], vector<16xf32>,
      %parallel_loop3A_724 = arith.addi %mul3A_133, %parallel_loop3A_633 : vector<16xi32>
      %parallel_loop3A_725 = arith.subf %parallel_loop3A_665, %parallel_loop3A_697 : vector<16xf32>
      tpu.vector_store_idx %arg12[%parallel_loop3A_724], %parallel_loop3A_725 {add = true} : memref<1024xf32, #tpu.memory_space<vmem>>[vector<16xi32>], vector<16xf32>,
      %parallel_loop3A_726 = arith.addi %mul3A_133, %parallel_loop3A_637 : vector<16xi32>
      %parallel_loop3A_727 = arith.subf %parallel_loop3A_669, %parallel_loop3A_701 : vector<16xf32>
      tpu.vector_store_idx %arg12[%parallel_loop3A_726], %parallel_loop3A_727 {add = true} : memref<1024xf32, #tpu.memory_space<vmem>>[vector<16xi32>], vector<16xf32>,
      %parallel_loop3A_728 = arith.addi %mul3A_133, %parallel_loop3A_641 : vector<16xi32>
      %parallel_loop3A_729 = arith.subf %parallel_loop3A_673, %parallel_loop3A_705 : vector<16xf32>
      tpu.vector_store_idx %arg12[%parallel_loop3A_728], %parallel_loop3A_729 {add = true} : memref<1024xf32, #tpu.memory_space<vmem>>[vector<16xi32>], vector<16xf32>,
      %parallel_loop3A_730 = arith.addi %mul3A_133, %parallel_loop3A_645 : vector<16xi32>
      %parallel_loop3A_731 = arith.subf %parallel_loop3A_677, %parallel_loop3A_709 : vector<16xf32>
      tpu.vector_store_idx %arg12[%parallel_loop3A_730], %parallel_loop3A_731 {add = true} : memref<1024xf32, #tpu.memory_space<vmem>>[vector<16xi32>], vector<16xf32>,
      %parallel_loop3A_732 = arith.addi %mul3A_133, %parallel_loop3A_649 : vector<16xi32>
      %parallel_loop3A_733 = arith.subf %parallel_loop3A_681, %parallel_loop3A_713 : vector<16xf32>
      tpu.vector_store_idx %arg12[%parallel_loop3A_732], %parallel_loop3A_733 {add = true} : memref<1024xf32, #tpu.memory_space<vmem>>[vector<16xi32>], vector<16xf32>,
      %parallel_loop3A_734 = arith.addi %mul3A_133, %parallel_loop3A_653 : vector<16xi32>
      %parallel_loop3A_735 = arith.subf %parallel_loop3A_685, %parallel_loop3A_717 : vector<16xf32>
      tpu.vector_store_idx %arg12[%parallel_loop3A_734], %parallel_loop3A_735 {add = true} : memref<1024xf32, #tpu.memory_space<vmem>>[vector<16xi32>], vector<16xf32>,
      %parallel_loop3A_736 = arith.addi %mul3A_133, %parallel_loop3A_657 : vector<16xi32>
      %parallel_loop3A_737 = arith.subf %parallel_loop3A_689, %parallel_loop3A_721 : vector<16xf32>
      tpu.vector_store_idx %arg12[%parallel_loop3A_736], %parallel_loop3A_737 {add = true} : memref<1024xf32, #tpu.memory_space<vmem>>[vector<16xi32>], vector<16xf32>,
      %parallel_loop3A_738 = arith.addf %parallel_loop3A_623, %parallel_loop3A_661 : vector<16xf32>
      scf.yield %parallel_loop3A_738 : vector<16xf32>
    } {sc.loop_unroll_factor = 2 : i64, sc.parallel_access}
    %mul3A_214 = arith.constant 0.000000e+00 : f32
    %mul3A_215 = vector.broadcast %mul3A_214 : f32 to vector<16xf32>
    %mul3A_216 = arith.mulf %parallel_loop3A_213, %mul3A_215 : vector<16xf32>
    %swap3A_217 = arith.constant 0 : index
    %swap3A_218 = tpu.vector_load %arg12[%swap3A_217] {strides = array<i32>} : memref<1024xf32, #tpu.memory_space<vmem>>, vector<16xf32>,
    tpu.vector_store %arg12[%swap3A_217], %mul3A_216 {add = true, strides = array<i32>} : memref<1024xf32, #tpu.memory_space<vmem>>, vector<16xf32>,
    %add3A_219 = arith.constant 24 : i32
    %add3A_220 = arith.addi %mul3A_2, %add3A_219 : i32
    %dma_start3A_221 = arith.constant 0 : i32
    %dma_start3A_222 = tpu.memref_slice %arg3[%add3A_220, %dma_start3A_221] : memref<2048x2048xi32, #tpu.memory_space<hbm>> -> memref<8x2048xi32, #tpu.memory_space<hbm>>
    %dma_start3A_223 = arith.constant 0 : i32
    %dma_start3A_224 = tpu.memref_slice %arg3[%add3A_220, %dma_start3A_223] : memref<2048x2048xi32, #tpu.memory_space<hbm>> -> memref<8x2048xi32, #tpu.memory_space<hbm>>
    tpu.enqueue_dma source(%dma_start3A_224 : memref<8x2048xi32, #tpu.memory_space<hbm>>) target(%arg7 : memref<8x2048xi32, #tpu.memory_space<vmem>>) target_semaphore(%arg15 : memref<!tpu.dma_semaphore, #tpu.memory_space<semaphore_mem>>)
    %dma_start3A_225 = arith.constant 0 : i32
    %dma_start3A_226 = tpu.memref_slice %arg2[%add3A_220, %dma_start3A_225] : memref<2048x2048xf32, #tpu.memory_space<hbm>> -> memref<8x2048xf32, #tpu.memory_space<hbm>>
    %dma_start3A_227 = arith.constant 0 : i32
    %dma_start3A_228 = tpu.memref_slice %arg2[%add3A_220, %dma_start3A_227] : memref<2048x2048xf32, #tpu.memory_space<hbm>> -> memref<8x2048xf32, #tpu.memory_space<hbm>>
    tpu.enqueue_dma source(%dma_start3A_228 : memref<8x2048xf32, #tpu.memory_space<hbm>>) target(%arg9 : memref<8x2048xf32, #tpu.memory_space<vmem>>) target_semaphore(%arg15 : memref<!tpu.dma_semaphore, #tpu.memory_space<semaphore_mem>>)
    %dma_start3A_229 = arith.constant 0 : i32
    %dma_start3A_230 = tpu.memref_slice %arg4[%add3A_220, %dma_start3A_229] : memref<2048x2048xf32, #tpu.memory_space<hbm>> -> memref<8x2048xf32, #tpu.memory_space<hbm>>
    %dma_start3A_231 = arith.constant 0 : i32
    %dma_start3A_232 = tpu.memref_slice %arg4[%add3A_220, %dma_start3A_231] : memref<2048x2048xf32, #tpu.memory_space<hbm>> -> memref<8x2048xf32, #tpu.memory_space<hbm>>
    tpu.enqueue_dma source(%dma_start3A_232 : memref<8x2048xf32, #tpu.memory_space<hbm>>) target(%arg11 : memref<8x2048xf32, #tpu.memory_space<vmem>>) target_semaphore(%arg15 : memref<!tpu.dma_semaphore, #tpu.memory_space<semaphore_mem>>)
    %dma_wait3A_233 = arith.constant 0 : i32
    %dma_wait3A_234 = tpu.memref_slice %arg3[%add3A_183, %dma_wait3A_233] : memref<2048x2048xi32, #tpu.memory_space<hbm>> -> memref<8x2048xi32, #tpu.memory_space<hbm>>
    %dma_wait3A_235 = arith.constant 0 : i32
    %dma_wait3A_236 = tpu.memref_slice %arg3[%add3A_183, %dma_wait3A_235] : memref<2048x2048xi32, #tpu.memory_space<hbm>> -> memref<8x2048xi32, #tpu.memory_space<hbm>>
    tpu.wait_dma2 semaphore(%arg14 : memref<!tpu.dma_semaphore, #tpu.memory_space<semaphore_mem>>) src(%dma_wait3A_236 : memref<8x2048xi32, #tpu.memory_space<hbm>>) dst(%arg6 : memref<8x2048xi32, #tpu.memory_space<vmem>>)
    %dma_wait3A_237 = arith.constant 0 : i32
    %dma_wait3A_238 = tpu.memref_slice %arg2[%add3A_183, %dma_wait3A_237] : memref<2048x2048xf32, #tpu.memory_space<hbm>> -> memref<8x2048xf32, #tpu.memory_space<hbm>>
    %dma_wait3A_239 = arith.constant 0 : i32
    %dma_wait3A_240 = tpu.memref_slice %arg2[%add3A_183, %dma_wait3A_239] : memref<2048x2048xf32, #tpu.memory_space<hbm>> -> memref<8x2048xf32, #tpu.memory_space<hbm>>
    tpu.wait_dma2 semaphore(%arg14 : memref<!tpu.dma_semaphore, #tpu.memory_space<semaphore_mem>>) src(%dma_wait3A_240 : memref<8x2048xf32, #tpu.memory_space<hbm>>) dst(%arg8 : memref<8x2048xf32, #tpu.memory_space<vmem>>)
    %dma_wait3A_241 = arith.constant 0 : i32
    %dma_wait3A_242 = tpu.memref_slice %arg4[%add3A_183, %dma_wait3A_241] : memref<2048x2048xf32, #tpu.memory_space<hbm>> -> memref<8x2048xf32, #tpu.memory_space<hbm>>
    %dma_wait3A_243 = arith.constant 0 : i32
    %dma_wait3A_244 = tpu.memref_slice %arg4[%add3A_183, %dma_wait3A_243] : memref<2048x2048xf32, #tpu.memory_space<hbm>> -> memref<8x2048xf32, #tpu.memory_space<hbm>>
    tpu.wait_dma2 semaphore(%arg14 : memref<!tpu.dma_semaphore, #tpu.memory_space<semaphore_mem>>) src(%dma_wait3A_244 : memref<8x2048xf32, #tpu.memory_space<hbm>>) dst(%arg10 : memref<8x2048xf32, #tpu.memory_space<vmem>>)
    %broadcast_in_dim3A_245 = arith.constant 0.000000e+00 : f32
    %broadcast_in_dim3A_246 = vector.broadcast %broadcast_in_dim3A_245 : f32 to vector<16xf32>
    %parallel_loop3A_247 = arith.constant 0 : i32
    %parallel_loop3A_248 = arith.constant 128 : i32
    %parallel_loop3A_249 = arith.constant 1 : i32
    %parallel_loop3A_250 = scf.for %parallel_loop3A_622 = %parallel_loop3A_247 to %parallel_loop3A_248 step %parallel_loop3A_249 iter_args(%parallel_loop3A_623 = %broadcast_in_dim3A_246) -> (vector<16xf32>)  : i32 {
      %parallel_loop3A_624 = arith.constant 16 : i32
      %parallel_loop3A_625 = arith.muli %parallel_loop3A_622, %parallel_loop3A_624 : i32
      %parallel_loop3A_626 = arith.constant 0 : i32
      %parallel_loop3A_627 = arith.index_cast %parallel_loop3A_626 : i32 to index
      %parallel_loop3A_628 = arith.index_cast %parallel_loop3A_625 : i32 to index
      %parallel_loop3A_629 = tpu.vector_load %arg6[%parallel_loop3A_627, %parallel_loop3A_628] {strides = array<i32>} : memref<8x2048xi32, #tpu.memory_space<vmem>>, vector<16xi32>,
      %parallel_loop3A_630 = arith.constant 1 : i32
      %parallel_loop3A_631 = arith.index_cast %parallel_loop3A_630 : i32 to index
      %parallel_loop3A_632 = arith.index_cast %parallel_loop3A_625 : i32 to index
      %parallel_loop3A_633 = tpu.vector_load %arg6[%parallel_loop3A_631, %parallel_loop3A_632] {strides = array<i32>} : memref<8x2048xi32, #tpu.memory_space<vmem>>, vector<16xi32>,
      %parallel_loop3A_634 = arith.constant 2 : i32
      %parallel_loop3A_635 = arith.index_cast %parallel_loop3A_634 : i32 to index
      %parallel_loop3A_636 = arith.index_cast %parallel_loop3A_625 : i32 to index
      %parallel_loop3A_637 = tpu.vector_load %arg6[%parallel_loop3A_635, %parallel_loop3A_636] {strides = array<i32>} : memref<8x2048xi32, #tpu.memory_space<vmem>>, vector<16xi32>,
      %parallel_loop3A_638 = arith.constant 3 : i32
      %parallel_loop3A_639 = arith.index_cast %parallel_loop3A_638 : i32 to index
      %parallel_loop3A_640 = arith.index_cast %parallel_loop3A_625 : i32 to index
      %parallel_loop3A_641 = tpu.vector_load %arg6[%parallel_loop3A_639, %parallel_loop3A_640] {strides = array<i32>} : memref<8x2048xi32, #tpu.memory_space<vmem>>, vector<16xi32>,
      %parallel_loop3A_642 = arith.constant 4 : i32
      %parallel_loop3A_643 = arith.index_cast %parallel_loop3A_642 : i32 to index
      %parallel_loop3A_644 = arith.index_cast %parallel_loop3A_625 : i32 to index
      %parallel_loop3A_645 = tpu.vector_load %arg6[%parallel_loop3A_643, %parallel_loop3A_644] {strides = array<i32>} : memref<8x2048xi32, #tpu.memory_space<vmem>>, vector<16xi32>,
      %parallel_loop3A_646 = arith.constant 5 : i32
      %parallel_loop3A_647 = arith.index_cast %parallel_loop3A_646 : i32 to index
      %parallel_loop3A_648 = arith.index_cast %parallel_loop3A_625 : i32 to index
      %parallel_loop3A_649 = tpu.vector_load %arg6[%parallel_loop3A_647, %parallel_loop3A_648] {strides = array<i32>} : memref<8x2048xi32, #tpu.memory_space<vmem>>, vector<16xi32>,
      %parallel_loop3A_650 = arith.constant 6 : i32
      %parallel_loop3A_651 = arith.index_cast %parallel_loop3A_650 : i32 to index
      %parallel_loop3A_652 = arith.index_cast %parallel_loop3A_625 : i32 to index
      %parallel_loop3A_653 = tpu.vector_load %arg6[%parallel_loop3A_651, %parallel_loop3A_652] {strides = array<i32>} : memref<8x2048xi32, #tpu.memory_space<vmem>>, vector<16xi32>,
      %parallel_loop3A_654 = arith.constant 7 : i32
      %parallel_loop3A_655 = arith.index_cast %parallel_loop3A_654 : i32 to index
      %parallel_loop3A_656 = arith.index_cast %parallel_loop3A_625 : i32 to index
      %parallel_loop3A_657 = tpu.vector_load %arg6[%parallel_loop3A_655, %parallel_loop3A_656] {strides = array<i32>} : memref<8x2048xi32, #tpu.memory_space<vmem>>, vector<16xi32>,
      %parallel_loop3A_658 = arith.constant 0 : i32
      %parallel_loop3A_659 = arith.index_cast %parallel_loop3A_658 : i32 to index
      %parallel_loop3A_660 = arith.index_cast %parallel_loop3A_625 : i32 to index
      %parallel_loop3A_661 = tpu.vector_load %arg10[%parallel_loop3A_659, %parallel_loop3A_660] {strides = array<i32>} : memref<8x2048xf32, #tpu.memory_space<vmem>>, vector<16xf32>,
      %parallel_loop3A_662 = arith.constant 1 : i32
      %parallel_loop3A_663 = arith.index_cast %parallel_loop3A_662 : i32 to index
      %parallel_loop3A_664 = arith.index_cast %parallel_loop3A_625 : i32 to index
      %parallel_loop3A_665 = tpu.vector_load %arg10[%parallel_loop3A_663, %parallel_loop3A_664] {strides = array<i32>} : memref<8x2048xf32, #tpu.memory_space<vmem>>, vector<16xf32>,
      %parallel_loop3A_666 = arith.constant 2 : i32
      %parallel_loop3A_667 = arith.index_cast %parallel_loop3A_666 : i32 to index
      %parallel_loop3A_668 = arith.index_cast %parallel_loop3A_625 : i32 to index
      %parallel_loop3A_669 = tpu.vector_load %arg10[%parallel_loop3A_667, %parallel_loop3A_668] {strides = array<i32>} : memref<8x2048xf32, #tpu.memory_space<vmem>>, vector<16xf32>,
      %parallel_loop3A_670 = arith.constant 3 : i32
      %parallel_loop3A_671 = arith.index_cast %parallel_loop3A_670 : i32 to index
      %parallel_loop3A_672 = arith.index_cast %parallel_loop3A_625 : i32 to index
      %parallel_loop3A_673 = tpu.vector_load %arg10[%parallel_loop3A_671, %parallel_loop3A_672] {strides = array<i32>} : memref<8x2048xf32, #tpu.memory_space<vmem>>, vector<16xf32>,
      %parallel_loop3A_674 = arith.constant 4 : i32
      %parallel_loop3A_675 = arith.index_cast %parallel_loop3A_674 : i32 to index
      %parallel_loop3A_676 = arith.index_cast %parallel_loop3A_625 : i32 to index
      %parallel_loop3A_677 = tpu.vector_load %arg10[%parallel_loop3A_675, %parallel_loop3A_676] {strides = array<i32>} : memref<8x2048xf32, #tpu.memory_space<vmem>>, vector<16xf32>,
      %parallel_loop3A_678 = arith.constant 5 : i32
      %parallel_loop3A_679 = arith.index_cast %parallel_loop3A_678 : i32 to index
      %parallel_loop3A_680 = arith.index_cast %parallel_loop3A_625 : i32 to index
      %parallel_loop3A_681 = tpu.vector_load %arg10[%parallel_loop3A_679, %parallel_loop3A_680] {strides = array<i32>} : memref<8x2048xf32, #tpu.memory_space<vmem>>, vector<16xf32>,
      %parallel_loop3A_682 = arith.constant 6 : i32
      %parallel_loop3A_683 = arith.index_cast %parallel_loop3A_682 : i32 to index
      %parallel_loop3A_684 = arith.index_cast %parallel_loop3A_625 : i32 to index
      %parallel_loop3A_685 = tpu.vector_load %arg10[%parallel_loop3A_683, %parallel_loop3A_684] {strides = array<i32>} : memref<8x2048xf32, #tpu.memory_space<vmem>>, vector<16xf32>,
      %parallel_loop3A_686 = arith.constant 7 : i32
      %parallel_loop3A_687 = arith.index_cast %parallel_loop3A_686 : i32 to index
      %parallel_loop3A_688 = arith.index_cast %parallel_loop3A_625 : i32 to index
      %parallel_loop3A_689 = tpu.vector_load %arg10[%parallel_loop3A_687, %parallel_loop3A_688] {strides = array<i32>} : memref<8x2048xf32, #tpu.memory_space<vmem>>, vector<16xf32>,
      %parallel_loop3A_690 = arith.constant 0 : i32
      %parallel_loop3A_691 = arith.index_cast %parallel_loop3A_690 : i32 to index
      %parallel_loop3A_692 = arith.index_cast %parallel_loop3A_625 : i32 to index
      %parallel_loop3A_693 = tpu.vector_load %arg8[%parallel_loop3A_691, %parallel_loop3A_692] {strides = array<i32>} : memref<8x2048xf32, #tpu.memory_space<vmem>>, vector<16xf32>,
      %parallel_loop3A_694 = arith.constant 1 : i32
      %parallel_loop3A_695 = arith.index_cast %parallel_loop3A_694 : i32 to index
      %parallel_loop3A_696 = arith.index_cast %parallel_loop3A_625 : i32 to index
      %parallel_loop3A_697 = tpu.vector_load %arg8[%parallel_loop3A_695, %parallel_loop3A_696] {strides = array<i32>} : memref<8x2048xf32, #tpu.memory_space<vmem>>, vector<16xf32>,
      %parallel_loop3A_698 = arith.constant 2 : i32
      %parallel_loop3A_699 = arith.index_cast %parallel_loop3A_698 : i32 to index
      %parallel_loop3A_700 = arith.index_cast %parallel_loop3A_625 : i32 to index
      %parallel_loop3A_701 = tpu.vector_load %arg8[%parallel_loop3A_699, %parallel_loop3A_700] {strides = array<i32>} : memref<8x2048xf32, #tpu.memory_space<vmem>>, vector<16xf32>,
      %parallel_loop3A_702 = arith.constant 3 : i32
      %parallel_loop3A_703 = arith.index_cast %parallel_loop3A_702 : i32 to index
      %parallel_loop3A_704 = arith.index_cast %parallel_loop3A_625 : i32 to index
      %parallel_loop3A_705 = tpu.vector_load %arg8[%parallel_loop3A_703, %parallel_loop3A_704] {strides = array<i32>} : memref<8x2048xf32, #tpu.memory_space<vmem>>, vector<16xf32>,
      %parallel_loop3A_706 = arith.constant 4 : i32
      %parallel_loop3A_707 = arith.index_cast %parallel_loop3A_706 : i32 to index
      %parallel_loop3A_708 = arith.index_cast %parallel_loop3A_625 : i32 to index
      %parallel_loop3A_709 = tpu.vector_load %arg8[%parallel_loop3A_707, %parallel_loop3A_708] {strides = array<i32>} : memref<8x2048xf32, #tpu.memory_space<vmem>>, vector<16xf32>,
      %parallel_loop3A_710 = arith.constant 5 : i32
      %parallel_loop3A_711 = arith.index_cast %parallel_loop3A_710 : i32 to index
      %parallel_loop3A_712 = arith.index_cast %parallel_loop3A_625 : i32 to index
      %parallel_loop3A_713 = tpu.vector_load %arg8[%parallel_loop3A_711, %parallel_loop3A_712] {strides = array<i32>} : memref<8x2048xf32, #tpu.memory_space<vmem>>, vector<16xf32>,
      %parallel_loop3A_714 = arith.constant 6 : i32
      %parallel_loop3A_715 = arith.index_cast %parallel_loop3A_714 : i32 to index
      %parallel_loop3A_716 = arith.index_cast %parallel_loop3A_625 : i32 to index
      %parallel_loop3A_717 = tpu.vector_load %arg8[%parallel_loop3A_715, %parallel_loop3A_716] {strides = array<i32>} : memref<8x2048xf32, #tpu.memory_space<vmem>>, vector<16xf32>,
      %parallel_loop3A_718 = arith.constant 7 : i32
      %parallel_loop3A_719 = arith.index_cast %parallel_loop3A_718 : i32 to index
      %parallel_loop3A_720 = arith.index_cast %parallel_loop3A_625 : i32 to index
      %parallel_loop3A_721 = tpu.vector_load %arg8[%parallel_loop3A_719, %parallel_loop3A_720] {strides = array<i32>} : memref<8x2048xf32, #tpu.memory_space<vmem>>, vector<16xf32>,
      %parallel_loop3A_722 = arith.addi %mul3A_133, %parallel_loop3A_629 : vector<16xi32>
      %parallel_loop3A_723 = arith.subf %parallel_loop3A_661, %parallel_loop3A_693 : vector<16xf32>
      tpu.vector_store_idx %arg12[%parallel_loop3A_722], %parallel_loop3A_723 {add = true} : memref<1024xf32, #tpu.memory_space<vmem>>[vector<16xi32>], vector<16xf32>,
      %parallel_loop3A_724 = arith.addi %mul3A_133, %parallel_loop3A_633 : vector<16xi32>
      %parallel_loop3A_725 = arith.subf %parallel_loop3A_665, %parallel_loop3A_697 : vector<16xf32>
      tpu.vector_store_idx %arg12[%parallel_loop3A_724], %parallel_loop3A_725 {add = true} : memref<1024xf32, #tpu.memory_space<vmem>>[vector<16xi32>], vector<16xf32>,
      %parallel_loop3A_726 = arith.addi %mul3A_133, %parallel_loop3A_637 : vector<16xi32>
      %parallel_loop3A_727 = arith.subf %parallel_loop3A_669, %parallel_loop3A_701 : vector<16xf32>
      tpu.vector_store_idx %arg12[%parallel_loop3A_726], %parallel_loop3A_727 {add = true} : memref<1024xf32, #tpu.memory_space<vmem>>[vector<16xi32>], vector<16xf32>,
      %parallel_loop3A_728 = arith.addi %mul3A_133, %parallel_loop3A_641 : vector<16xi32>
      %parallel_loop3A_729 = arith.subf %parallel_loop3A_673, %parallel_loop3A_705 : vector<16xf32>
      tpu.vector_store_idx %arg12[%parallel_loop3A_728], %parallel_loop3A_729 {add = true} : memref<1024xf32, #tpu.memory_space<vmem>>[vector<16xi32>], vector<16xf32>,
      %parallel_loop3A_730 = arith.addi %mul3A_133, %parallel_loop3A_645 : vector<16xi32>
      %parallel_loop3A_731 = arith.subf %parallel_loop3A_677, %parallel_loop3A_709 : vector<16xf32>
      tpu.vector_store_idx %arg12[%parallel_loop3A_730], %parallel_loop3A_731 {add = true} : memref<1024xf32, #tpu.memory_space<vmem>>[vector<16xi32>], vector<16xf32>,
      %parallel_loop3A_732 = arith.addi %mul3A_133, %parallel_loop3A_649 : vector<16xi32>
      %parallel_loop3A_733 = arith.subf %parallel_loop3A_681, %parallel_loop3A_713 : vector<16xf32>
      tpu.vector_store_idx %arg12[%parallel_loop3A_732], %parallel_loop3A_733 {add = true} : memref<1024xf32, #tpu.memory_space<vmem>>[vector<16xi32>], vector<16xf32>,
      %parallel_loop3A_734 = arith.addi %mul3A_133, %parallel_loop3A_653 : vector<16xi32>
      %parallel_loop3A_735 = arith.subf %parallel_loop3A_685, %parallel_loop3A_717 : vector<16xf32>
      tpu.vector_store_idx %arg12[%parallel_loop3A_734], %parallel_loop3A_735 {add = true} : memref<1024xf32, #tpu.memory_space<vmem>>[vector<16xi32>], vector<16xf32>,
      %parallel_loop3A_736 = arith.addi %mul3A_133, %parallel_loop3A_657 : vector<16xi32>
      %parallel_loop3A_737 = arith.subf %parallel_loop3A_689, %parallel_loop3A_721 : vector<16xf32>
      tpu.vector_store_idx %arg12[%parallel_loop3A_736], %parallel_loop3A_737 {add = true} : memref<1024xf32, #tpu.memory_space<vmem>>[vector<16xi32>], vector<16xf32>,
      %parallel_loop3A_738 = arith.addf %parallel_loop3A_623, %parallel_loop3A_661 : vector<16xf32>
      scf.yield %parallel_loop3A_738 : vector<16xf32>
    } {sc.loop_unroll_factor = 2 : i64, sc.parallel_access}
    %mul3A_251 = arith.constant 0.000000e+00 : f32
    %mul3A_252 = vector.broadcast %mul3A_251 : f32 to vector<16xf32>
    %mul3A_253 = arith.mulf %parallel_loop3A_250, %mul3A_252 : vector<16xf32>
    %swap3A_254 = arith.constant 0 : index
    %swap3A_255 = tpu.vector_load %arg12[%swap3A_254] {strides = array<i32>} : memref<1024xf32, #tpu.memory_space<vmem>>, vector<16xf32>,
    tpu.vector_store %arg12[%swap3A_254], %mul3A_253 {add = true, strides = array<i32>} : memref<1024xf32, #tpu.memory_space<vmem>>, vector<16xf32>,
    %add3A_256 = arith.constant 32 : i32
    %add3A_257 = arith.addi %mul3A_2, %add3A_256 : i32
    %dma_start3A_258 = arith.constant 0 : i32
    %dma_start3A_259 = tpu.memref_slice %arg3[%add3A_257, %dma_start3A_258] : memref<2048x2048xi32, #tpu.memory_space<hbm>> -> memref<8x2048xi32, #tpu.memory_space<hbm>>
    %dma_start3A_260 = arith.constant 0 : i32
    %dma_start3A_261 = tpu.memref_slice %arg3[%add3A_257, %dma_start3A_260] : memref<2048x2048xi32, #tpu.memory_space<hbm>> -> memref<8x2048xi32, #tpu.memory_space<hbm>>
    tpu.enqueue_dma source(%dma_start3A_261 : memref<8x2048xi32, #tpu.memory_space<hbm>>) target(%arg6 : memref<8x2048xi32, #tpu.memory_space<vmem>>) target_semaphore(%arg14 : memref<!tpu.dma_semaphore, #tpu.memory_space<semaphore_mem>>)
    %dma_start3A_262 = arith.constant 0 : i32
    %dma_start3A_263 = tpu.memref_slice %arg2[%add3A_257, %dma_start3A_262] : memref<2048x2048xf32, #tpu.memory_space<hbm>> -> memref<8x2048xf32, #tpu.memory_space<hbm>>
    %dma_start3A_264 = arith.constant 0 : i32
    %dma_start3A_265 = tpu.memref_slice %arg2[%add3A_257, %dma_start3A_264] : memref<2048x2048xf32, #tpu.memory_space<hbm>> -> memref<8x2048xf32, #tpu.memory_space<hbm>>
    tpu.enqueue_dma source(%dma_start3A_265 : memref<8x2048xf32, #tpu.memory_space<hbm>>) target(%arg8 : memref<8x2048xf32, #tpu.memory_space<vmem>>) target_semaphore(%arg14 : memref<!tpu.dma_semaphore, #tpu.memory_space<semaphore_mem>>)
    %dma_start3A_266 = arith.constant 0 : i32
    %dma_start3A_267 = tpu.memref_slice %arg4[%add3A_257, %dma_start3A_266] : memref<2048x2048xf32, #tpu.memory_space<hbm>> -> memref<8x2048xf32, #tpu.memory_space<hbm>>
    %dma_start3A_268 = arith.constant 0 : i32
    %dma_start3A_269 = tpu.memref_slice %arg4[%add3A_257, %dma_start3A_268] : memref<2048x2048xf32, #tpu.memory_space<hbm>> -> memref<8x2048xf32, #tpu.memory_space<hbm>>
    tpu.enqueue_dma source(%dma_start3A_269 : memref<8x2048xf32, #tpu.memory_space<hbm>>) target(%arg10 : memref<8x2048xf32, #tpu.memory_space<vmem>>) target_semaphore(%arg14 : memref<!tpu.dma_semaphore, #tpu.memory_space<semaphore_mem>>)
    %dma_wait3A_270 = arith.constant 0 : i32
    %dma_wait3A_271 = tpu.memref_slice %arg3[%add3A_220, %dma_wait3A_270] : memref<2048x2048xi32, #tpu.memory_space<hbm>> -> memref<8x2048xi32, #tpu.memory_space<hbm>>
    %dma_wait3A_272 = arith.constant 0 : i32
    %dma_wait3A_273 = tpu.memref_slice %arg3[%add3A_220, %dma_wait3A_272] : memref<2048x2048xi32, #tpu.memory_space<hbm>> -> memref<8x2048xi32, #tpu.memory_space<hbm>>
    tpu.wait_dma2 semaphore(%arg15 : memref<!tpu.dma_semaphore, #tpu.memory_space<semaphore_mem>>) src(%dma_wait3A_273 : memref<8x2048xi32, #tpu.memory_space<hbm>>) dst(%arg7 : memref<8x2048xi32, #tpu.memory_space<vmem>>)
    %dma_wait3A_274 = arith.constant 0 : i32
    %dma_wait3A_275 = tpu.memref_slice %arg2[%add3A_220, %dma_wait3A_274] : memref<2048x2048xf32, #tpu.memory_space<hbm>> -> memref<8x2048xf32, #tpu.memory_space<hbm>>
    %dma_wait3A_276 = arith.constant 0 : i32
    %dma_wait3A_277 = tpu.memref_slice %arg2[%add3A_220, %dma_wait3A_276] : memref<2048x2048xf32, #tpu.memory_space<hbm>> -> memref<8x2048xf32, #tpu.memory_space<hbm>>
    tpu.wait_dma2 semaphore(%arg15 : memref<!tpu.dma_semaphore, #tpu.memory_space<semaphore_mem>>) src(%dma_wait3A_277 : memref<8x2048xf32, #tpu.memory_space<hbm>>) dst(%arg9 : memref<8x2048xf32, #tpu.memory_space<vmem>>)
    %dma_wait3A_278 = arith.constant 0 : i32
    %dma_wait3A_279 = tpu.memref_slice %arg4[%add3A_220, %dma_wait3A_278] : memref<2048x2048xf32, #tpu.memory_space<hbm>> -> memref<8x2048xf32, #tpu.memory_space<hbm>>
    %dma_wait3A_280 = arith.constant 0 : i32
    %dma_wait3A_281 = tpu.memref_slice %arg4[%add3A_220, %dma_wait3A_280] : memref<2048x2048xf32, #tpu.memory_space<hbm>> -> memref<8x2048xf32, #tpu.memory_space<hbm>>
    tpu.wait_dma2 semaphore(%arg15 : memref<!tpu.dma_semaphore, #tpu.memory_space<semaphore_mem>>) src(%dma_wait3A_281 : memref<8x2048xf32, #tpu.memory_space<hbm>>) dst(%arg11 : memref<8x2048xf32, #tpu.memory_space<vmem>>)
    %broadcast_in_dim3A_282 = arith.constant 0.000000e+00 : f32
    %broadcast_in_dim3A_283 = vector.broadcast %broadcast_in_dim3A_282 : f32 to vector<16xf32>
    %parallel_loop3A_284 = arith.constant 0 : i32
    %parallel_loop3A_285 = arith.constant 128 : i32
    %parallel_loop3A_286 = arith.constant 1 : i32
    %parallel_loop3A_287 = scf.for %parallel_loop3A_622 = %parallel_loop3A_284 to %parallel_loop3A_285 step %parallel_loop3A_286 iter_args(%parallel_loop3A_623 = %broadcast_in_dim3A_283) -> (vector<16xf32>)  : i32 {
      %parallel_loop3A_624 = arith.constant 16 : i32
      %parallel_loop3A_625 = arith.muli %parallel_loop3A_622, %parallel_loop3A_624 : i32
      %parallel_loop3A_626 = arith.constant 0 : i32
      %parallel_loop3A_627 = arith.index_cast %parallel_loop3A_626 : i32 to index
      %parallel_loop3A_628 = arith.index_cast %parallel_loop3A_625 : i32 to index
      %parallel_loop3A_629 = tpu.vector_load %arg7[%parallel_loop3A_627, %parallel_loop3A_628] {strides = array<i32>} : memref<8x2048xi32, #tpu.memory_space<vmem>>, vector<16xi32>,
      %parallel_loop3A_630 = arith.constant 1 : i32
      %parallel_loop3A_631 = arith.index_cast %parallel_loop3A_630 : i32 to index
      %parallel_loop3A_632 = arith.index_cast %parallel_loop3A_625 : i32 to index
      %parallel_loop3A_633 = tpu.vector_load %arg7[%parallel_loop3A_631, %parallel_loop3A_632] {strides = array<i32>} : memref<8x2048xi32, #tpu.memory_space<vmem>>, vector<16xi32>,
      %parallel_loop3A_634 = arith.constant 2 : i32
      %parallel_loop3A_635 = arith.index_cast %parallel_loop3A_634 : i32 to index
      %parallel_loop3A_636 = arith.index_cast %parallel_loop3A_625 : i32 to index
      %parallel_loop3A_637 = tpu.vector_load %arg7[%parallel_loop3A_635, %parallel_loop3A_636] {strides = array<i32>} : memref<8x2048xi32, #tpu.memory_space<vmem>>, vector<16xi32>,
      %parallel_loop3A_638 = arith.constant 3 : i32
      %parallel_loop3A_639 = arith.index_cast %parallel_loop3A_638 : i32 to index
      %parallel_loop3A_640 = arith.index_cast %parallel_loop3A_625 : i32 to index
      %parallel_loop3A_641 = tpu.vector_load %arg7[%parallel_loop3A_639, %parallel_loop3A_640] {strides = array<i32>} : memref<8x2048xi32, #tpu.memory_space<vmem>>, vector<16xi32>,
      %parallel_loop3A_642 = arith.constant 4 : i32
      %parallel_loop3A_643 = arith.index_cast %parallel_loop3A_642 : i32 to index
      %parallel_loop3A_644 = arith.index_cast %parallel_loop3A_625 : i32 to index
      %parallel_loop3A_645 = tpu.vector_load %arg7[%parallel_loop3A_643, %parallel_loop3A_644] {strides = array<i32>} : memref<8x2048xi32, #tpu.memory_space<vmem>>, vector<16xi32>,
      %parallel_loop3A_646 = arith.constant 5 : i32
      %parallel_loop3A_647 = arith.index_cast %parallel_loop3A_646 : i32 to index
      %parallel_loop3A_648 = arith.index_cast %parallel_loop3A_625 : i32 to index
      %parallel_loop3A_649 = tpu.vector_load %arg7[%parallel_loop3A_647, %parallel_loop3A_648] {strides = array<i32>} : memref<8x2048xi32, #tpu.memory_space<vmem>>, vector<16xi32>,
      %parallel_loop3A_650 = arith.constant 6 : i32
      %parallel_loop3A_651 = arith.index_cast %parallel_loop3A_650 : i32 to index
      %parallel_loop3A_652 = arith.index_cast %parallel_loop3A_625 : i32 to index
      %parallel_loop3A_653 = tpu.vector_load %arg7[%parallel_loop3A_651, %parallel_loop3A_652] {strides = array<i32>} : memref<8x2048xi32, #tpu.memory_space<vmem>>, vector<16xi32>,
      %parallel_loop3A_654 = arith.constant 7 : i32
      %parallel_loop3A_655 = arith.index_cast %parallel_loop3A_654 : i32 to index
      %parallel_loop3A_656 = arith.index_cast %parallel_loop3A_625 : i32 to index
      %parallel_loop3A_657 = tpu.vector_load %arg7[%parallel_loop3A_655, %parallel_loop3A_656] {strides = array<i32>} : memref<8x2048xi32, #tpu.memory_space<vmem>>, vector<16xi32>,
      %parallel_loop3A_658 = arith.constant 0 : i32
      %parallel_loop3A_659 = arith.index_cast %parallel_loop3A_658 : i32 to index
      %parallel_loop3A_660 = arith.index_cast %parallel_loop3A_625 : i32 to index
      %parallel_loop3A_661 = tpu.vector_load %arg11[%parallel_loop3A_659, %parallel_loop3A_660] {strides = array<i32>} : memref<8x2048xf32, #tpu.memory_space<vmem>>, vector<16xf32>,
      %parallel_loop3A_662 = arith.constant 1 : i32
      %parallel_loop3A_663 = arith.index_cast %parallel_loop3A_662 : i32 to index
      %parallel_loop3A_664 = arith.index_cast %parallel_loop3A_625 : i32 to index
      %parallel_loop3A_665 = tpu.vector_load %arg11[%parallel_loop3A_663, %parallel_loop3A_664] {strides = array<i32>} : memref<8x2048xf32, #tpu.memory_space<vmem>>, vector<16xf32>,
      %parallel_loop3A_666 = arith.constant 2 : i32
      %parallel_loop3A_667 = arith.index_cast %parallel_loop3A_666 : i32 to index
      %parallel_loop3A_668 = arith.index_cast %parallel_loop3A_625 : i32 to index
      %parallel_loop3A_669 = tpu.vector_load %arg11[%parallel_loop3A_667, %parallel_loop3A_668] {strides = array<i32>} : memref<8x2048xf32, #tpu.memory_space<vmem>>, vector<16xf32>,
      %parallel_loop3A_670 = arith.constant 3 : i32
      %parallel_loop3A_671 = arith.index_cast %parallel_loop3A_670 : i32 to index
      %parallel_loop3A_672 = arith.index_cast %parallel_loop3A_625 : i32 to index
      %parallel_loop3A_673 = tpu.vector_load %arg11[%parallel_loop3A_671, %parallel_loop3A_672] {strides = array<i32>} : memref<8x2048xf32, #tpu.memory_space<vmem>>, vector<16xf32>,
      %parallel_loop3A_674 = arith.constant 4 : i32
      %parallel_loop3A_675 = arith.index_cast %parallel_loop3A_674 : i32 to index
      %parallel_loop3A_676 = arith.index_cast %parallel_loop3A_625 : i32 to index
      %parallel_loop3A_677 = tpu.vector_load %arg11[%parallel_loop3A_675, %parallel_loop3A_676] {strides = array<i32>} : memref<8x2048xf32, #tpu.memory_space<vmem>>, vector<16xf32>,
      %parallel_loop3A_678 = arith.constant 5 : i32
      %parallel_loop3A_679 = arith.index_cast %parallel_loop3A_678 : i32 to index
      %parallel_loop3A_680 = arith.index_cast %parallel_loop3A_625 : i32 to index
      %parallel_loop3A_681 = tpu.vector_load %arg11[%parallel_loop3A_679, %parallel_loop3A_680] {strides = array<i32>} : memref<8x2048xf32, #tpu.memory_space<vmem>>, vector<16xf32>,
      %parallel_loop3A_682 = arith.constant 6 : i32
      %parallel_loop3A_683 = arith.index_cast %parallel_loop3A_682 : i32 to index
      %parallel_loop3A_684 = arith.index_cast %parallel_loop3A_625 : i32 to index
      %parallel_loop3A_685 = tpu.vector_load %arg11[%parallel_loop3A_683, %parallel_loop3A_684] {strides = array<i32>} : memref<8x2048xf32, #tpu.memory_space<vmem>>, vector<16xf32>,
      %parallel_loop3A_686 = arith.constant 7 : i32
      %parallel_loop3A_687 = arith.index_cast %parallel_loop3A_686 : i32 to index
      %parallel_loop3A_688 = arith.index_cast %parallel_loop3A_625 : i32 to index
      %parallel_loop3A_689 = tpu.vector_load %arg11[%parallel_loop3A_687, %parallel_loop3A_688] {strides = array<i32>} : memref<8x2048xf32, #tpu.memory_space<vmem>>, vector<16xf32>,
      %parallel_loop3A_690 = arith.constant 0 : i32
      %parallel_loop3A_691 = arith.index_cast %parallel_loop3A_690 : i32 to index
      %parallel_loop3A_692 = arith.index_cast %parallel_loop3A_625 : i32 to index
      %parallel_loop3A_693 = tpu.vector_load %arg9[%parallel_loop3A_691, %parallel_loop3A_692] {strides = array<i32>} : memref<8x2048xf32, #tpu.memory_space<vmem>>, vector<16xf32>,
      %parallel_loop3A_694 = arith.constant 1 : i32
      %parallel_loop3A_695 = arith.index_cast %parallel_loop3A_694 : i32 to index
      %parallel_loop3A_696 = arith.index_cast %parallel_loop3A_625 : i32 to index
      %parallel_loop3A_697 = tpu.vector_load %arg9[%parallel_loop3A_695, %parallel_loop3A_696] {strides = array<i32>} : memref<8x2048xf32, #tpu.memory_space<vmem>>, vector<16xf32>,
      %parallel_loop3A_698 = arith.constant 2 : i32
      %parallel_loop3A_699 = arith.index_cast %parallel_loop3A_698 : i32 to index
      %parallel_loop3A_700 = arith.index_cast %parallel_loop3A_625 : i32 to index
      %parallel_loop3A_701 = tpu.vector_load %arg9[%parallel_loop3A_699, %parallel_loop3A_700] {strides = array<i32>} : memref<8x2048xf32, #tpu.memory_space<vmem>>, vector<16xf32>,
      %parallel_loop3A_702 = arith.constant 3 : i32
      %parallel_loop3A_703 = arith.index_cast %parallel_loop3A_702 : i32 to index
      %parallel_loop3A_704 = arith.index_cast %parallel_loop3A_625 : i32 to index
      %parallel_loop3A_705 = tpu.vector_load %arg9[%parallel_loop3A_703, %parallel_loop3A_704] {strides = array<i32>} : memref<8x2048xf32, #tpu.memory_space<vmem>>, vector<16xf32>,
      %parallel_loop3A_706 = arith.constant 4 : i32
      %parallel_loop3A_707 = arith.index_cast %parallel_loop3A_706 : i32 to index
      %parallel_loop3A_708 = arith.index_cast %parallel_loop3A_625 : i32 to index
      %parallel_loop3A_709 = tpu.vector_load %arg9[%parallel_loop3A_707, %parallel_loop3A_708] {strides = array<i32>} : memref<8x2048xf32, #tpu.memory_space<vmem>>, vector<16xf32>,
      %parallel_loop3A_710 = arith.constant 5 : i32
      %parallel_loop3A_711 = arith.index_cast %parallel_loop3A_710 : i32 to index
      %parallel_loop3A_712 = arith.index_cast %parallel_loop3A_625 : i32 to index
      %parallel_loop3A_713 = tpu.vector_load %arg9[%parallel_loop3A_711, %parallel_loop3A_712] {strides = array<i32>} : memref<8x2048xf32, #tpu.memory_space<vmem>>, vector<16xf32>,
      %parallel_loop3A_714 = arith.constant 6 : i32
      %parallel_loop3A_715 = arith.index_cast %parallel_loop3A_714 : i32 to index
      %parallel_loop3A_716 = arith.index_cast %parallel_loop3A_625 : i32 to index
      %parallel_loop3A_717 = tpu.vector_load %arg9[%parallel_loop3A_715, %parallel_loop3A_716] {strides = array<i32>} : memref<8x2048xf32, #tpu.memory_space<vmem>>, vector<16xf32>,
      %parallel_loop3A_718 = arith.constant 7 : i32
      %parallel_loop3A_719 = arith.index_cast %parallel_loop3A_718 : i32 to index
      %parallel_loop3A_720 = arith.index_cast %parallel_loop3A_625 : i32 to index
      %parallel_loop3A_721 = tpu.vector_load %arg9[%parallel_loop3A_719, %parallel_loop3A_720] {strides = array<i32>} : memref<8x2048xf32, #tpu.memory_space<vmem>>, vector<16xf32>,
      %parallel_loop3A_722 = arith.addi %mul3A_133, %parallel_loop3A_629 : vector<16xi32>
      %parallel_loop3A_723 = arith.subf %parallel_loop3A_661, %parallel_loop3A_693 : vector<16xf32>
      tpu.vector_store_idx %arg12[%parallel_loop3A_722], %parallel_loop3A_723 {add = true} : memref<1024xf32, #tpu.memory_space<vmem>>[vector<16xi32>], vector<16xf32>,
      %parallel_loop3A_724 = arith.addi %mul3A_133, %parallel_loop3A_633 : vector<16xi32>
      %parallel_loop3A_725 = arith.subf %parallel_loop3A_665, %parallel_loop3A_697 : vector<16xf32>
      tpu.vector_store_idx %arg12[%parallel_loop3A_724], %parallel_loop3A_725 {add = true} : memref<1024xf32, #tpu.memory_space<vmem>>[vector<16xi32>], vector<16xf32>,
      %parallel_loop3A_726 = arith.addi %mul3A_133, %parallel_loop3A_637 : vector<16xi32>
      %parallel_loop3A_727 = arith.subf %parallel_loop3A_669, %parallel_loop3A_701 : vector<16xf32>
      tpu.vector_store_idx %arg12[%parallel_loop3A_726], %parallel_loop3A_727 {add = true} : memref<1024xf32, #tpu.memory_space<vmem>>[vector<16xi32>], vector<16xf32>,
      %parallel_loop3A_728 = arith.addi %mul3A_133, %parallel_loop3A_641 : vector<16xi32>
      %parallel_loop3A_729 = arith.subf %parallel_loop3A_673, %parallel_loop3A_705 : vector<16xf32>
      tpu.vector_store_idx %arg12[%parallel_loop3A_728], %parallel_loop3A_729 {add = true} : memref<1024xf32, #tpu.memory_space<vmem>>[vector<16xi32>], vector<16xf32>,
      %parallel_loop3A_730 = arith.addi %mul3A_133, %parallel_loop3A_645 : vector<16xi32>
      %parallel_loop3A_731 = arith.subf %parallel_loop3A_677, %parallel_loop3A_709 : vector<16xf32>
      tpu.vector_store_idx %arg12[%parallel_loop3A_730], %parallel_loop3A_731 {add = true} : memref<1024xf32, #tpu.memory_space<vmem>>[vector<16xi32>], vector<16xf32>,
      %parallel_loop3A_732 = arith.addi %mul3A_133, %parallel_loop3A_649 : vector<16xi32>
      %parallel_loop3A_733 = arith.subf %parallel_loop3A_681, %parallel_loop3A_713 : vector<16xf32>
      tpu.vector_store_idx %arg12[%parallel_loop3A_732], %parallel_loop3A_733 {add = true} : memref<1024xf32, #tpu.memory_space<vmem>>[vector<16xi32>], vector<16xf32>,
      %parallel_loop3A_734 = arith.addi %mul3A_133, %parallel_loop3A_653 : vector<16xi32>
      %parallel_loop3A_735 = arith.subf %parallel_loop3A_685, %parallel_loop3A_717 : vector<16xf32>
      tpu.vector_store_idx %arg12[%parallel_loop3A_734], %parallel_loop3A_735 {add = true} : memref<1024xf32, #tpu.memory_space<vmem>>[vector<16xi32>], vector<16xf32>,
      %parallel_loop3A_736 = arith.addi %mul3A_133, %parallel_loop3A_657 : vector<16xi32>
      %parallel_loop3A_737 = arith.subf %parallel_loop3A_689, %parallel_loop3A_721 : vector<16xf32>
      tpu.vector_store_idx %arg12[%parallel_loop3A_736], %parallel_loop3A_737 {add = true} : memref<1024xf32, #tpu.memory_space<vmem>>[vector<16xi32>], vector<16xf32>,
      %parallel_loop3A_738 = arith.addf %parallel_loop3A_623, %parallel_loop3A_661 : vector<16xf32>
      scf.yield %parallel_loop3A_738 : vector<16xf32>
    } {sc.loop_unroll_factor = 2 : i64, sc.parallel_access}
    %mul3A_288 = arith.constant 0.000000e+00 : f32
    %mul3A_289 = vector.broadcast %mul3A_288 : f32 to vector<16xf32>
    %mul3A_290 = arith.mulf %parallel_loop3A_287, %mul3A_289 : vector<16xf32>
    %swap3A_291 = arith.constant 0 : index
    %swap3A_292 = tpu.vector_load %arg12[%swap3A_291] {strides = array<i32>} : memref<1024xf32, #tpu.memory_space<vmem>>, vector<16xf32>,
    tpu.vector_store %arg12[%swap3A_291], %mul3A_290 {add = true, strides = array<i32>} : memref<1024xf32, #tpu.memory_space<vmem>>, vector<16xf32>,
    %add3A_293 = arith.constant 40 : i32
    %add3A_294 = arith.addi %mul3A_2, %add3A_293 : i32
    %dma_start3A_295 = arith.constant 0 : i32
    %dma_start3A_296 = tpu.memref_slice %arg3[%add3A_294, %dma_start3A_295] : memref<2048x2048xi32, #tpu.memory_space<hbm>> -> memref<8x2048xi32, #tpu.memory_space<hbm>>
    %dma_start3A_297 = arith.constant 0 : i32
    %dma_start3A_298 = tpu.memref_slice %arg3[%add3A_294, %dma_start3A_297] : memref<2048x2048xi32, #tpu.memory_space<hbm>> -> memref<8x2048xi32, #tpu.memory_space<hbm>>
    tpu.enqueue_dma source(%dma_start3A_298 : memref<8x2048xi32, #tpu.memory_space<hbm>>) target(%arg7 : memref<8x2048xi32, #tpu.memory_space<vmem>>) target_semaphore(%arg15 : memref<!tpu.dma_semaphore, #tpu.memory_space<semaphore_mem>>)
    %dma_start3A_299 = arith.constant 0 : i32
    %dma_start3A_300 = tpu.memref_slice %arg2[%add3A_294, %dma_start3A_299] : memref<2048x2048xf32, #tpu.memory_space<hbm>> -> memref<8x2048xf32, #tpu.memory_space<hbm>>
    %dma_start3A_301 = arith.constant 0 : i32
    %dma_start3A_302 = tpu.memref_slice %arg2[%add3A_294, %dma_start3A_301] : memref<2048x2048xf32, #tpu.memory_space<hbm>> -> memref<8x2048xf32, #tpu.memory_space<hbm>>
    tpu.enqueue_dma source(%dma_start3A_302 : memref<8x2048xf32, #tpu.memory_space<hbm>>) target(%arg9 : memref<8x2048xf32, #tpu.memory_space<vmem>>) target_semaphore(%arg15 : memref<!tpu.dma_semaphore, #tpu.memory_space<semaphore_mem>>)
    %dma_start3A_303 = arith.constant 0 : i32
    %dma_start3A_304 = tpu.memref_slice %arg4[%add3A_294, %dma_start3A_303] : memref<2048x2048xf32, #tpu.memory_space<hbm>> -> memref<8x2048xf32, #tpu.memory_space<hbm>>
    %dma_start3A_305 = arith.constant 0 : i32
    %dma_start3A_306 = tpu.memref_slice %arg4[%add3A_294, %dma_start3A_305] : memref<2048x2048xf32, #tpu.memory_space<hbm>> -> memref<8x2048xf32, #tpu.memory_space<hbm>>
    tpu.enqueue_dma source(%dma_start3A_306 : memref<8x2048xf32, #tpu.memory_space<hbm>>) target(%arg11 : memref<8x2048xf32, #tpu.memory_space<vmem>>) target_semaphore(%arg15 : memref<!tpu.dma_semaphore, #tpu.memory_space<semaphore_mem>>)
    %dma_wait3A_307 = arith.constant 0 : i32
    %dma_wait3A_308 = tpu.memref_slice %arg3[%add3A_257, %dma_wait3A_307] : memref<2048x2048xi32, #tpu.memory_space<hbm>> -> memref<8x2048xi32, #tpu.memory_space<hbm>>
    %dma_wait3A_309 = arith.constant 0 : i32
    %dma_wait3A_310 = tpu.memref_slice %arg3[%add3A_257, %dma_wait3A_309] : memref<2048x2048xi32, #tpu.memory_space<hbm>> -> memref<8x2048xi32, #tpu.memory_space<hbm>>
    tpu.wait_dma2 semaphore(%arg14 : memref<!tpu.dma_semaphore, #tpu.memory_space<semaphore_mem>>) src(%dma_wait3A_310 : memref<8x2048xi32, #tpu.memory_space<hbm>>) dst(%arg6 : memref<8x2048xi32, #tpu.memory_space<vmem>>)
    %dma_wait3A_311 = arith.constant 0 : i32
    %dma_wait3A_312 = tpu.memref_slice %arg2[%add3A_257, %dma_wait3A_311] : memref<2048x2048xf32, #tpu.memory_space<hbm>> -> memref<8x2048xf32, #tpu.memory_space<hbm>>
    %dma_wait3A_313 = arith.constant 0 : i32
    %dma_wait3A_314 = tpu.memref_slice %arg2[%add3A_257, %dma_wait3A_313] : memref<2048x2048xf32, #tpu.memory_space<hbm>> -> memref<8x2048xf32, #tpu.memory_space<hbm>>
    tpu.wait_dma2 semaphore(%arg14 : memref<!tpu.dma_semaphore, #tpu.memory_space<semaphore_mem>>) src(%dma_wait3A_314 : memref<8x2048xf32, #tpu.memory_space<hbm>>) dst(%arg8 : memref<8x2048xf32, #tpu.memory_space<vmem>>)
    %dma_wait3A_315 = arith.constant 0 : i32
    %dma_wait3A_316 = tpu.memref_slice %arg4[%add3A_257, %dma_wait3A_315] : memref<2048x2048xf32, #tpu.memory_space<hbm>> -> memref<8x2048xf32, #tpu.memory_space<hbm>>
    %dma_wait3A_317 = arith.constant 0 : i32
    %dma_wait3A_318 = tpu.memref_slice %arg4[%add3A_257, %dma_wait3A_317] : memref<2048x2048xf32, #tpu.memory_space<hbm>> -> memref<8x2048xf32, #tpu.memory_space<hbm>>
    tpu.wait_dma2 semaphore(%arg14 : memref<!tpu.dma_semaphore, #tpu.memory_space<semaphore_mem>>) src(%dma_wait3A_318 : memref<8x2048xf32, #tpu.memory_space<hbm>>) dst(%arg10 : memref<8x2048xf32, #tpu.memory_space<vmem>>)
    %broadcast_in_dim3A_319 = arith.constant 0.000000e+00 : f32
    %broadcast_in_dim3A_320 = vector.broadcast %broadcast_in_dim3A_319 : f32 to vector<16xf32>
    %parallel_loop3A_321 = arith.constant 0 : i32
    %parallel_loop3A_322 = arith.constant 128 : i32
    %parallel_loop3A_323 = arith.constant 1 : i32
    %parallel_loop3A_324 = scf.for %parallel_loop3A_622 = %parallel_loop3A_321 to %parallel_loop3A_322 step %parallel_loop3A_323 iter_args(%parallel_loop3A_623 = %broadcast_in_dim3A_320) -> (vector<16xf32>)  : i32 {
      %parallel_loop3A_624 = arith.constant 16 : i32
      %parallel_loop3A_625 = arith.muli %parallel_loop3A_622, %parallel_loop3A_624 : i32
      %parallel_loop3A_626 = arith.constant 0 : i32
      %parallel_loop3A_627 = arith.index_cast %parallel_loop3A_626 : i32 to index
      %parallel_loop3A_628 = arith.index_cast %parallel_loop3A_625 : i32 to index
      %parallel_loop3A_629 = tpu.vector_load %arg6[%parallel_loop3A_627, %parallel_loop3A_628] {strides = array<i32>} : memref<8x2048xi32, #tpu.memory_space<vmem>>, vector<16xi32>,
      %parallel_loop3A_630 = arith.constant 1 : i32
      %parallel_loop3A_631 = arith.index_cast %parallel_loop3A_630 : i32 to index
      %parallel_loop3A_632 = arith.index_cast %parallel_loop3A_625 : i32 to index
      %parallel_loop3A_633 = tpu.vector_load %arg6[%parallel_loop3A_631, %parallel_loop3A_632] {strides = array<i32>} : memref<8x2048xi32, #tpu.memory_space<vmem>>, vector<16xi32>,
      %parallel_loop3A_634 = arith.constant 2 : i32
      %parallel_loop3A_635 = arith.index_cast %parallel_loop3A_634 : i32 to index
      %parallel_loop3A_636 = arith.index_cast %parallel_loop3A_625 : i32 to index
      %parallel_loop3A_637 = tpu.vector_load %arg6[%parallel_loop3A_635, %parallel_loop3A_636] {strides = array<i32>} : memref<8x2048xi32, #tpu.memory_space<vmem>>, vector<16xi32>,
      %parallel_loop3A_638 = arith.constant 3 : i32
      %parallel_loop3A_639 = arith.index_cast %parallel_loop3A_638 : i32 to index
      %parallel_loop3A_640 = arith.index_cast %parallel_loop3A_625 : i32 to index
      %parallel_loop3A_641 = tpu.vector_load %arg6[%parallel_loop3A_639, %parallel_loop3A_640] {strides = array<i32>} : memref<8x2048xi32, #tpu.memory_space<vmem>>, vector<16xi32>,
      %parallel_loop3A_642 = arith.constant 4 : i32
      %parallel_loop3A_643 = arith.index_cast %parallel_loop3A_642 : i32 to index
      %parallel_loop3A_644 = arith.index_cast %parallel_loop3A_625 : i32 to index
      %parallel_loop3A_645 = tpu.vector_load %arg6[%parallel_loop3A_643, %parallel_loop3A_644] {strides = array<i32>} : memref<8x2048xi32, #tpu.memory_space<vmem>>, vector<16xi32>,
      %parallel_loop3A_646 = arith.constant 5 : i32
      %parallel_loop3A_647 = arith.index_cast %parallel_loop3A_646 : i32 to index
      %parallel_loop3A_648 = arith.index_cast %parallel_loop3A_625 : i32 to index
      %parallel_loop3A_649 = tpu.vector_load %arg6[%parallel_loop3A_647, %parallel_loop3A_648] {strides = array<i32>} : memref<8x2048xi32, #tpu.memory_space<vmem>>, vector<16xi32>,
      %parallel_loop3A_650 = arith.constant 6 : i32
      %parallel_loop3A_651 = arith.index_cast %parallel_loop3A_650 : i32 to index
      %parallel_loop3A_652 = arith.index_cast %parallel_loop3A_625 : i32 to index
      %parallel_loop3A_653 = tpu.vector_load %arg6[%parallel_loop3A_651, %parallel_loop3A_652] {strides = array<i32>} : memref<8x2048xi32, #tpu.memory_space<vmem>>, vector<16xi32>,
      %parallel_loop3A_654 = arith.constant 7 : i32
      %parallel_loop3A_655 = arith.index_cast %parallel_loop3A_654 : i32 to index
      %parallel_loop3A_656 = arith.index_cast %parallel_loop3A_625 : i32 to index
      %parallel_loop3A_657 = tpu.vector_load %arg6[%parallel_loop3A_655, %parallel_loop3A_656] {strides = array<i32>} : memref<8x2048xi32, #tpu.memory_space<vmem>>, vector<16xi32>,
      %parallel_loop3A_658 = arith.constant 0 : i32
      %parallel_loop3A_659 = arith.index_cast %parallel_loop3A_658 : i32 to index
      %parallel_loop3A_660 = arith.index_cast %parallel_loop3A_625 : i32 to index
      %parallel_loop3A_661 = tpu.vector_load %arg10[%parallel_loop3A_659, %parallel_loop3A_660] {strides = array<i32>} : memref<8x2048xf32, #tpu.memory_space<vmem>>, vector<16xf32>,
      %parallel_loop3A_662 = arith.constant 1 : i32
      %parallel_loop3A_663 = arith.index_cast %parallel_loop3A_662 : i32 to index
      %parallel_loop3A_664 = arith.index_cast %parallel_loop3A_625 : i32 to index
      %parallel_loop3A_665 = tpu.vector_load %arg10[%parallel_loop3A_663, %parallel_loop3A_664] {strides = array<i32>} : memref<8x2048xf32, #tpu.memory_space<vmem>>, vector<16xf32>,
      %parallel_loop3A_666 = arith.constant 2 : i32
      %parallel_loop3A_667 = arith.index_cast %parallel_loop3A_666 : i32 to index
      %parallel_loop3A_668 = arith.index_cast %parallel_loop3A_625 : i32 to index
      %parallel_loop3A_669 = tpu.vector_load %arg10[%parallel_loop3A_667, %parallel_loop3A_668] {strides = array<i32>} : memref<8x2048xf32, #tpu.memory_space<vmem>>, vector<16xf32>,
      %parallel_loop3A_670 = arith.constant 3 : i32
      %parallel_loop3A_671 = arith.index_cast %parallel_loop3A_670 : i32 to index
      %parallel_loop3A_672 = arith.index_cast %parallel_loop3A_625 : i32 to index
      %parallel_loop3A_673 = tpu.vector_load %arg10[%parallel_loop3A_671, %parallel_loop3A_672] {strides = array<i32>} : memref<8x2048xf32, #tpu.memory_space<vmem>>, vector<16xf32>,
      %parallel_loop3A_674 = arith.constant 4 : i32
      %parallel_loop3A_675 = arith.index_cast %parallel_loop3A_674 : i32 to index
      %parallel_loop3A_676 = arith.index_cast %parallel_loop3A_625 : i32 to index
      %parallel_loop3A_677 = tpu.vector_load %arg10[%parallel_loop3A_675, %parallel_loop3A_676] {strides = array<i32>} : memref<8x2048xf32, #tpu.memory_space<vmem>>, vector<16xf32>,
      %parallel_loop3A_678 = arith.constant 5 : i32
      %parallel_loop3A_679 = arith.index_cast %parallel_loop3A_678 : i32 to index
      %parallel_loop3A_680 = arith.index_cast %parallel_loop3A_625 : i32 to index
      %parallel_loop3A_681 = tpu.vector_load %arg10[%parallel_loop3A_679, %parallel_loop3A_680] {strides = array<i32>} : memref<8x2048xf32, #tpu.memory_space<vmem>>, vector<16xf32>,
      %parallel_loop3A_682 = arith.constant 6 : i32
      %parallel_loop3A_683 = arith.index_cast %parallel_loop3A_682 : i32 to index
      %parallel_loop3A_684 = arith.index_cast %parallel_loop3A_625 : i32 to index
      %parallel_loop3A_685 = tpu.vector_load %arg10[%parallel_loop3A_683, %parallel_loop3A_684] {strides = array<i32>} : memref<8x2048xf32, #tpu.memory_space<vmem>>, vector<16xf32>,
      %parallel_loop3A_686 = arith.constant 7 : i32
      %parallel_loop3A_687 = arith.index_cast %parallel_loop3A_686 : i32 to index
      %parallel_loop3A_688 = arith.index_cast %parallel_loop3A_625 : i32 to index
      %parallel_loop3A_689 = tpu.vector_load %arg10[%parallel_loop3A_687, %parallel_loop3A_688] {strides = array<i32>} : memref<8x2048xf32, #tpu.memory_space<vmem>>, vector<16xf32>,
      %parallel_loop3A_690 = arith.constant 0 : i32
      %parallel_loop3A_691 = arith.index_cast %parallel_loop3A_690 : i32 to index
      %parallel_loop3A_692 = arith.index_cast %parallel_loop3A_625 : i32 to index
      %parallel_loop3A_693 = tpu.vector_load %arg8[%parallel_loop3A_691, %parallel_loop3A_692] {strides = array<i32>} : memref<8x2048xf32, #tpu.memory_space<vmem>>, vector<16xf32>,
      %parallel_loop3A_694 = arith.constant 1 : i32
      %parallel_loop3A_695 = arith.index_cast %parallel_loop3A_694 : i32 to index
      %parallel_loop3A_696 = arith.index_cast %parallel_loop3A_625 : i32 to index
      %parallel_loop3A_697 = tpu.vector_load %arg8[%parallel_loop3A_695, %parallel_loop3A_696] {strides = array<i32>} : memref<8x2048xf32, #tpu.memory_space<vmem>>, vector<16xf32>,
      %parallel_loop3A_698 = arith.constant 2 : i32
      %parallel_loop3A_699 = arith.index_cast %parallel_loop3A_698 : i32 to index
      %parallel_loop3A_700 = arith.index_cast %parallel_loop3A_625 : i32 to index
      %parallel_loop3A_701 = tpu.vector_load %arg8[%parallel_loop3A_699, %parallel_loop3A_700] {strides = array<i32>} : memref<8x2048xf32, #tpu.memory_space<vmem>>, vector<16xf32>,
      %parallel_loop3A_702 = arith.constant 3 : i32
      %parallel_loop3A_703 = arith.index_cast %parallel_loop3A_702 : i32 to index
      %parallel_loop3A_704 = arith.index_cast %parallel_loop3A_625 : i32 to index
      %parallel_loop3A_705 = tpu.vector_load %arg8[%parallel_loop3A_703, %parallel_loop3A_704] {strides = array<i32>} : memref<8x2048xf32, #tpu.memory_space<vmem>>, vector<16xf32>,
      %parallel_loop3A_706 = arith.constant 4 : i32
      %parallel_loop3A_707 = arith.index_cast %parallel_loop3A_706 : i32 to index
      %parallel_loop3A_708 = arith.index_cast %parallel_loop3A_625 : i32 to index
      %parallel_loop3A_709 = tpu.vector_load %arg8[%parallel_loop3A_707, %parallel_loop3A_708] {strides = array<i32>} : memref<8x2048xf32, #tpu.memory_space<vmem>>, vector<16xf32>,
      %parallel_loop3A_710 = arith.constant 5 : i32
      %parallel_loop3A_711 = arith.index_cast %parallel_loop3A_710 : i32 to index
      %parallel_loop3A_712 = arith.index_cast %parallel_loop3A_625 : i32 to index
      %parallel_loop3A_713 = tpu.vector_load %arg8[%parallel_loop3A_711, %parallel_loop3A_712] {strides = array<i32>} : memref<8x2048xf32, #tpu.memory_space<vmem>>, vector<16xf32>,
      %parallel_loop3A_714 = arith.constant 6 : i32
      %parallel_loop3A_715 = arith.index_cast %parallel_loop3A_714 : i32 to index
      %parallel_loop3A_716 = arith.index_cast %parallel_loop3A_625 : i32 to index
      %parallel_loop3A_717 = tpu.vector_load %arg8[%parallel_loop3A_715, %parallel_loop3A_716] {strides = array<i32>} : memref<8x2048xf32, #tpu.memory_space<vmem>>, vector<16xf32>,
      %parallel_loop3A_718 = arith.constant 7 : i32
      %parallel_loop3A_719 = arith.index_cast %parallel_loop3A_718 : i32 to index
      %parallel_loop3A_720 = arith.index_cast %parallel_loop3A_625 : i32 to index
      %parallel_loop3A_721 = tpu.vector_load %arg8[%parallel_loop3A_719, %parallel_loop3A_720] {strides = array<i32>} : memref<8x2048xf32, #tpu.memory_space<vmem>>, vector<16xf32>,
      %parallel_loop3A_722 = arith.addi %mul3A_133, %parallel_loop3A_629 : vector<16xi32>
      %parallel_loop3A_723 = arith.subf %parallel_loop3A_661, %parallel_loop3A_693 : vector<16xf32>
      tpu.vector_store_idx %arg12[%parallel_loop3A_722], %parallel_loop3A_723 {add = true} : memref<1024xf32, #tpu.memory_space<vmem>>[vector<16xi32>], vector<16xf32>,
      %parallel_loop3A_724 = arith.addi %mul3A_133, %parallel_loop3A_633 : vector<16xi32>
      %parallel_loop3A_725 = arith.subf %parallel_loop3A_665, %parallel_loop3A_697 : vector<16xf32>
      tpu.vector_store_idx %arg12[%parallel_loop3A_724], %parallel_loop3A_725 {add = true} : memref<1024xf32, #tpu.memory_space<vmem>>[vector<16xi32>], vector<16xf32>,
      %parallel_loop3A_726 = arith.addi %mul3A_133, %parallel_loop3A_637 : vector<16xi32>
      %parallel_loop3A_727 = arith.subf %parallel_loop3A_669, %parallel_loop3A_701 : vector<16xf32>
      tpu.vector_store_idx %arg12[%parallel_loop3A_726], %parallel_loop3A_727 {add = true} : memref<1024xf32, #tpu.memory_space<vmem>>[vector<16xi32>], vector<16xf32>,
      %parallel_loop3A_728 = arith.addi %mul3A_133, %parallel_loop3A_641 : vector<16xi32>
      %parallel_loop3A_729 = arith.subf %parallel_loop3A_673, %parallel_loop3A_705 : vector<16xf32>
      tpu.vector_store_idx %arg12[%parallel_loop3A_728], %parallel_loop3A_729 {add = true} : memref<1024xf32, #tpu.memory_space<vmem>>[vector<16xi32>], vector<16xf32>,
      %parallel_loop3A_730 = arith.addi %mul3A_133, %parallel_loop3A_645 : vector<16xi32>
      %parallel_loop3A_731 = arith.subf %parallel_loop3A_677, %parallel_loop3A_709 : vector<16xf32>
      tpu.vector_store_idx %arg12[%parallel_loop3A_730], %parallel_loop3A_731 {add = true} : memref<1024xf32, #tpu.memory_space<vmem>>[vector<16xi32>], vector<16xf32>,
      %parallel_loop3A_732 = arith.addi %mul3A_133, %parallel_loop3A_649 : vector<16xi32>
      %parallel_loop3A_733 = arith.subf %parallel_loop3A_681, %parallel_loop3A_713 : vector<16xf32>
      tpu.vector_store_idx %arg12[%parallel_loop3A_732], %parallel_loop3A_733 {add = true} : memref<1024xf32, #tpu.memory_space<vmem>>[vector<16xi32>], vector<16xf32>,
      %parallel_loop3A_734 = arith.addi %mul3A_133, %parallel_loop3A_653 : vector<16xi32>
      %parallel_loop3A_735 = arith.subf %parallel_loop3A_685, %parallel_loop3A_717 : vector<16xf32>
      tpu.vector_store_idx %arg12[%parallel_loop3A_734], %parallel_loop3A_735 {add = true} : memref<1024xf32, #tpu.memory_space<vmem>>[vector<16xi32>], vector<16xf32>,
      %parallel_loop3A_736 = arith.addi %mul3A_133, %parallel_loop3A_657 : vector<16xi32>
      %parallel_loop3A_737 = arith.subf %parallel_loop3A_689, %parallel_loop3A_721 : vector<16xf32>
      tpu.vector_store_idx %arg12[%parallel_loop3A_736], %parallel_loop3A_737 {add = true} : memref<1024xf32, #tpu.memory_space<vmem>>[vector<16xi32>], vector<16xf32>,
      %parallel_loop3A_738 = arith.addf %parallel_loop3A_623, %parallel_loop3A_661 : vector<16xf32>
      scf.yield %parallel_loop3A_738 : vector<16xf32>
    } {sc.loop_unroll_factor = 2 : i64, sc.parallel_access}
    %mul3A_325 = arith.constant 0.000000e+00 : f32
    %mul3A_326 = vector.broadcast %mul3A_325 : f32 to vector<16xf32>
    %mul3A_327 = arith.mulf %parallel_loop3A_324, %mul3A_326 : vector<16xf32>
    %swap3A_328 = arith.constant 0 : index
    %swap3A_329 = tpu.vector_load %arg12[%swap3A_328] {strides = array<i32>} : memref<1024xf32, #tpu.memory_space<vmem>>, vector<16xf32>,
    tpu.vector_store %arg12[%swap3A_328], %mul3A_327 {add = true, strides = array<i32>} : memref<1024xf32, #tpu.memory_space<vmem>>, vector<16xf32>,
    %add3A_330 = arith.constant 48 : i32
    %add3A_331 = arith.addi %mul3A_2, %add3A_330 : i32
    %dma_start3A_332 = arith.constant 0 : i32
    %dma_start3A_333 = tpu.memref_slice %arg3[%add3A_331, %dma_start3A_332] : memref<2048x2048xi32, #tpu.memory_space<hbm>> -> memref<8x2048xi32, #tpu.memory_space<hbm>>
    %dma_start3A_334 = arith.constant 0 : i32
    %dma_start3A_335 = tpu.memref_slice %arg3[%add3A_331, %dma_start3A_334] : memref<2048x2048xi32, #tpu.memory_space<hbm>> -> memref<8x2048xi32, #tpu.memory_space<hbm>>
    tpu.enqueue_dma source(%dma_start3A_335 : memref<8x2048xi32, #tpu.memory_space<hbm>>) target(%arg6 : memref<8x2048xi32, #tpu.memory_space<vmem>>) target_semaphore(%arg14 : memref<!tpu.dma_semaphore, #tpu.memory_space<semaphore_mem>>)
    %dma_start3A_336 = arith.constant 0 : i32
    %dma_start3A_337 = tpu.memref_slice %arg2[%add3A_331, %dma_start3A_336] : memref<2048x2048xf32, #tpu.memory_space<hbm>> -> memref<8x2048xf32, #tpu.memory_space<hbm>>
    %dma_start3A_338 = arith.constant 0 : i32
    %dma_start3A_339 = tpu.memref_slice %arg2[%add3A_331, %dma_start3A_338] : memref<2048x2048xf32, #tpu.memory_space<hbm>> -> memref<8x2048xf32, #tpu.memory_space<hbm>>
    tpu.enqueue_dma source(%dma_start3A_339 : memref<8x2048xf32, #tpu.memory_space<hbm>>) target(%arg8 : memref<8x2048xf32, #tpu.memory_space<vmem>>) target_semaphore(%arg14 : memref<!tpu.dma_semaphore, #tpu.memory_space<semaphore_mem>>)
    %dma_start3A_340 = arith.constant 0 : i32
    %dma_start3A_341 = tpu.memref_slice %arg4[%add3A_331, %dma_start3A_340] : memref<2048x2048xf32, #tpu.memory_space<hbm>> -> memref<8x2048xf32, #tpu.memory_space<hbm>>
    %dma_start3A_342 = arith.constant 0 : i32
    %dma_start3A_343 = tpu.memref_slice %arg4[%add3A_331, %dma_start3A_342] : memref<2048x2048xf32, #tpu.memory_space<hbm>> -> memref<8x2048xf32, #tpu.memory_space<hbm>>
    tpu.enqueue_dma source(%dma_start3A_343 : memref<8x2048xf32, #tpu.memory_space<hbm>>) target(%arg10 : memref<8x2048xf32, #tpu.memory_space<vmem>>) target_semaphore(%arg14 : memref<!tpu.dma_semaphore, #tpu.memory_space<semaphore_mem>>)
    %dma_wait3A_344 = arith.constant 0 : i32
    %dma_wait3A_345 = tpu.memref_slice %arg3[%add3A_294, %dma_wait3A_344] : memref<2048x2048xi32, #tpu.memory_space<hbm>> -> memref<8x2048xi32, #tpu.memory_space<hbm>>
    %dma_wait3A_346 = arith.constant 0 : i32
    %dma_wait3A_347 = tpu.memref_slice %arg3[%add3A_294, %dma_wait3A_346] : memref<2048x2048xi32, #tpu.memory_space<hbm>> -> memref<8x2048xi32, #tpu.memory_space<hbm>>
    tpu.wait_dma2 semaphore(%arg15 : memref<!tpu.dma_semaphore, #tpu.memory_space<semaphore_mem>>) src(%dma_wait3A_347 : memref<8x2048xi32, #tpu.memory_space<hbm>>) dst(%arg7 : memref<8x2048xi32, #tpu.memory_space<vmem>>)
    %dma_wait3A_348 = arith.constant 0 : i32
    %dma_wait3A_349 = tpu.memref_slice %arg2[%add3A_294, %dma_wait3A_348] : memref<2048x2048xf32, #tpu.memory_space<hbm>> -> memref<8x2048xf32, #tpu.memory_space<hbm>>
    %dma_wait3A_350 = arith.constant 0 : i32
    %dma_wait3A_351 = tpu.memref_slice %arg2[%add3A_294, %dma_wait3A_350] : memref<2048x2048xf32, #tpu.memory_space<hbm>> -> memref<8x2048xf32, #tpu.memory_space<hbm>>
    tpu.wait_dma2 semaphore(%arg15 : memref<!tpu.dma_semaphore, #tpu.memory_space<semaphore_mem>>) src(%dma_wait3A_351 : memref<8x2048xf32, #tpu.memory_space<hbm>>) dst(%arg9 : memref<8x2048xf32, #tpu.memory_space<vmem>>)
    %dma_wait3A_352 = arith.constant 0 : i32
    %dma_wait3A_353 = tpu.memref_slice %arg4[%add3A_294, %dma_wait3A_352] : memref<2048x2048xf32, #tpu.memory_space<hbm>> -> memref<8x2048xf32, #tpu.memory_space<hbm>>
    %dma_wait3A_354 = arith.constant 0 : i32
    %dma_wait3A_355 = tpu.memref_slice %arg4[%add3A_294, %dma_wait3A_354] : memref<2048x2048xf32, #tpu.memory_space<hbm>> -> memref<8x2048xf32, #tpu.memory_space<hbm>>
    tpu.wait_dma2 semaphore(%arg15 : memref<!tpu.dma_semaphore, #tpu.memory_space<semaphore_mem>>) src(%dma_wait3A_355 : memref<8x2048xf32, #tpu.memory_space<hbm>>) dst(%arg11 : memref<8x2048xf32, #tpu.memory_space<vmem>>)
    %broadcast_in_dim3A_356 = arith.constant 0.000000e+00 : f32
    %broadcast_in_dim3A_357 = vector.broadcast %broadcast_in_dim3A_356 : f32 to vector<16xf32>
    %parallel_loop3A_358 = arith.constant 0 : i32
    %parallel_loop3A_359 = arith.constant 128 : i32
    %parallel_loop3A_360 = arith.constant 1 : i32
    %parallel_loop3A_361 = scf.for %parallel_loop3A_622 = %parallel_loop3A_358 to %parallel_loop3A_359 step %parallel_loop3A_360 iter_args(%parallel_loop3A_623 = %broadcast_in_dim3A_357) -> (vector<16xf32>)  : i32 {
      %parallel_loop3A_624 = arith.constant 16 : i32
      %parallel_loop3A_625 = arith.muli %parallel_loop3A_622, %parallel_loop3A_624 : i32
      %parallel_loop3A_626 = arith.constant 0 : i32
      %parallel_loop3A_627 = arith.index_cast %parallel_loop3A_626 : i32 to index
      %parallel_loop3A_628 = arith.index_cast %parallel_loop3A_625 : i32 to index
      %parallel_loop3A_629 = tpu.vector_load %arg7[%parallel_loop3A_627, %parallel_loop3A_628] {strides = array<i32>} : memref<8x2048xi32, #tpu.memory_space<vmem>>, vector<16xi32>,
      %parallel_loop3A_630 = arith.constant 1 : i32
      %parallel_loop3A_631 = arith.index_cast %parallel_loop3A_630 : i32 to index
      %parallel_loop3A_632 = arith.index_cast %parallel_loop3A_625 : i32 to index
      %parallel_loop3A_633 = tpu.vector_load %arg7[%parallel_loop3A_631, %parallel_loop3A_632] {strides = array<i32>} : memref<8x2048xi32, #tpu.memory_space<vmem>>, vector<16xi32>,
      %parallel_loop3A_634 = arith.constant 2 : i32
      %parallel_loop3A_635 = arith.index_cast %parallel_loop3A_634 : i32 to index
      %parallel_loop3A_636 = arith.index_cast %parallel_loop3A_625 : i32 to index
      %parallel_loop3A_637 = tpu.vector_load %arg7[%parallel_loop3A_635, %parallel_loop3A_636] {strides = array<i32>} : memref<8x2048xi32, #tpu.memory_space<vmem>>, vector<16xi32>,
      %parallel_loop3A_638 = arith.constant 3 : i32
      %parallel_loop3A_639 = arith.index_cast %parallel_loop3A_638 : i32 to index
      %parallel_loop3A_640 = arith.index_cast %parallel_loop3A_625 : i32 to index
      %parallel_loop3A_641 = tpu.vector_load %arg7[%parallel_loop3A_639, %parallel_loop3A_640] {strides = array<i32>} : memref<8x2048xi32, #tpu.memory_space<vmem>>, vector<16xi32>,
      %parallel_loop3A_642 = arith.constant 4 : i32
      %parallel_loop3A_643 = arith.index_cast %parallel_loop3A_642 : i32 to index
      %parallel_loop3A_644 = arith.index_cast %parallel_loop3A_625 : i32 to index
      %parallel_loop3A_645 = tpu.vector_load %arg7[%parallel_loop3A_643, %parallel_loop3A_644] {strides = array<i32>} : memref<8x2048xi32, #tpu.memory_space<vmem>>, vector<16xi32>,
      %parallel_loop3A_646 = arith.constant 5 : i32
      %parallel_loop3A_647 = arith.index_cast %parallel_loop3A_646 : i32 to index
      %parallel_loop3A_648 = arith.index_cast %parallel_loop3A_625 : i32 to index
      %parallel_loop3A_649 = tpu.vector_load %arg7[%parallel_loop3A_647, %parallel_loop3A_648] {strides = array<i32>} : memref<8x2048xi32, #tpu.memory_space<vmem>>, vector<16xi32>,
      %parallel_loop3A_650 = arith.constant 6 : i32
      %parallel_loop3A_651 = arith.index_cast %parallel_loop3A_650 : i32 to index
      %parallel_loop3A_652 = arith.index_cast %parallel_loop3A_625 : i32 to index
      %parallel_loop3A_653 = tpu.vector_load %arg7[%parallel_loop3A_651, %parallel_loop3A_652] {strides = array<i32>} : memref<8x2048xi32, #tpu.memory_space<vmem>>, vector<16xi32>,
      %parallel_loop3A_654 = arith.constant 7 : i32
      %parallel_loop3A_655 = arith.index_cast %parallel_loop3A_654 : i32 to index
      %parallel_loop3A_656 = arith.index_cast %parallel_loop3A_625 : i32 to index
      %parallel_loop3A_657 = tpu.vector_load %arg7[%parallel_loop3A_655, %parallel_loop3A_656] {strides = array<i32>} : memref<8x2048xi32, #tpu.memory_space<vmem>>, vector<16xi32>,
      %parallel_loop3A_658 = arith.constant 0 : i32
      %parallel_loop3A_659 = arith.index_cast %parallel_loop3A_658 : i32 to index
      %parallel_loop3A_660 = arith.index_cast %parallel_loop3A_625 : i32 to index
      %parallel_loop3A_661 = tpu.vector_load %arg11[%parallel_loop3A_659, %parallel_loop3A_660] {strides = array<i32>} : memref<8x2048xf32, #tpu.memory_space<vmem>>, vector<16xf32>,
      %parallel_loop3A_662 = arith.constant 1 : i32
      %parallel_loop3A_663 = arith.index_cast %parallel_loop3A_662 : i32 to index
      %parallel_loop3A_664 = arith.index_cast %parallel_loop3A_625 : i32 to index
      %parallel_loop3A_665 = tpu.vector_load %arg11[%parallel_loop3A_663, %parallel_loop3A_664] {strides = array<i32>} : memref<8x2048xf32, #tpu.memory_space<vmem>>, vector<16xf32>,
      %parallel_loop3A_666 = arith.constant 2 : i32
      %parallel_loop3A_667 = arith.index_cast %parallel_loop3A_666 : i32 to index
      %parallel_loop3A_668 = arith.index_cast %parallel_loop3A_625 : i32 to index
      %parallel_loop3A_669 = tpu.vector_load %arg11[%parallel_loop3A_667, %parallel_loop3A_668] {strides = array<i32>} : memref<8x2048xf32, #tpu.memory_space<vmem>>, vector<16xf32>,
      %parallel_loop3A_670 = arith.constant 3 : i32
      %parallel_loop3A_671 = arith.index_cast %parallel_loop3A_670 : i32 to index
      %parallel_loop3A_672 = arith.index_cast %parallel_loop3A_625 : i32 to index
      %parallel_loop3A_673 = tpu.vector_load %arg11[%parallel_loop3A_671, %parallel_loop3A_672] {strides = array<i32>} : memref<8x2048xf32, #tpu.memory_space<vmem>>, vector<16xf32>,
      %parallel_loop3A_674 = arith.constant 4 : i32
      %parallel_loop3A_675 = arith.index_cast %parallel_loop3A_674 : i32 to index
      %parallel_loop3A_676 = arith.index_cast %parallel_loop3A_625 : i32 to index
      %parallel_loop3A_677 = tpu.vector_load %arg11[%parallel_loop3A_675, %parallel_loop3A_676] {strides = array<i32>} : memref<8x2048xf32, #tpu.memory_space<vmem>>, vector<16xf32>,
      %parallel_loop3A_678 = arith.constant 5 : i32
      %parallel_loop3A_679 = arith.index_cast %parallel_loop3A_678 : i32 to index
      %parallel_loop3A_680 = arith.index_cast %parallel_loop3A_625 : i32 to index
      %parallel_loop3A_681 = tpu.vector_load %arg11[%parallel_loop3A_679, %parallel_loop3A_680] {strides = array<i32>} : memref<8x2048xf32, #tpu.memory_space<vmem>>, vector<16xf32>,
      %parallel_loop3A_682 = arith.constant 6 : i32
      %parallel_loop3A_683 = arith.index_cast %parallel_loop3A_682 : i32 to index
      %parallel_loop3A_684 = arith.index_cast %parallel_loop3A_625 : i32 to index
      %parallel_loop3A_685 = tpu.vector_load %arg11[%parallel_loop3A_683, %parallel_loop3A_684] {strides = array<i32>} : memref<8x2048xf32, #tpu.memory_space<vmem>>, vector<16xf32>,
      %parallel_loop3A_686 = arith.constant 7 : i32
      %parallel_loop3A_687 = arith.index_cast %parallel_loop3A_686 : i32 to index
      %parallel_loop3A_688 = arith.index_cast %parallel_loop3A_625 : i32 to index
      %parallel_loop3A_689 = tpu.vector_load %arg11[%parallel_loop3A_687, %parallel_loop3A_688] {strides = array<i32>} : memref<8x2048xf32, #tpu.memory_space<vmem>>, vector<16xf32>,
      %parallel_loop3A_690 = arith.constant 0 : i32
      %parallel_loop3A_691 = arith.index_cast %parallel_loop3A_690 : i32 to index
      %parallel_loop3A_692 = arith.index_cast %parallel_loop3A_625 : i32 to index
      %parallel_loop3A_693 = tpu.vector_load %arg9[%parallel_loop3A_691, %parallel_loop3A_692] {strides = array<i32>} : memref<8x2048xf32, #tpu.memory_space<vmem>>, vector<16xf32>,
      %parallel_loop3A_694 = arith.constant 1 : i32
      %parallel_loop3A_695 = arith.index_cast %parallel_loop3A_694 : i32 to index
      %parallel_loop3A_696 = arith.index_cast %parallel_loop3A_625 : i32 to index
      %parallel_loop3A_697 = tpu.vector_load %arg9[%parallel_loop3A_695, %parallel_loop3A_696] {strides = array<i32>} : memref<8x2048xf32, #tpu.memory_space<vmem>>, vector<16xf32>,
      %parallel_loop3A_698 = arith.constant 2 : i32
      %parallel_loop3A_699 = arith.index_cast %parallel_loop3A_698 : i32 to index
      %parallel_loop3A_700 = arith.index_cast %parallel_loop3A_625 : i32 to index
      %parallel_loop3A_701 = tpu.vector_load %arg9[%parallel_loop3A_699, %parallel_loop3A_700] {strides = array<i32>} : memref<8x2048xf32, #tpu.memory_space<vmem>>, vector<16xf32>,
      %parallel_loop3A_702 = arith.constant 3 : i32
      %parallel_loop3A_703 = arith.index_cast %parallel_loop3A_702 : i32 to index
      %parallel_loop3A_704 = arith.index_cast %parallel_loop3A_625 : i32 to index
      %parallel_loop3A_705 = tpu.vector_load %arg9[%parallel_loop3A_703, %parallel_loop3A_704] {strides = array<i32>} : memref<8x2048xf32, #tpu.memory_space<vmem>>, vector<16xf32>,
      %parallel_loop3A_706 = arith.constant 4 : i32
      %parallel_loop3A_707 = arith.index_cast %parallel_loop3A_706 : i32 to index
      %parallel_loop3A_708 = arith.index_cast %parallel_loop3A_625 : i32 to index
      %parallel_loop3A_709 = tpu.vector_load %arg9[%parallel_loop3A_707, %parallel_loop3A_708] {strides = array<i32>} : memref<8x2048xf32, #tpu.memory_space<vmem>>, vector<16xf32>,
      %parallel_loop3A_710 = arith.constant 5 : i32
      %parallel_loop3A_711 = arith.index_cast %parallel_loop3A_710 : i32 to index
      %parallel_loop3A_712 = arith.index_cast %parallel_loop3A_625 : i32 to index
      %parallel_loop3A_713 = tpu.vector_load %arg9[%parallel_loop3A_711, %parallel_loop3A_712] {strides = array<i32>} : memref<8x2048xf32, #tpu.memory_space<vmem>>, vector<16xf32>,
      %parallel_loop3A_714 = arith.constant 6 : i32
      %parallel_loop3A_715 = arith.index_cast %parallel_loop3A_714 : i32 to index
      %parallel_loop3A_716 = arith.index_cast %parallel_loop3A_625 : i32 to index
      %parallel_loop3A_717 = tpu.vector_load %arg9[%parallel_loop3A_715, %parallel_loop3A_716] {strides = array<i32>} : memref<8x2048xf32, #tpu.memory_space<vmem>>, vector<16xf32>,
      %parallel_loop3A_718 = arith.constant 7 : i32
      %parallel_loop3A_719 = arith.index_cast %parallel_loop3A_718 : i32 to index
      %parallel_loop3A_720 = arith.index_cast %parallel_loop3A_625 : i32 to index
      %parallel_loop3A_721 = tpu.vector_load %arg9[%parallel_loop3A_719, %parallel_loop3A_720] {strides = array<i32>} : memref<8x2048xf32, #tpu.memory_space<vmem>>, vector<16xf32>,
      %parallel_loop3A_722 = arith.addi %mul3A_133, %parallel_loop3A_629 : vector<16xi32>
      %parallel_loop3A_723 = arith.subf %parallel_loop3A_661, %parallel_loop3A_693 : vector<16xf32>
      tpu.vector_store_idx %arg12[%parallel_loop3A_722], %parallel_loop3A_723 {add = true} : memref<1024xf32, #tpu.memory_space<vmem>>[vector<16xi32>], vector<16xf32>,
      %parallel_loop3A_724 = arith.addi %mul3A_133, %parallel_loop3A_633 : vector<16xi32>
      %parallel_loop3A_725 = arith.subf %parallel_loop3A_665, %parallel_loop3A_697 : vector<16xf32>
      tpu.vector_store_idx %arg12[%parallel_loop3A_724], %parallel_loop3A_725 {add = true} : memref<1024xf32, #tpu.memory_space<vmem>>[vector<16xi32>], vector<16xf32>,
      %parallel_loop3A_726 = arith.addi %mul3A_133, %parallel_loop3A_637 : vector<16xi32>
      %parallel_loop3A_727 = arith.subf %parallel_loop3A_669, %parallel_loop3A_701 : vector<16xf32>
      tpu.vector_store_idx %arg12[%parallel_loop3A_726], %parallel_loop3A_727 {add = true} : memref<1024xf32, #tpu.memory_space<vmem>>[vector<16xi32>], vector<16xf32>,
      %parallel_loop3A_728 = arith.addi %mul3A_133, %parallel_loop3A_641 : vector<16xi32>
      %parallel_loop3A_729 = arith.subf %parallel_loop3A_673, %parallel_loop3A_705 : vector<16xf32>
      tpu.vector_store_idx %arg12[%parallel_loop3A_728], %parallel_loop3A_729 {add = true} : memref<1024xf32, #tpu.memory_space<vmem>>[vector<16xi32>], vector<16xf32>,
      %parallel_loop3A_730 = arith.addi %mul3A_133, %parallel_loop3A_645 : vector<16xi32>
      %parallel_loop3A_731 = arith.subf %parallel_loop3A_677, %parallel_loop3A_709 : vector<16xf32>
      tpu.vector_store_idx %arg12[%parallel_loop3A_730], %parallel_loop3A_731 {add = true} : memref<1024xf32, #tpu.memory_space<vmem>>[vector<16xi32>], vector<16xf32>,
      %parallel_loop3A_732 = arith.addi %mul3A_133, %parallel_loop3A_649 : vector<16xi32>
      %parallel_loop3A_733 = arith.subf %parallel_loop3A_681, %parallel_loop3A_713 : vector<16xf32>
      tpu.vector_store_idx %arg12[%parallel_loop3A_732], %parallel_loop3A_733 {add = true} : memref<1024xf32, #tpu.memory_space<vmem>>[vector<16xi32>], vector<16xf32>,
      %parallel_loop3A_734 = arith.addi %mul3A_133, %parallel_loop3A_653 : vector<16xi32>
      %parallel_loop3A_735 = arith.subf %parallel_loop3A_685, %parallel_loop3A_717 : vector<16xf32>
      tpu.vector_store_idx %arg12[%parallel_loop3A_734], %parallel_loop3A_735 {add = true} : memref<1024xf32, #tpu.memory_space<vmem>>[vector<16xi32>], vector<16xf32>,
      %parallel_loop3A_736 = arith.addi %mul3A_133, %parallel_loop3A_657 : vector<16xi32>
      %parallel_loop3A_737 = arith.subf %parallel_loop3A_689, %parallel_loop3A_721 : vector<16xf32>
      tpu.vector_store_idx %arg12[%parallel_loop3A_736], %parallel_loop3A_737 {add = true} : memref<1024xf32, #tpu.memory_space<vmem>>[vector<16xi32>], vector<16xf32>,
      %parallel_loop3A_738 = arith.addf %parallel_loop3A_623, %parallel_loop3A_661 : vector<16xf32>
      scf.yield %parallel_loop3A_738 : vector<16xf32>
    } {sc.loop_unroll_factor = 2 : i64, sc.parallel_access}
    %mul3A_362 = arith.constant 0.000000e+00 : f32
    %mul3A_363 = vector.broadcast %mul3A_362 : f32 to vector<16xf32>
    %mul3A_364 = arith.mulf %parallel_loop3A_361, %mul3A_363 : vector<16xf32>
    %swap3A_365 = arith.constant 0 : index
    %swap3A_366 = tpu.vector_load %arg12[%swap3A_365] {strides = array<i32>} : memref<1024xf32, #tpu.memory_space<vmem>>, vector<16xf32>,
    tpu.vector_store %arg12[%swap3A_365], %mul3A_364 {add = true, strides = array<i32>} : memref<1024xf32, #tpu.memory_space<vmem>>, vector<16xf32>,
    %add3A_367 = arith.constant 56 : i32
    %add3A_368 = arith.addi %mul3A_2, %add3A_367 : i32
    %dma_start3A_369 = arith.constant 0 : i32
    %dma_start3A_370 = tpu.memref_slice %arg3[%add3A_368, %dma_start3A_369] : memref<2048x2048xi32, #tpu.memory_space<hbm>> -> memref<8x2048xi32, #tpu.memory_space<hbm>>
    %dma_start3A_371 = arith.constant 0 : i32
    %dma_start3A_372 = tpu.memref_slice %arg3[%add3A_368, %dma_start3A_371] : memref<2048x2048xi32, #tpu.memory_space<hbm>> -> memref<8x2048xi32, #tpu.memory_space<hbm>>
    tpu.enqueue_dma source(%dma_start3A_372 : memref<8x2048xi32, #tpu.memory_space<hbm>>) target(%arg7 : memref<8x2048xi32, #tpu.memory_space<vmem>>) target_semaphore(%arg15 : memref<!tpu.dma_semaphore, #tpu.memory_space<semaphore_mem>>)
    %dma_start3A_373 = arith.constant 0 : i32
    %dma_start3A_374 = tpu.memref_slice %arg2[%add3A_368, %dma_start3A_373] : memref<2048x2048xf32, #tpu.memory_space<hbm>> -> memref<8x2048xf32, #tpu.memory_space<hbm>>
    %dma_start3A_375 = arith.constant 0 : i32
    %dma_start3A_376 = tpu.memref_slice %arg2[%add3A_368, %dma_start3A_375] : memref<2048x2048xf32, #tpu.memory_space<hbm>> -> memref<8x2048xf32, #tpu.memory_space<hbm>>
    tpu.enqueue_dma source(%dma_start3A_376 : memref<8x2048xf32, #tpu.memory_space<hbm>>) target(%arg9 : memref<8x2048xf32, #tpu.memory_space<vmem>>) target_semaphore(%arg15 : memref<!tpu.dma_semaphore, #tpu.memory_space<semaphore_mem>>)
    %dma_start3A_377 = arith.constant 0 : i32
    %dma_start3A_378 = tpu.memref_slice %arg4[%add3A_368, %dma_start3A_377] : memref<2048x2048xf32, #tpu.memory_space<hbm>> -> memref<8x2048xf32, #tpu.memory_space<hbm>>
    %dma_start3A_379 = arith.constant 0 : i32
    %dma_start3A_380 = tpu.memref_slice %arg4[%add3A_368, %dma_start3A_379] : memref<2048x2048xf32, #tpu.memory_space<hbm>> -> memref<8x2048xf32, #tpu.memory_space<hbm>>
    tpu.enqueue_dma source(%dma_start3A_380 : memref<8x2048xf32, #tpu.memory_space<hbm>>) target(%arg11 : memref<8x2048xf32, #tpu.memory_space<vmem>>) target_semaphore(%arg15 : memref<!tpu.dma_semaphore, #tpu.memory_space<semaphore_mem>>)
    %dma_wait3A_381 = arith.constant 0 : i32
    %dma_wait3A_382 = tpu.memref_slice %arg3[%add3A_331, %dma_wait3A_381] : memref<2048x2048xi32, #tpu.memory_space<hbm>> -> memref<8x2048xi32, #tpu.memory_space<hbm>>
    %dma_wait3A_383 = arith.constant 0 : i32
    %dma_wait3A_384 = tpu.memref_slice %arg3[%add3A_331, %dma_wait3A_383] : memref<2048x2048xi32, #tpu.memory_space<hbm>> -> memref<8x2048xi32, #tpu.memory_space<hbm>>
    tpu.wait_dma2 semaphore(%arg14 : memref<!tpu.dma_semaphore, #tpu.memory_space<semaphore_mem>>) src(%dma_wait3A_384 : memref<8x2048xi32, #tpu.memory_space<hbm>>) dst(%arg6 : memref<8x2048xi32, #tpu.memory_space<vmem>>)
    %dma_wait3A_385 = arith.constant 0 : i32
    %dma_wait3A_386 = tpu.memref_slice %arg2[%add3A_331, %dma_wait3A_385] : memref<2048x2048xf32, #tpu.memory_space<hbm>> -> memref<8x2048xf32, #tpu.memory_space<hbm>>
    %dma_wait3A_387 = arith.constant 0 : i32
    %dma_wait3A_388 = tpu.memref_slice %arg2[%add3A_331, %dma_wait3A_387] : memref<2048x2048xf32, #tpu.memory_space<hbm>> -> memref<8x2048xf32, #tpu.memory_space<hbm>>
    tpu.wait_dma2 semaphore(%arg14 : memref<!tpu.dma_semaphore, #tpu.memory_space<semaphore_mem>>) src(%dma_wait3A_388 : memref<8x2048xf32, #tpu.memory_space<hbm>>) dst(%arg8 : memref<8x2048xf32, #tpu.memory_space<vmem>>)
    %dma_wait3A_389 = arith.constant 0 : i32
    %dma_wait3A_390 = tpu.memref_slice %arg4[%add3A_331, %dma_wait3A_389] : memref<2048x2048xf32, #tpu.memory_space<hbm>> -> memref<8x2048xf32, #tpu.memory_space<hbm>>
    %dma_wait3A_391 = arith.constant 0 : i32
    %dma_wait3A_392 = tpu.memref_slice %arg4[%add3A_331, %dma_wait3A_391] : memref<2048x2048xf32, #tpu.memory_space<hbm>> -> memref<8x2048xf32, #tpu.memory_space<hbm>>
    tpu.wait_dma2 semaphore(%arg14 : memref<!tpu.dma_semaphore, #tpu.memory_space<semaphore_mem>>) src(%dma_wait3A_392 : memref<8x2048xf32, #tpu.memory_space<hbm>>) dst(%arg10 : memref<8x2048xf32, #tpu.memory_space<vmem>>)
    %broadcast_in_dim3A_393 = arith.constant 0.000000e+00 : f32
    %broadcast_in_dim3A_394 = vector.broadcast %broadcast_in_dim3A_393 : f32 to vector<16xf32>
    %parallel_loop3A_395 = arith.constant 0 : i32
    %parallel_loop3A_396 = arith.constant 128 : i32
    %parallel_loop3A_397 = arith.constant 1 : i32
    %parallel_loop3A_398 = scf.for %parallel_loop3A_622 = %parallel_loop3A_395 to %parallel_loop3A_396 step %parallel_loop3A_397 iter_args(%parallel_loop3A_623 = %broadcast_in_dim3A_394) -> (vector<16xf32>)  : i32 {
      %parallel_loop3A_624 = arith.constant 16 : i32
      %parallel_loop3A_625 = arith.muli %parallel_loop3A_622, %parallel_loop3A_624 : i32
      %parallel_loop3A_626 = arith.constant 0 : i32
      %parallel_loop3A_627 = arith.index_cast %parallel_loop3A_626 : i32 to index
      %parallel_loop3A_628 = arith.index_cast %parallel_loop3A_625 : i32 to index
      %parallel_loop3A_629 = tpu.vector_load %arg6[%parallel_loop3A_627, %parallel_loop3A_628] {strides = array<i32>} : memref<8x2048xi32, #tpu.memory_space<vmem>>, vector<16xi32>,
      %parallel_loop3A_630 = arith.constant 1 : i32
      %parallel_loop3A_631 = arith.index_cast %parallel_loop3A_630 : i32 to index
      %parallel_loop3A_632 = arith.index_cast %parallel_loop3A_625 : i32 to index
      %parallel_loop3A_633 = tpu.vector_load %arg6[%parallel_loop3A_631, %parallel_loop3A_632] {strides = array<i32>} : memref<8x2048xi32, #tpu.memory_space<vmem>>, vector<16xi32>,
      %parallel_loop3A_634 = arith.constant 2 : i32
      %parallel_loop3A_635 = arith.index_cast %parallel_loop3A_634 : i32 to index
      %parallel_loop3A_636 = arith.index_cast %parallel_loop3A_625 : i32 to index
      %parallel_loop3A_637 = tpu.vector_load %arg6[%parallel_loop3A_635, %parallel_loop3A_636] {strides = array<i32>} : memref<8x2048xi32, #tpu.memory_space<vmem>>, vector<16xi32>,
      %parallel_loop3A_638 = arith.constant 3 : i32
      %parallel_loop3A_639 = arith.index_cast %parallel_loop3A_638 : i32 to index
      %parallel_loop3A_640 = arith.index_cast %parallel_loop3A_625 : i32 to index
      %parallel_loop3A_641 = tpu.vector_load %arg6[%parallel_loop3A_639, %parallel_loop3A_640] {strides = array<i32>} : memref<8x2048xi32, #tpu.memory_space<vmem>>, vector<16xi32>,
      %parallel_loop3A_642 = arith.constant 4 : i32
      %parallel_loop3A_643 = arith.index_cast %parallel_loop3A_642 : i32 to index
      %parallel_loop3A_644 = arith.index_cast %parallel_loop3A_625 : i32 to index
      %parallel_loop3A_645 = tpu.vector_load %arg6[%parallel_loop3A_643, %parallel_loop3A_644] {strides = array<i32>} : memref<8x2048xi32, #tpu.memory_space<vmem>>, vector<16xi32>,
      %parallel_loop3A_646 = arith.constant 5 : i32
      %parallel_loop3A_647 = arith.index_cast %parallel_loop3A_646 : i32 to index
      %parallel_loop3A_648 = arith.index_cast %parallel_loop3A_625 : i32 to index
      %parallel_loop3A_649 = tpu.vector_load %arg6[%parallel_loop3A_647, %parallel_loop3A_648] {strides = array<i32>} : memref<8x2048xi32, #tpu.memory_space<vmem>>, vector<16xi32>,
      %parallel_loop3A_650 = arith.constant 6 : i32
      %parallel_loop3A_651 = arith.index_cast %parallel_loop3A_650 : i32 to index
      %parallel_loop3A_652 = arith.index_cast %parallel_loop3A_625 : i32 to index
      %parallel_loop3A_653 = tpu.vector_load %arg6[%parallel_loop3A_651, %parallel_loop3A_652] {strides = array<i32>} : memref<8x2048xi32, #tpu.memory_space<vmem>>, vector<16xi32>,
      %parallel_loop3A_654 = arith.constant 7 : i32
      %parallel_loop3A_655 = arith.index_cast %parallel_loop3A_654 : i32 to index
      %parallel_loop3A_656 = arith.index_cast %parallel_loop3A_625 : i32 to index
      %parallel_loop3A_657 = tpu.vector_load %arg6[%parallel_loop3A_655, %parallel_loop3A_656] {strides = array<i32>} : memref<8x2048xi32, #tpu.memory_space<vmem>>, vector<16xi32>,
      %parallel_loop3A_658 = arith.constant 0 : i32
      %parallel_loop3A_659 = arith.index_cast %parallel_loop3A_658 : i32 to index
      %parallel_loop3A_660 = arith.index_cast %parallel_loop3A_625 : i32 to index
      %parallel_loop3A_661 = tpu.vector_load %arg10[%parallel_loop3A_659, %parallel_loop3A_660] {strides = array<i32>} : memref<8x2048xf32, #tpu.memory_space<vmem>>, vector<16xf32>,
      %parallel_loop3A_662 = arith.constant 1 : i32
      %parallel_loop3A_663 = arith.index_cast %parallel_loop3A_662 : i32 to index
      %parallel_loop3A_664 = arith.index_cast %parallel_loop3A_625 : i32 to index
      %parallel_loop3A_665 = tpu.vector_load %arg10[%parallel_loop3A_663, %parallel_loop3A_664] {strides = array<i32>} : memref<8x2048xf32, #tpu.memory_space<vmem>>, vector<16xf32>,
      %parallel_loop3A_666 = arith.constant 2 : i32
      %parallel_loop3A_667 = arith.index_cast %parallel_loop3A_666 : i32 to index
      %parallel_loop3A_668 = arith.index_cast %parallel_loop3A_625 : i32 to index
      %parallel_loop3A_669 = tpu.vector_load %arg10[%parallel_loop3A_667, %parallel_loop3A_668] {strides = array<i32>} : memref<8x2048xf32, #tpu.memory_space<vmem>>, vector<16xf32>,
      %parallel_loop3A_670 = arith.constant 3 : i32
      %parallel_loop3A_671 = arith.index_cast %parallel_loop3A_670 : i32 to index
      %parallel_loop3A_672 = arith.index_cast %parallel_loop3A_625 : i32 to index
      %parallel_loop3A_673 = tpu.vector_load %arg10[%parallel_loop3A_671, %parallel_loop3A_672] {strides = array<i32>} : memref<8x2048xf32, #tpu.memory_space<vmem>>, vector<16xf32>,
      %parallel_loop3A_674 = arith.constant 4 : i32
      %parallel_loop3A_675 = arith.index_cast %parallel_loop3A_674 : i32 to index
      %parallel_loop3A_676 = arith.index_cast %parallel_loop3A_625 : i32 to index
      %parallel_loop3A_677 = tpu.vector_load %arg10[%parallel_loop3A_675, %parallel_loop3A_676] {strides = array<i32>} : memref<8x2048xf32, #tpu.memory_space<vmem>>, vector<16xf32>,
      %parallel_loop3A_678 = arith.constant 5 : i32
      %parallel_loop3A_679 = arith.index_cast %parallel_loop3A_678 : i32 to index
      %parallel_loop3A_680 = arith.index_cast %parallel_loop3A_625 : i32 to index
      %parallel_loop3A_681 = tpu.vector_load %arg10[%parallel_loop3A_679, %parallel_loop3A_680] {strides = array<i32>} : memref<8x2048xf32, #tpu.memory_space<vmem>>, vector<16xf32>,
      %parallel_loop3A_682 = arith.constant 6 : i32
      %parallel_loop3A_683 = arith.index_cast %parallel_loop3A_682 : i32 to index
      %parallel_loop3A_684 = arith.index_cast %parallel_loop3A_625 : i32 to index
      %parallel_loop3A_685 = tpu.vector_load %arg10[%parallel_loop3A_683, %parallel_loop3A_684] {strides = array<i32>} : memref<8x2048xf32, #tpu.memory_space<vmem>>, vector<16xf32>,
      %parallel_loop3A_686 = arith.constant 7 : i32
      %parallel_loop3A_687 = arith.index_cast %parallel_loop3A_686 : i32 to index
      %parallel_loop3A_688 = arith.index_cast %parallel_loop3A_625 : i32 to index
      %parallel_loop3A_689 = tpu.vector_load %arg10[%parallel_loop3A_687, %parallel_loop3A_688] {strides = array<i32>} : memref<8x2048xf32, #tpu.memory_space<vmem>>, vector<16xf32>,
      %parallel_loop3A_690 = arith.constant 0 : i32
      %parallel_loop3A_691 = arith.index_cast %parallel_loop3A_690 : i32 to index
      %parallel_loop3A_692 = arith.index_cast %parallel_loop3A_625 : i32 to index
      %parallel_loop3A_693 = tpu.vector_load %arg8[%parallel_loop3A_691, %parallel_loop3A_692] {strides = array<i32>} : memref<8x2048xf32, #tpu.memory_space<vmem>>, vector<16xf32>,
      %parallel_loop3A_694 = arith.constant 1 : i32
      %parallel_loop3A_695 = arith.index_cast %parallel_loop3A_694 : i32 to index
      %parallel_loop3A_696 = arith.index_cast %parallel_loop3A_625 : i32 to index
      %parallel_loop3A_697 = tpu.vector_load %arg8[%parallel_loop3A_695, %parallel_loop3A_696] {strides = array<i32>} : memref<8x2048xf32, #tpu.memory_space<vmem>>, vector<16xf32>,
      %parallel_loop3A_698 = arith.constant 2 : i32
      %parallel_loop3A_699 = arith.index_cast %parallel_loop3A_698 : i32 to index
      %parallel_loop3A_700 = arith.index_cast %parallel_loop3A_625 : i32 to index
      %parallel_loop3A_701 = tpu.vector_load %arg8[%parallel_loop3A_699, %parallel_loop3A_700] {strides = array<i32>} : memref<8x2048xf32, #tpu.memory_space<vmem>>, vector<16xf32>,
      %parallel_loop3A_702 = arith.constant 3 : i32
      %parallel_loop3A_703 = arith.index_cast %parallel_loop3A_702 : i32 to index
      %parallel_loop3A_704 = arith.index_cast %parallel_loop3A_625 : i32 to index
      %parallel_loop3A_705 = tpu.vector_load %arg8[%parallel_loop3A_703, %parallel_loop3A_704] {strides = array<i32>} : memref<8x2048xf32, #tpu.memory_space<vmem>>, vector<16xf32>,
      %parallel_loop3A_706 = arith.constant 4 : i32
      %parallel_loop3A_707 = arith.index_cast %parallel_loop3A_706 : i32 to index
      %parallel_loop3A_708 = arith.index_cast %parallel_loop3A_625 : i32 to index
      %parallel_loop3A_709 = tpu.vector_load %arg8[%parallel_loop3A_707, %parallel_loop3A_708] {strides = array<i32>} : memref<8x2048xf32, #tpu.memory_space<vmem>>, vector<16xf32>,
      %parallel_loop3A_710 = arith.constant 5 : i32
      %parallel_loop3A_711 = arith.index_cast %parallel_loop3A_710 : i32 to index
      %parallel_loop3A_712 = arith.index_cast %parallel_loop3A_625 : i32 to index
      %parallel_loop3A_713 = tpu.vector_load %arg8[%parallel_loop3A_711, %parallel_loop3A_712] {strides = array<i32>} : memref<8x2048xf32, #tpu.memory_space<vmem>>, vector<16xf32>,
      %parallel_loop3A_714 = arith.constant 6 : i32
      %parallel_loop3A_715 = arith.index_cast %parallel_loop3A_714 : i32 to index
      %parallel_loop3A_716 = arith.index_cast %parallel_loop3A_625 : i32 to index
      %parallel_loop3A_717 = tpu.vector_load %arg8[%parallel_loop3A_715, %parallel_loop3A_716] {strides = array<i32>} : memref<8x2048xf32, #tpu.memory_space<vmem>>, vector<16xf32>,
      %parallel_loop3A_718 = arith.constant 7 : i32
      %parallel_loop3A_719 = arith.index_cast %parallel_loop3A_718 : i32 to index
      %parallel_loop3A_720 = arith.index_cast %parallel_loop3A_625 : i32 to index
      %parallel_loop3A_721 = tpu.vector_load %arg8[%parallel_loop3A_719, %parallel_loop3A_720] {strides = array<i32>} : memref<8x2048xf32, #tpu.memory_space<vmem>>, vector<16xf32>,
      %parallel_loop3A_722 = arith.addi %mul3A_133, %parallel_loop3A_629 : vector<16xi32>
      %parallel_loop3A_723 = arith.subf %parallel_loop3A_661, %parallel_loop3A_693 : vector<16xf32>
      tpu.vector_store_idx %arg12[%parallel_loop3A_722], %parallel_loop3A_723 {add = true} : memref<1024xf32, #tpu.memory_space<vmem>>[vector<16xi32>], vector<16xf32>,
      %parallel_loop3A_724 = arith.addi %mul3A_133, %parallel_loop3A_633 : vector<16xi32>
      %parallel_loop3A_725 = arith.subf %parallel_loop3A_665, %parallel_loop3A_697 : vector<16xf32>
      tpu.vector_store_idx %arg12[%parallel_loop3A_724], %parallel_loop3A_725 {add = true} : memref<1024xf32, #tpu.memory_space<vmem>>[vector<16xi32>], vector<16xf32>,
      %parallel_loop3A_726 = arith.addi %mul3A_133, %parallel_loop3A_637 : vector<16xi32>
      %parallel_loop3A_727 = arith.subf %parallel_loop3A_669, %parallel_loop3A_701 : vector<16xf32>
      tpu.vector_store_idx %arg12[%parallel_loop3A_726], %parallel_loop3A_727 {add = true} : memref<1024xf32, #tpu.memory_space<vmem>>[vector<16xi32>], vector<16xf32>,
      %parallel_loop3A_728 = arith.addi %mul3A_133, %parallel_loop3A_641 : vector<16xi32>
      %parallel_loop3A_729 = arith.subf %parallel_loop3A_673, %parallel_loop3A_705 : vector<16xf32>
      tpu.vector_store_idx %arg12[%parallel_loop3A_728], %parallel_loop3A_729 {add = true} : memref<1024xf32, #tpu.memory_space<vmem>>[vector<16xi32>], vector<16xf32>,
      %parallel_loop3A_730 = arith.addi %mul3A_133, %parallel_loop3A_645 : vector<16xi32>
      %parallel_loop3A_731 = arith.subf %parallel_loop3A_677, %parallel_loop3A_709 : vector<16xf32>
      tpu.vector_store_idx %arg12[%parallel_loop3A_730], %parallel_loop3A_731 {add = true} : memref<1024xf32, #tpu.memory_space<vmem>>[vector<16xi32>], vector<16xf32>,
      %parallel_loop3A_732 = arith.addi %mul3A_133, %parallel_loop3A_649 : vector<16xi32>
      %parallel_loop3A_733 = arith.subf %parallel_loop3A_681, %parallel_loop3A_713 : vector<16xf32>
      tpu.vector_store_idx %arg12[%parallel_loop3A_732], %parallel_loop3A_733 {add = true} : memref<1024xf32, #tpu.memory_space<vmem>>[vector<16xi32>], vector<16xf32>,
      %parallel_loop3A_734 = arith.addi %mul3A_133, %parallel_loop3A_653 : vector<16xi32>
      %parallel_loop3A_735 = arith.subf %parallel_loop3A_685, %parallel_loop3A_717 : vector<16xf32>
      tpu.vector_store_idx %arg12[%parallel_loop3A_734], %parallel_loop3A_735 {add = true} : memref<1024xf32, #tpu.memory_space<vmem>>[vector<16xi32>], vector<16xf32>,
      %parallel_loop3A_736 = arith.addi %mul3A_133, %parallel_loop3A_657 : vector<16xi32>
      %parallel_loop3A_737 = arith.subf %parallel_loop3A_689, %parallel_loop3A_721 : vector<16xf32>
      tpu.vector_store_idx %arg12[%parallel_loop3A_736], %parallel_loop3A_737 {add = true} : memref<1024xf32, #tpu.memory_space<vmem>>[vector<16xi32>], vector<16xf32>,
      %parallel_loop3A_738 = arith.addf %parallel_loop3A_623, %parallel_loop3A_661 : vector<16xf32>
      scf.yield %parallel_loop3A_738 : vector<16xf32>
    } {sc.loop_unroll_factor = 2 : i64, sc.parallel_access}
    %mul3A_399 = arith.constant 0.000000e+00 : f32
    %mul3A_400 = vector.broadcast %mul3A_399 : f32 to vector<16xf32>
    %mul3A_401 = arith.mulf %parallel_loop3A_398, %mul3A_400 : vector<16xf32>
    %swap3A_402 = arith.constant 0 : index
    %swap3A_403 = tpu.vector_load %arg12[%swap3A_402] {strides = array<i32>} : memref<1024xf32, #tpu.memory_space<vmem>>, vector<16xf32>,
    tpu.vector_store %arg12[%swap3A_402], %mul3A_401 {add = true, strides = array<i32>} : memref<1024xf32, #tpu.memory_space<vmem>>, vector<16xf32>,
    %dma_wait3A_404 = arith.constant 0 : i32
    %dma_wait3A_405 = tpu.memref_slice %arg3[%add3A_368, %dma_wait3A_404] : memref<2048x2048xi32, #tpu.memory_space<hbm>> -> memref<8x2048xi32, #tpu.memory_space<hbm>>
    %dma_wait3A_406 = arith.constant 0 : i32
    %dma_wait3A_407 = tpu.memref_slice %arg3[%add3A_368, %dma_wait3A_406] : memref<2048x2048xi32, #tpu.memory_space<hbm>> -> memref<8x2048xi32, #tpu.memory_space<hbm>>
    tpu.wait_dma2 semaphore(%arg15 : memref<!tpu.dma_semaphore, #tpu.memory_space<semaphore_mem>>) src(%dma_wait3A_407 : memref<8x2048xi32, #tpu.memory_space<hbm>>) dst(%arg7 : memref<8x2048xi32, #tpu.memory_space<vmem>>)
    %dma_wait3A_408 = arith.constant 0 : i32
    %dma_wait3A_409 = tpu.memref_slice %arg2[%add3A_368, %dma_wait3A_408] : memref<2048x2048xf32, #tpu.memory_space<hbm>> -> memref<8x2048xf32, #tpu.memory_space<hbm>>
    %dma_wait3A_410 = arith.constant 0 : i32
    %dma_wait3A_411 = tpu.memref_slice %arg2[%add3A_368, %dma_wait3A_410] : memref<2048x2048xf32, #tpu.memory_space<hbm>> -> memref<8x2048xf32, #tpu.memory_space<hbm>>
    tpu.wait_dma2 semaphore(%arg15 : memref<!tpu.dma_semaphore, #tpu.memory_space<semaphore_mem>>) src(%dma_wait3A_411 : memref<8x2048xf32, #tpu.memory_space<hbm>>) dst(%arg9 : memref<8x2048xf32, #tpu.memory_space<vmem>>)
    %dma_wait3A_412 = arith.constant 0 : i32
    %dma_wait3A_413 = tpu.memref_slice %arg4[%add3A_368, %dma_wait3A_412] : memref<2048x2048xf32, #tpu.memory_space<hbm>> -> memref<8x2048xf32, #tpu.memory_space<hbm>>
    %dma_wait3A_414 = arith.constant 0 : i32
    %dma_wait3A_415 = tpu.memref_slice %arg4[%add3A_368, %dma_wait3A_414] : memref<2048x2048xf32, #tpu.memory_space<hbm>> -> memref<8x2048xf32, #tpu.memory_space<hbm>>
    tpu.wait_dma2 semaphore(%arg15 : memref<!tpu.dma_semaphore, #tpu.memory_space<semaphore_mem>>) src(%dma_wait3A_415 : memref<8x2048xf32, #tpu.memory_space<hbm>>) dst(%arg11 : memref<8x2048xf32, #tpu.memory_space<vmem>>)
    %broadcast_in_dim3A_416 = arith.constant 0.000000e+00 : f32
    %broadcast_in_dim3A_417 = vector.broadcast %broadcast_in_dim3A_416 : f32 to vector<16xf32>
    %parallel_loop3A_418 = arith.constant 0 : i32
    %parallel_loop3A_419 = arith.constant 128 : i32
    %parallel_loop3A_420 = arith.constant 1 : i32
    %parallel_loop3A_421 = scf.for %parallel_loop3A_622 = %parallel_loop3A_418 to %parallel_loop3A_419 step %parallel_loop3A_420 iter_args(%parallel_loop3A_623 = %broadcast_in_dim3A_417) -> (vector<16xf32>)  : i32 {
      %parallel_loop3A_624 = arith.constant 16 : i32
      %parallel_loop3A_625 = arith.muli %parallel_loop3A_622, %parallel_loop3A_624 : i32
      %parallel_loop3A_626 = arith.constant 0 : i32
      %parallel_loop3A_627 = arith.index_cast %parallel_loop3A_626 : i32 to index
      %parallel_loop3A_628 = arith.index_cast %parallel_loop3A_625 : i32 to index
      %parallel_loop3A_629 = tpu.vector_load %arg7[%parallel_loop3A_627, %parallel_loop3A_628] {strides = array<i32>} : memref<8x2048xi32, #tpu.memory_space<vmem>>, vector<16xi32>,
      %parallel_loop3A_630 = arith.constant 1 : i32
      %parallel_loop3A_631 = arith.index_cast %parallel_loop3A_630 : i32 to index
      %parallel_loop3A_632 = arith.index_cast %parallel_loop3A_625 : i32 to index
      %parallel_loop3A_633 = tpu.vector_load %arg7[%parallel_loop3A_631, %parallel_loop3A_632] {strides = array<i32>} : memref<8x2048xi32, #tpu.memory_space<vmem>>, vector<16xi32>,
      %parallel_loop3A_634 = arith.constant 2 : i32
      %parallel_loop3A_635 = arith.index_cast %parallel_loop3A_634 : i32 to index
      %parallel_loop3A_636 = arith.index_cast %parallel_loop3A_625 : i32 to index
      %parallel_loop3A_637 = tpu.vector_load %arg7[%parallel_loop3A_635, %parallel_loop3A_636] {strides = array<i32>} : memref<8x2048xi32, #tpu.memory_space<vmem>>, vector<16xi32>,
      %parallel_loop3A_638 = arith.constant 3 : i32
      %parallel_loop3A_639 = arith.index_cast %parallel_loop3A_638 : i32 to index
      %parallel_loop3A_640 = arith.index_cast %parallel_loop3A_625 : i32 to index
      %parallel_loop3A_641 = tpu.vector_load %arg7[%parallel_loop3A_639, %parallel_loop3A_640] {strides = array<i32>} : memref<8x2048xi32, #tpu.memory_space<vmem>>, vector<16xi32>,
      %parallel_loop3A_642 = arith.constant 4 : i32
      %parallel_loop3A_643 = arith.index_cast %parallel_loop3A_642 : i32 to index
      %parallel_loop3A_644 = arith.index_cast %parallel_loop3A_625 : i32 to index
      %parallel_loop3A_645 = tpu.vector_load %arg7[%parallel_loop3A_643, %parallel_loop3A_644] {strides = array<i32>} : memref<8x2048xi32, #tpu.memory_space<vmem>>, vector<16xi32>,
      %parallel_loop3A_646 = arith.constant 5 : i32
      %parallel_loop3A_647 = arith.index_cast %parallel_loop3A_646 : i32 to index
      %parallel_loop3A_648 = arith.index_cast %parallel_loop3A_625 : i32 to index
      %parallel_loop3A_649 = tpu.vector_load %arg7[%parallel_loop3A_647, %parallel_loop3A_648] {strides = array<i32>} : memref<8x2048xi32, #tpu.memory_space<vmem>>, vector<16xi32>,
      %parallel_loop3A_650 = arith.constant 6 : i32
      %parallel_loop3A_651 = arith.index_cast %parallel_loop3A_650 : i32 to index
      %parallel_loop3A_652 = arith.index_cast %parallel_loop3A_625 : i32 to index
      %parallel_loop3A_653 = tpu.vector_load %arg7[%parallel_loop3A_651, %parallel_loop3A_652] {strides = array<i32>} : memref<8x2048xi32, #tpu.memory_space<vmem>>, vector<16xi32>,
      %parallel_loop3A_654 = arith.constant 7 : i32
      %parallel_loop3A_655 = arith.index_cast %parallel_loop3A_654 : i32 to index
      %parallel_loop3A_656 = arith.index_cast %parallel_loop3A_625 : i32 to index
      %parallel_loop3A_657 = tpu.vector_load %arg7[%parallel_loop3A_655, %parallel_loop3A_656] {strides = array<i32>} : memref<8x2048xi32, #tpu.memory_space<vmem>>, vector<16xi32>,
      %parallel_loop3A_658 = arith.constant 0 : i32
      %parallel_loop3A_659 = arith.index_cast %parallel_loop3A_658 : i32 to index
      %parallel_loop3A_660 = arith.index_cast %parallel_loop3A_625 : i32 to index
      %parallel_loop3A_661 = tpu.vector_load %arg11[%parallel_loop3A_659, %parallel_loop3A_660] {strides = array<i32>} : memref<8x2048xf32, #tpu.memory_space<vmem>>, vector<16xf32>,
      %parallel_loop3A_662 = arith.constant 1 : i32
      %parallel_loop3A_663 = arith.index_cast %parallel_loop3A_662 : i32 to index
      %parallel_loop3A_664 = arith.index_cast %parallel_loop3A_625 : i32 to index
      %parallel_loop3A_665 = tpu.vector_load %arg11[%parallel_loop3A_663, %parallel_loop3A_664] {strides = array<i32>} : memref<8x2048xf32, #tpu.memory_space<vmem>>, vector<16xf32>,
      %parallel_loop3A_666 = arith.constant 2 : i32
      %parallel_loop3A_667 = arith.index_cast %parallel_loop3A_666 : i32 to index
      %parallel_loop3A_668 = arith.index_cast %parallel_loop3A_625 : i32 to index
      %parallel_loop3A_669 = tpu.vector_load %arg11[%parallel_loop3A_667, %parallel_loop3A_668] {strides = array<i32>} : memref<8x2048xf32, #tpu.memory_space<vmem>>, vector<16xf32>,
      %parallel_loop3A_670 = arith.constant 3 : i32
      %parallel_loop3A_671 = arith.index_cast %parallel_loop3A_670 : i32 to index
      %parallel_loop3A_672 = arith.index_cast %parallel_loop3A_625 : i32 to index
      %parallel_loop3A_673 = tpu.vector_load %arg11[%parallel_loop3A_671, %parallel_loop3A_672] {strides = array<i32>} : memref<8x2048xf32, #tpu.memory_space<vmem>>, vector<16xf32>,
      %parallel_loop3A_674 = arith.constant 4 : i32
      %parallel_loop3A_675 = arith.index_cast %parallel_loop3A_674 : i32 to index
      %parallel_loop3A_676 = arith.index_cast %parallel_loop3A_625 : i32 to index
      %parallel_loop3A_677 = tpu.vector_load %arg11[%parallel_loop3A_675, %parallel_loop3A_676] {strides = array<i32>} : memref<8x2048xf32, #tpu.memory_space<vmem>>, vector<16xf32>,
      %parallel_loop3A_678 = arith.constant 5 : i32
      %parallel_loop3A_679 = arith.index_cast %parallel_loop3A_678 : i32 to index
      %parallel_loop3A_680 = arith.index_cast %parallel_loop3A_625 : i32 to index
      %parallel_loop3A_681 = tpu.vector_load %arg11[%parallel_loop3A_679, %parallel_loop3A_680] {strides = array<i32>} : memref<8x2048xf32, #tpu.memory_space<vmem>>, vector<16xf32>,
      %parallel_loop3A_682 = arith.constant 6 : i32
      %parallel_loop3A_683 = arith.index_cast %parallel_loop3A_682 : i32 to index
      %parallel_loop3A_684 = arith.index_cast %parallel_loop3A_625 : i32 to index
      %parallel_loop3A_685 = tpu.vector_load %arg11[%parallel_loop3A_683, %parallel_loop3A_684] {strides = array<i32>} : memref<8x2048xf32, #tpu.memory_space<vmem>>, vector<16xf32>,
      %parallel_loop3A_686 = arith.constant 7 : i32
      %parallel_loop3A_687 = arith.index_cast %parallel_loop3A_686 : i32 to index
      %parallel_loop3A_688 = arith.index_cast %parallel_loop3A_625 : i32 to index
      %parallel_loop3A_689 = tpu.vector_load %arg11[%parallel_loop3A_687, %parallel_loop3A_688] {strides = array<i32>} : memref<8x2048xf32, #tpu.memory_space<vmem>>, vector<16xf32>,
      %parallel_loop3A_690 = arith.constant 0 : i32
      %parallel_loop3A_691 = arith.index_cast %parallel_loop3A_690 : i32 to index
      %parallel_loop3A_692 = arith.index_cast %parallel_loop3A_625 : i32 to index
      %parallel_loop3A_693 = tpu.vector_load %arg9[%parallel_loop3A_691, %parallel_loop3A_692] {strides = array<i32>} : memref<8x2048xf32, #tpu.memory_space<vmem>>, vector<16xf32>,
      %parallel_loop3A_694 = arith.constant 1 : i32
      %parallel_loop3A_695 = arith.index_cast %parallel_loop3A_694 : i32 to index
      %parallel_loop3A_696 = arith.index_cast %parallel_loop3A_625 : i32 to index
      %parallel_loop3A_697 = tpu.vector_load %arg9[%parallel_loop3A_695, %parallel_loop3A_696] {strides = array<i32>} : memref<8x2048xf32, #tpu.memory_space<vmem>>, vector<16xf32>,
      %parallel_loop3A_698 = arith.constant 2 : i32
      %parallel_loop3A_699 = arith.index_cast %parallel_loop3A_698 : i32 to index
      %parallel_loop3A_700 = arith.index_cast %parallel_loop3A_625 : i32 to index
      %parallel_loop3A_701 = tpu.vector_load %arg9[%parallel_loop3A_699, %parallel_loop3A_700] {strides = array<i32>} : memref<8x2048xf32, #tpu.memory_space<vmem>>, vector<16xf32>,
      %parallel_loop3A_702 = arith.constant 3 : i32
      %parallel_loop3A_703 = arith.index_cast %parallel_loop3A_702 : i32 to index
      %parallel_loop3A_704 = arith.index_cast %parallel_loop3A_625 : i32 to index
      %parallel_loop3A_705 = tpu.vector_load %arg9[%parallel_loop3A_703, %parallel_loop3A_704] {strides = array<i32>} : memref<8x2048xf32, #tpu.memory_space<vmem>>, vector<16xf32>,
      %parallel_loop3A_706 = arith.constant 4 : i32
      %parallel_loop3A_707 = arith.index_cast %parallel_loop3A_706 : i32 to index
      %parallel_loop3A_708 = arith.index_cast %parallel_loop3A_625 : i32 to index
      %parallel_loop3A_709 = tpu.vector_load %arg9[%parallel_loop3A_707, %parallel_loop3A_708] {strides = array<i32>} : memref<8x2048xf32, #tpu.memory_space<vmem>>, vector<16xf32>,
      %parallel_loop3A_710 = arith.constant 5 : i32
      %parallel_loop3A_711 = arith.index_cast %parallel_loop3A_710 : i32 to index
      %parallel_loop3A_712 = arith.index_cast %parallel_loop3A_625 : i32 to index
      %parallel_loop3A_713 = tpu.vector_load %arg9[%parallel_loop3A_711, %parallel_loop3A_712] {strides = array<i32>} : memref<8x2048xf32, #tpu.memory_space<vmem>>, vector<16xf32>,
      %parallel_loop3A_714 = arith.constant 6 : i32
      %parallel_loop3A_715 = arith.index_cast %parallel_loop3A_714 : i32 to index
      %parallel_loop3A_716 = arith.index_cast %parallel_loop3A_625 : i32 to index
      %parallel_loop3A_717 = tpu.vector_load %arg9[%parallel_loop3A_715, %parallel_loop3A_716] {strides = array<i32>} : memref<8x2048xf32, #tpu.memory_space<vmem>>, vector<16xf32>,
      %parallel_loop3A_718 = arith.constant 7 : i32
      %parallel_loop3A_719 = arith.index_cast %parallel_loop3A_718 : i32 to index
      %parallel_loop3A_720 = arith.index_cast %parallel_loop3A_625 : i32 to index
      %parallel_loop3A_721 = tpu.vector_load %arg9[%parallel_loop3A_719, %parallel_loop3A_720] {strides = array<i32>} : memref<8x2048xf32, #tpu.memory_space<vmem>>, vector<16xf32>,
      %parallel_loop3A_722 = arith.addi %mul3A_133, %parallel_loop3A_629 : vector<16xi32>
      %parallel_loop3A_723 = arith.subf %parallel_loop3A_661, %parallel_loop3A_693 : vector<16xf32>
      tpu.vector_store_idx %arg12[%parallel_loop3A_722], %parallel_loop3A_723 {add = true} : memref<1024xf32, #tpu.memory_space<vmem>>[vector<16xi32>], vector<16xf32>,
      %parallel_loop3A_724 = arith.addi %mul3A_133, %parallel_loop3A_633 : vector<16xi32>
      %parallel_loop3A_725 = arith.subf %parallel_loop3A_665, %parallel_loop3A_697 : vector<16xf32>
      tpu.vector_store_idx %arg12[%parallel_loop3A_724], %parallel_loop3A_725 {add = true} : memref<1024xf32, #tpu.memory_space<vmem>>[vector<16xi32>], vector<16xf32>,
      %parallel_loop3A_726 = arith.addi %mul3A_133, %parallel_loop3A_637 : vector<16xi32>
      %parallel_loop3A_727 = arith.subf %parallel_loop3A_669, %parallel_loop3A_701 : vector<16xf32>
      tpu.vector_store_idx %arg12[%parallel_loop3A_726], %parallel_loop3A_727 {add = true} : memref<1024xf32, #tpu.memory_space<vmem>>[vector<16xi32>], vector<16xf32>,
      %parallel_loop3A_728 = arith.addi %mul3A_133, %parallel_loop3A_641 : vector<16xi32>
      %parallel_loop3A_729 = arith.subf %parallel_loop3A_673, %parallel_loop3A_705 : vector<16xf32>
      tpu.vector_store_idx %arg12[%parallel_loop3A_728], %parallel_loop3A_729 {add = true} : memref<1024xf32, #tpu.memory_space<vmem>>[vector<16xi32>], vector<16xf32>,
      %parallel_loop3A_730 = arith.addi %mul3A_133, %parallel_loop3A_645 : vector<16xi32>
      %parallel_loop3A_731 = arith.subf %parallel_loop3A_677, %parallel_loop3A_709 : vector<16xf32>
      tpu.vector_store_idx %arg12[%parallel_loop3A_730], %parallel_loop3A_731 {add = true} : memref<1024xf32, #tpu.memory_space<vmem>>[vector<16xi32>], vector<16xf32>,
      %parallel_loop3A_732 = arith.addi %mul3A_133, %parallel_loop3A_649 : vector<16xi32>
      %parallel_loop3A_733 = arith.subf %parallel_loop3A_681, %parallel_loop3A_713 : vector<16xf32>
      tpu.vector_store_idx %arg12[%parallel_loop3A_732], %parallel_loop3A_733 {add = true} : memref<1024xf32, #tpu.memory_space<vmem>>[vector<16xi32>], vector<16xf32>,
      %parallel_loop3A_734 = arith.addi %mul3A_133, %parallel_loop3A_653 : vector<16xi32>
      %parallel_loop3A_735 = arith.subf %parallel_loop3A_685, %parallel_loop3A_717 : vector<16xf32>
      tpu.vector_store_idx %arg12[%parallel_loop3A_734], %parallel_loop3A_735 {add = true} : memref<1024xf32, #tpu.memory_space<vmem>>[vector<16xi32>], vector<16xf32>,
      %parallel_loop3A_736 = arith.addi %mul3A_133, %parallel_loop3A_657 : vector<16xi32>
      %parallel_loop3A_737 = arith.subf %parallel_loop3A_689, %parallel_loop3A_721 : vector<16xf32>
      tpu.vector_store_idx %arg12[%parallel_loop3A_736], %parallel_loop3A_737 {add = true} : memref<1024xf32, #tpu.memory_space<vmem>>[vector<16xi32>], vector<16xf32>,
      %parallel_loop3A_738 = arith.addf %parallel_loop3A_623, %parallel_loop3A_661 : vector<16xf32>
      scf.yield %parallel_loop3A_738 : vector<16xf32>
    } {sc.loop_unroll_factor = 2 : i64, sc.parallel_access}
    %mul3A_422 = arith.constant 0.000000e+00 : f32
    %mul3A_423 = vector.broadcast %mul3A_422 : f32 to vector<16xf32>
    %mul3A_424 = arith.mulf %parallel_loop3A_421, %mul3A_423 : vector<16xf32>
    %swap3A_425 = arith.constant 0 : index
    %swap3A_426 = tpu.vector_load %arg12[%swap3A_425] {strides = array<i32>} : memref<1024xf32, #tpu.memory_space<vmem>>, vector<16xf32>,
    tpu.vector_store %arg12[%swap3A_425], %mul3A_424 {add = true, strides = array<i32>} : memref<1024xf32, #tpu.memory_space<vmem>>, vector<16xf32>,
    %get3A = arith.constant 0 : index
    %get3A_427 = tpu.vector_load %arg12[%get3A] {strides = array<i32>} : memref<1024xf32, #tpu.memory_space<vmem>>, vector<16xf32>,
    %get3A_428 = arith.constant 64 : index
    %get3A_429 = tpu.vector_load %arg12[%get3A_428] {strides = array<i32>} : memref<1024xf32, #tpu.memory_space<vmem>>, vector<16xf32>,
    %add3A_430 = arith.addf %get3A_427, %get3A_429 : vector<16xf32>
    %get3A_431 = arith.constant 128 : index
    %get3A_432 = tpu.vector_load %arg12[%get3A_431] {strides = array<i32>} : memref<1024xf32, #tpu.memory_space<vmem>>, vector<16xf32>,
    %add3A_433 = arith.addf %add3A_430, %get3A_432 : vector<16xf32>
    %get3A_434 = arith.constant 192 : index
    %get3A_435 = tpu.vector_load %arg12[%get3A_434] {strides = array<i32>} : memref<1024xf32, #tpu.memory_space<vmem>>, vector<16xf32>,
    %add3A_436 = arith.addf %add3A_433, %get3A_435 : vector<16xf32>
    %get3A_437 = arith.constant 256 : index
    %get3A_438 = tpu.vector_load %arg12[%get3A_437] {strides = array<i32>} : memref<1024xf32, #tpu.memory_space<vmem>>, vector<16xf32>,
    %add3A_439 = arith.addf %add3A_436, %get3A_438 : vector<16xf32>
    %get3A_440 = arith.constant 320 : index
    %get3A_441 = tpu.vector_load %arg12[%get3A_440] {strides = array<i32>} : memref<1024xf32, #tpu.memory_space<vmem>>, vector<16xf32>,
    %add3A_442 = arith.addf %add3A_439, %get3A_441 : vector<16xf32>
    %get3A_443 = arith.constant 384 : index
    %get3A_444 = tpu.vector_load %arg12[%get3A_443] {strides = array<i32>} : memref<1024xf32, #tpu.memory_space<vmem>>, vector<16xf32>,
    %add3A_445 = arith.addf %add3A_442, %get3A_444 : vector<16xf32>
    %get3A_446 = arith.constant 448 : index
    %get3A_447 = tpu.vector_load %arg12[%get3A_446] {strides = array<i32>} : memref<1024xf32, #tpu.memory_space<vmem>>, vector<16xf32>,
    %add3A_448 = arith.addf %add3A_445, %get3A_447 : vector<16xf32>
    %get3A_449 = arith.constant 512 : index
    %get3A_450 = tpu.vector_load %arg12[%get3A_449] {strides = array<i32>} : memref<1024xf32, #tpu.memory_space<vmem>>, vector<16xf32>,
    %add3A_451 = arith.addf %add3A_448, %get3A_450 : vector<16xf32>
    %get3A_452 = arith.constant 576 : index
    %get3A_453 = tpu.vector_load %arg12[%get3A_452] {strides = array<i32>} : memref<1024xf32, #tpu.memory_space<vmem>>, vector<16xf32>,
    %add3A_454 = arith.addf %add3A_451, %get3A_453 : vector<16xf32>
    %get3A_455 = arith.constant 640 : index
    %get3A_456 = tpu.vector_load %arg12[%get3A_455] {strides = array<i32>} : memref<1024xf32, #tpu.memory_space<vmem>>, vector<16xf32>,
    %add3A_457 = arith.addf %add3A_454, %get3A_456 : vector<16xf32>
    %get3A_458 = arith.constant 704 : index
    %get3A_459 = tpu.vector_load %arg12[%get3A_458] {strides = array<i32>} : memref<1024xf32, #tpu.memory_space<vmem>>, vector<16xf32>,
    %add3A_460 = arith.addf %add3A_457, %get3A_459 : vector<16xf32>
    %get3A_461 = arith.constant 768 : index
    %get3A_462 = tpu.vector_load %arg12[%get3A_461] {strides = array<i32>} : memref<1024xf32, #tpu.memory_space<vmem>>, vector<16xf32>,
    %add3A_463 = arith.addf %add3A_460, %get3A_462 : vector<16xf32>
    %get3A_464 = arith.constant 832 : index
    %get3A_465 = tpu.vector_load %arg12[%get3A_464] {strides = array<i32>} : memref<1024xf32, #tpu.memory_space<vmem>>, vector<16xf32>,
    %add3A_466 = arith.addf %add3A_463, %get3A_465 : vector<16xf32>
    %get3A_467 = arith.constant 896 : index
    %get3A_468 = tpu.vector_load %arg12[%get3A_467] {strides = array<i32>} : memref<1024xf32, #tpu.memory_space<vmem>>, vector<16xf32>,
    %add3A_469 = arith.addf %add3A_466, %get3A_468 : vector<16xf32>
    %get3A_470 = arith.constant 960 : index
    %get3A_471 = tpu.vector_load %arg12[%get3A_470] {strides = array<i32>} : memref<1024xf32, #tpu.memory_space<vmem>>, vector<16xf32>,
    %add3A_472 = arith.addf %add3A_469, %get3A_471 : vector<16xf32>
    %swap3A_473 = arith.constant 0 : index
    %swap3A_474 = tpu.vector_load %arg13[%swap3A_473] {strides = array<i32>} : memref<64xf32, #tpu.memory_space<vmem>>, vector<16xf32>,
    tpu.vector_store %arg13[%swap3A_473], %add3A_472 {strides = array<i32>} : memref<64xf32, #tpu.memory_space<vmem>>, vector<16xf32>,
    %get3A_475 = arith.constant 16 : index
    %get3A_476 = tpu.vector_load %arg12[%get3A_475] {strides = array<i32>} : memref<1024xf32, #tpu.memory_space<vmem>>, vector<16xf32>,
    %get3A_477 = arith.constant 80 : index
    %get3A_478 = tpu.vector_load %arg12[%get3A_477] {strides = array<i32>} : memref<1024xf32, #tpu.memory_space<vmem>>, vector<16xf32>,
    %add3A_479 = arith.addf %get3A_476, %get3A_478 : vector<16xf32>
    %get3A_480 = arith.constant 144 : index
    %get3A_481 = tpu.vector_load %arg12[%get3A_480] {strides = array<i32>} : memref<1024xf32, #tpu.memory_space<vmem>>, vector<16xf32>,
    %add3A_482 = arith.addf %add3A_479, %get3A_481 : vector<16xf32>
    %get3A_483 = arith.constant 208 : index
    %get3A_484 = tpu.vector_load %arg12[%get3A_483] {strides = array<i32>} : memref<1024xf32, #tpu.memory_space<vmem>>, vector<16xf32>,
    %add3A_485 = arith.addf %add3A_482, %get3A_484 : vector<16xf32>
    %get3A_486 = arith.constant 272 : index
    %get3A_487 = tpu.vector_load %arg12[%get3A_486] {strides = array<i32>} : memref<1024xf32, #tpu.memory_space<vmem>>, vector<16xf32>,
    %add3A_488 = arith.addf %add3A_485, %get3A_487 : vector<16xf32>
    %get3A_489 = arith.constant 336 : index
    %get3A_490 = tpu.vector_load %arg12[%get3A_489] {strides = array<i32>} : memref<1024xf32, #tpu.memory_space<vmem>>, vector<16xf32>,
    %add3A_491 = arith.addf %add3A_488, %get3A_490 : vector<16xf32>
    %get3A_492 = arith.constant 400 : index
    %get3A_493 = tpu.vector_load %arg12[%get3A_492] {strides = array<i32>} : memref<1024xf32, #tpu.memory_space<vmem>>, vector<16xf32>,
    %add3A_494 = arith.addf %add3A_491, %get3A_493 : vector<16xf32>
    %get3A_495 = arith.constant 464 : index
    %get3A_496 = tpu.vector_load %arg12[%get3A_495] {strides = array<i32>} : memref<1024xf32, #tpu.memory_space<vmem>>, vector<16xf32>,
    %add3A_497 = arith.addf %add3A_494, %get3A_496 : vector<16xf32>
    %get3A_498 = arith.constant 528 : index
    %get3A_499 = tpu.vector_load %arg12[%get3A_498] {strides = array<i32>} : memref<1024xf32, #tpu.memory_space<vmem>>, vector<16xf32>,
    %add3A_500 = arith.addf %add3A_497, %get3A_499 : vector<16xf32>
    %get3A_501 = arith.constant 592 : index
    %get3A_502 = tpu.vector_load %arg12[%get3A_501] {strides = array<i32>} : memref<1024xf32, #tpu.memory_space<vmem>>, vector<16xf32>,
    %add3A_503 = arith.addf %add3A_500, %get3A_502 : vector<16xf32>
    %get3A_504 = arith.constant 656 : index
    %get3A_505 = tpu.vector_load %arg12[%get3A_504] {strides = array<i32>} : memref<1024xf32, #tpu.memory_space<vmem>>, vector<16xf32>,
    %add3A_506 = arith.addf %add3A_503, %get3A_505 : vector<16xf32>
    %get3A_507 = arith.constant 720 : index
    %get3A_508 = tpu.vector_load %arg12[%get3A_507] {strides = array<i32>} : memref<1024xf32, #tpu.memory_space<vmem>>, vector<16xf32>,
    %add3A_509 = arith.addf %add3A_506, %get3A_508 : vector<16xf32>
    %get3A_510 = arith.constant 784 : index
    %get3A_511 = tpu.vector_load %arg12[%get3A_510] {strides = array<i32>} : memref<1024xf32, #tpu.memory_space<vmem>>, vector<16xf32>,
    %add3A_512 = arith.addf %add3A_509, %get3A_511 : vector<16xf32>
    %get3A_513 = arith.constant 848 : index
    %get3A_514 = tpu.vector_load %arg12[%get3A_513] {strides = array<i32>} : memref<1024xf32, #tpu.memory_space<vmem>>, vector<16xf32>,
    %add3A_515 = arith.addf %add3A_512, %get3A_514 : vector<16xf32>
    %get3A_516 = arith.constant 912 : index
    %get3A_517 = tpu.vector_load %arg12[%get3A_516] {strides = array<i32>} : memref<1024xf32, #tpu.memory_space<vmem>>, vector<16xf32>,
    %add3A_518 = arith.addf %add3A_515, %get3A_517 : vector<16xf32>
    %get3A_519 = arith.constant 976 : index
    %get3A_520 = tpu.vector_load %arg12[%get3A_519] {strides = array<i32>} : memref<1024xf32, #tpu.memory_space<vmem>>, vector<16xf32>,
    %add3A_521 = arith.addf %add3A_518, %get3A_520 : vector<16xf32>
    %swap3A_522 = arith.constant 16 : index
    %swap3A_523 = tpu.vector_load %arg13[%swap3A_522] {strides = array<i32>} : memref<64xf32, #tpu.memory_space<vmem>>, vector<16xf32>,
    tpu.vector_store %arg13[%swap3A_522], %add3A_521 {strides = array<i32>} : memref<64xf32, #tpu.memory_space<vmem>>, vector<16xf32>,
    %get3A_524 = arith.constant 32 : index
    %get3A_525 = tpu.vector_load %arg12[%get3A_524] {strides = array<i32>} : memref<1024xf32, #tpu.memory_space<vmem>>, vector<16xf32>,
    %get3A_526 = arith.constant 96 : index
    %get3A_527 = tpu.vector_load %arg12[%get3A_526] {strides = array<i32>} : memref<1024xf32, #tpu.memory_space<vmem>>, vector<16xf32>,
    %add3A_528 = arith.addf %get3A_525, %get3A_527 : vector<16xf32>
    %get3A_529 = arith.constant 160 : index
    %get3A_530 = tpu.vector_load %arg12[%get3A_529] {strides = array<i32>} : memref<1024xf32, #tpu.memory_space<vmem>>, vector<16xf32>,
    %add3A_531 = arith.addf %add3A_528, %get3A_530 : vector<16xf32>
    %get3A_532 = arith.constant 224 : index
    %get3A_533 = tpu.vector_load %arg12[%get3A_532] {strides = array<i32>} : memref<1024xf32, #tpu.memory_space<vmem>>, vector<16xf32>,
    %add3A_534 = arith.addf %add3A_531, %get3A_533 : vector<16xf32>
    %get3A_535 = arith.constant 288 : index
    %get3A_536 = tpu.vector_load %arg12[%get3A_535] {strides = array<i32>} : memref<1024xf32, #tpu.memory_space<vmem>>, vector<16xf32>,
    %add3A_537 = arith.addf %add3A_534, %get3A_536 : vector<16xf32>
    %get3A_538 = arith.constant 352 : index
    %get3A_539 = tpu.vector_load %arg12[%get3A_538] {strides = array<i32>} : memref<1024xf32, #tpu.memory_space<vmem>>, vector<16xf32>,
    %add3A_540 = arith.addf %add3A_537, %get3A_539 : vector<16xf32>
    %get3A_541 = arith.constant 416 : index
    %get3A_542 = tpu.vector_load %arg12[%get3A_541] {strides = array<i32>} : memref<1024xf32, #tpu.memory_space<vmem>>, vector<16xf32>,
    %add3A_543 = arith.addf %add3A_540, %get3A_542 : vector<16xf32>
    %get3A_544 = arith.constant 480 : index
    %get3A_545 = tpu.vector_load %arg12[%get3A_544] {strides = array<i32>} : memref<1024xf32, #tpu.memory_space<vmem>>, vector<16xf32>,
    %add3A_546 = arith.addf %add3A_543, %get3A_545 : vector<16xf32>
    %get3A_547 = arith.constant 544 : index
    %get3A_548 = tpu.vector_load %arg12[%get3A_547] {strides = array<i32>} : memref<1024xf32, #tpu.memory_space<vmem>>, vector<16xf32>,
    %add3A_549 = arith.addf %add3A_546, %get3A_548 : vector<16xf32>
    %get3A_550 = arith.constant 608 : index
    %get3A_551 = tpu.vector_load %arg12[%get3A_550] {strides = array<i32>} : memref<1024xf32, #tpu.memory_space<vmem>>, vector<16xf32>,
    %add3A_552 = arith.addf %add3A_549, %get3A_551 : vector<16xf32>
    %get3A_553 = arith.constant 672 : index
    %get3A_554 = tpu.vector_load %arg12[%get3A_553] {strides = array<i32>} : memref<1024xf32, #tpu.memory_space<vmem>>, vector<16xf32>,
    %add3A_555 = arith.addf %add3A_552, %get3A_554 : vector<16xf32>
    %get3A_556 = arith.constant 736 : index
    %get3A_557 = tpu.vector_load %arg12[%get3A_556] {strides = array<i32>} : memref<1024xf32, #tpu.memory_space<vmem>>, vector<16xf32>,
    %add3A_558 = arith.addf %add3A_555, %get3A_557 : vector<16xf32>
    %get3A_559 = arith.constant 800 : index
    %get3A_560 = tpu.vector_load %arg12[%get3A_559] {strides = array<i32>} : memref<1024xf32, #tpu.memory_space<vmem>>, vector<16xf32>,
    %add3A_561 = arith.addf %add3A_558, %get3A_560 : vector<16xf32>
    %get3A_562 = arith.constant 864 : index
    %get3A_563 = tpu.vector_load %arg12[%get3A_562] {strides = array<i32>} : memref<1024xf32, #tpu.memory_space<vmem>>, vector<16xf32>,
    %add3A_564 = arith.addf %add3A_561, %get3A_563 : vector<16xf32>
    %get3A_565 = arith.constant 928 : index
    %get3A_566 = tpu.vector_load %arg12[%get3A_565] {strides = array<i32>} : memref<1024xf32, #tpu.memory_space<vmem>>, vector<16xf32>,
    %add3A_567 = arith.addf %add3A_564, %get3A_566 : vector<16xf32>
    %get3A_568 = arith.constant 992 : index
    %get3A_569 = tpu.vector_load %arg12[%get3A_568] {strides = array<i32>} : memref<1024xf32, #tpu.memory_space<vmem>>, vector<16xf32>,
    %add3A_570 = arith.addf %add3A_567, %get3A_569 : vector<16xf32>
    %swap3A_571 = arith.constant 32 : index
    %swap3A_572 = tpu.vector_load %arg13[%swap3A_571] {strides = array<i32>} : memref<64xf32, #tpu.memory_space<vmem>>, vector<16xf32>,
    tpu.vector_store %arg13[%swap3A_571], %add3A_570 {strides = array<i32>} : memref<64xf32, #tpu.memory_space<vmem>>, vector<16xf32>,
    %get3A_573 = arith.constant 48 : index
    %get3A_574 = tpu.vector_load %arg12[%get3A_573] {strides = array<i32>} : memref<1024xf32, #tpu.memory_space<vmem>>, vector<16xf32>,
    %get3A_575 = arith.constant 112 : index
    %get3A_576 = tpu.vector_load %arg12[%get3A_575] {strides = array<i32>} : memref<1024xf32, #tpu.memory_space<vmem>>, vector<16xf32>,
    %add3A_577 = arith.addf %get3A_574, %get3A_576 : vector<16xf32>
    %get3A_578 = arith.constant 176 : index
    %get3A_579 = tpu.vector_load %arg12[%get3A_578] {strides = array<i32>} : memref<1024xf32, #tpu.memory_space<vmem>>, vector<16xf32>,
    %add3A_580 = arith.addf %add3A_577, %get3A_579 : vector<16xf32>
    %get3A_581 = arith.constant 240 : index
    %get3A_582 = tpu.vector_load %arg12[%get3A_581] {strides = array<i32>} : memref<1024xf32, #tpu.memory_space<vmem>>, vector<16xf32>,
    %add3A_583 = arith.addf %add3A_580, %get3A_582 : vector<16xf32>
    %get3A_584 = arith.constant 304 : index
    %get3A_585 = tpu.vector_load %arg12[%get3A_584] {strides = array<i32>} : memref<1024xf32, #tpu.memory_space<vmem>>, vector<16xf32>,
    %add3A_586 = arith.addf %add3A_583, %get3A_585 : vector<16xf32>
    %get3A_587 = arith.constant 368 : index
    %get3A_588 = tpu.vector_load %arg12[%get3A_587] {strides = array<i32>} : memref<1024xf32, #tpu.memory_space<vmem>>, vector<16xf32>,
    %add3A_589 = arith.addf %add3A_586, %get3A_588 : vector<16xf32>
    %get3A_590 = arith.constant 432 : index
    %get3A_591 = tpu.vector_load %arg12[%get3A_590] {strides = array<i32>} : memref<1024xf32, #tpu.memory_space<vmem>>, vector<16xf32>,
    %add3A_592 = arith.addf %add3A_589, %get3A_591 : vector<16xf32>
    %get3A_593 = arith.constant 496 : index
    %get3A_594 = tpu.vector_load %arg12[%get3A_593] {strides = array<i32>} : memref<1024xf32, #tpu.memory_space<vmem>>, vector<16xf32>,
    %add3A_595 = arith.addf %add3A_592, %get3A_594 : vector<16xf32>
    %get3A_596 = arith.constant 560 : index
    %get3A_597 = tpu.vector_load %arg12[%get3A_596] {strides = array<i32>} : memref<1024xf32, #tpu.memory_space<vmem>>, vector<16xf32>,
    %add3A_598 = arith.addf %add3A_595, %get3A_597 : vector<16xf32>
    %get3A_599 = arith.constant 624 : index
    %get3A_600 = tpu.vector_load %arg12[%get3A_599] {strides = array<i32>} : memref<1024xf32, #tpu.memory_space<vmem>>, vector<16xf32>,
    %add3A_601 = arith.addf %add3A_598, %get3A_600 : vector<16xf32>
    %get3A_602 = arith.constant 688 : index
    %get3A_603 = tpu.vector_load %arg12[%get3A_602] {strides = array<i32>} : memref<1024xf32, #tpu.memory_space<vmem>>, vector<16xf32>,
    %add3A_604 = arith.addf %add3A_601, %get3A_603 : vector<16xf32>
    %get3A_605 = arith.constant 752 : index
    %get3A_606 = tpu.vector_load %arg12[%get3A_605] {strides = array<i32>} : memref<1024xf32, #tpu.memory_space<vmem>>, vector<16xf32>,
    %add3A_607 = arith.addf %add3A_604, %get3A_606 : vector<16xf32>
    %get3A_608 = arith.constant 816 : index
    %get3A_609 = tpu.vector_load %arg12[%get3A_608] {strides = array<i32>} : memref<1024xf32, #tpu.memory_space<vmem>>, vector<16xf32>,
    %add3A_610 = arith.addf %add3A_607, %get3A_609 : vector<16xf32>
    %get3A_611 = arith.constant 880 : index
    %get3A_612 = tpu.vector_load %arg12[%get3A_611] {strides = array<i32>} : memref<1024xf32, #tpu.memory_space<vmem>>, vector<16xf32>,
    %add3A_613 = arith.addf %add3A_610, %get3A_612 : vector<16xf32>
    %get3A_614 = arith.constant 944 : index
    %get3A_615 = tpu.vector_load %arg12[%get3A_614] {strides = array<i32>} : memref<1024xf32, #tpu.memory_space<vmem>>, vector<16xf32>,
    %add3A_616 = arith.addf %add3A_613, %get3A_615 : vector<16xf32>
    %get3A_617 = arith.constant 1008 : index
    %get3A_618 = tpu.vector_load %arg12[%get3A_617] {strides = array<i32>} : memref<1024xf32, #tpu.memory_space<vmem>>, vector<16xf32>,
    %add3A_619 = arith.addf %add3A_616, %get3A_618 : vector<16xf32>
    %swap3A_620 = arith.constant 48 : index
    %swap3A_621 = tpu.vector_load %arg13[%swap3A_620] {strides = array<i32>} : memref<64xf32, #tpu.memory_space<vmem>>, vector<16xf32>,
    tpu.vector_store %arg13[%swap3A_620], %add3A_619 {strides = array<i32>} : memref<64xf32, #tpu.memory_space<vmem>>, vector<16xf32>,
    "tpu.region"() ({
      %run_scoped3A = tpu.sem_alloc : memref<!tpu.dma_semaphore, #tpu.memory_space<semaphore_mem>>
      %dma_start3A_622 = arith.constant 0 : i32
      %dma_start3A_623 = tpu.memref_slice %arg5[%add3A, %dma_start3A_622] : memref<32x64xf32, #tpu.memory_space<hbm>> -> memref<1x64xf32, #tpu.memory_space<hbm>>
      %dma_start3A_624 = tpu.memref_squeeze %dma_start3A_623 : memref<1x64xf32, #tpu.memory_space<hbm>> -> memref<64xf32, #tpu.memory_space<hbm>>
      %dma_start3A_625 = arith.constant 0 : i32
      %dma_start3A_626 = tpu.memref_slice %arg5[%add3A, %dma_start3A_625] : memref<32x64xf32, #tpu.memory_space<hbm>> -> memref<1x64xf32, #tpu.memory_space<hbm>>
      %dma_start3A_627 = tpu.memref_squeeze %dma_start3A_626 : memref<1x64xf32, #tpu.memory_space<hbm>> -> memref<64xf32, #tpu.memory_space<hbm>>
      tpu.enqueue_dma source(%arg13 : memref<64xf32, #tpu.memory_space<vmem>>) target(%dma_start3A_627 : memref<64xf32, #tpu.memory_space<hbm>>) target_semaphore(%run_scoped3A : memref<!tpu.dma_semaphore, #tpu.memory_space<semaphore_mem>>)
      %dma_wait3A_628 = arith.constant 0 : i32
      %dma_wait3A_629 = tpu.memref_slice %arg5[%add3A, %dma_wait3A_628] : memref<32x64xf32, #tpu.memory_space<hbm>> -> memref<1x64xf32, #tpu.memory_space<hbm>>
      %dma_wait3A_630 = tpu.memref_squeeze %dma_wait3A_629 : memref<1x64xf32, #tpu.memory_space<hbm>> -> memref<64xf32, #tpu.memory_space<hbm>>
      %dma_wait3A_631 = arith.constant 0 : i32
      %dma_wait3A_632 = tpu.memref_slice %arg5[%add3A, %dma_wait3A_631] : memref<32x64xf32, #tpu.memory_space<hbm>> -> memref<1x64xf32, #tpu.memory_space<hbm>>
      %dma_wait3A_633 = tpu.memref_squeeze %dma_wait3A_632 : memref<1x64xf32, #tpu.memory_space<hbm>> -> memref<64xf32, #tpu.memory_space<hbm>>
      tpu.wait_dma2 semaphore(%run_scoped3A : memref<!tpu.dma_semaphore, #tpu.memory_space<semaphore_mem>>) src(%arg13 : memref<64xf32, #tpu.memory_space<vmem>>) dst(%dma_wait3A_633 : memref<64xf32, #tpu.memory_space<hbm>>)
      tpu.yield
    }) : () -> ()
    return
  }
}

</mosaic_0001>

<sc_bundles>
// kernel: kernel.3.cloned.1.call-start
scs
__scs_entry_jumppad:
0x0: {  	(pc) =	sbr.rel $0x88, $3  }
0x1: {  	(tag) =	ssettag $0x0;
	lr =	simm.s32 $0x1  }
0x2: {  	[smem:$0x3F9E] =	sst lr;
	_ =	strace $0xD0000000  }
0x3: {  	_ = 	snop  }
0x4: {  	_ = 	snop  }
0x5: {  	_ = 	snop  }
0x6: {  	_ = 	snop  }
0x7: {  	_ = 	snop  }
__scs_overlays_trampoline_lowered:
0x8: {  	[smem:$0x3FAD] =	sst s0  }
0x9: {  	[smem:$0x3FAE] =	sst s1  }
0xa: {  	[smem:$0x3FAF] =	sst s2  }
0xb: {  	[smem:$0x3FB0] =	sst s3  }
0xc: {  	[smem:$0x3FB1] =	sst s4  }
0xd: {  	[smem:$0x3FB2] =	sst s5  }
0xe: {  	[smem:$0x3FB3] =	sst s6  }
0xf: {  	[smem:$0x3FB4] =	sst s7  }
0x10: {  	[smem:$0x3FB5] =	sst s8  }
0x11: {  	[smem:$0x3FB6] =	sst s9;
	s0 =	simm.s32 @!p0 $0x0  }
0x12: {  	s1 =	sld [smem:$0x3F9C];
	s0 =	simm.s32 @p0 $0x1  }
0x13: {  	[smem:$0x3FB7] =	sst s0;
	s0 =	simm.s32 @!p1 $0x0  }
0x14: {  	s2 =	sld [smem:$0x3F9B];
	s0 =	simm.s32 @p1 $0x1  }
0x15: {  	[smem:$0x3FB8] =	sst s0;
	s0 =	simm.s32 @!p2 $0x0  }
0x16: {  	s3 =	sld [smem:$0x3FDB];
	s0 =	simm.s32 @p2 $0x1  }
0x17: {  	s4 =	simm.s32 $0x1BF5;
	[smem:$0x3FBA] =	sst s0  }
0x18: {  	s0 =	sld [smem:$0x3F9D];
	_ =	swait.ge [sflag:s4], $0x0  }
0x19: {  	s7 =	sld [smem:$0x3F9E]  }
0x1a: {  	s8 =	sadd.s32 $0xFFFFE003, lr  }
0x1b: {  	s9 =	sadd.s32 $0xFFFFFEF7, lr;
	s5 =	simm.s32 $0xFFFFFFFF;
	p2 =	slt.u32 s8, $0xFFFFF086  }
0x1c: {  	p1 =	slt.u32 s9, $0xF7A;
	s5 =	simm.s32 @!p2 $0x0  }
0x1d: {  	s5 =	simm.s32 @p1 $0x1;
	p0 =	seq.s32 s7, s2  }
0x1e: {  	s7 =	smul.u32 @!p0 $0xF7A, s2;
	p2 =	seq.s32 @!p0 s5, $0x0  }
0x1f: {  	s9 =	smul.u32 $0xF7A, s1;
	s8 =	simm.s32 @!p0 $0x1BF5;
	p2 =	por !p2, p0  }
0x20: {  	[sflag:s8] =	ssyncset.s32 @!p0 $0xFFFFF086;
	s6 =	sadd.s32 @!p0 s3, s7;
	s7 =	simm.s32 @!p0 $0x108  }
0x21: {  	s3 =	sadd.s32 s3, s9;
	s6 =	sadd.s32 @!p0 $0x88, s6;
	s7 =	simm.s32 @p2 $0x1082  }
0x22: {  	[simem:s7], [sflag:s8] =	dma.local @!p0 [hbm:s6], $0xF7A  }
0x23: {  	s9 =	sor.u32 $0xD0000000, s2;
	s6 =	simm.s32 $0x108;
	_ =	swait.ge @!p0 [sflag:s8], $0x0  }
0x24: {  	s3 =	sadd.s32 $0x88, s3;
	s6 =	simm.s32 @!p1 $0x1082;
	[sflag:s4] =	ssyncset.s32 $0xFFFFF086  }
0x25: {  	[simem:s6], [sflag:s4] =	dma.local [hbm:s3], $0xF7A  }
0x26: {  	[smem:$0x3F9E] =	sst s1;
	(tag) =	ssettag s2;
	_ =	strace s9  }
0x27: {  	s1 =	sld [smem:$0x3FAE]  }
0x28: {  	s2 =	sld [smem:$0x3FAF]  }
0x29: {  	s4 =	sld [smem:$0x3FB1]  }
0x2a: {  	p0 =	seq.s32 s5, $0x0;
	s5 =	sld [smem:$0x3FB2]  }
0x2b: {  	s6 =	sld [smem:$0x3FB3]  }
0x2c: {  	s7 =	sld [smem:$0x3FB4]  }
0x2d: {  	s3 =	simm.s32 $0x108;
	s8 =	sld [smem:$0x3FB5]  }
0x2e: {  	s3 =	simm.s32 @!p0 $0x1082;
	s9 =	sld [smem:$0x3FB6]  }
0x2f: {  	lr =	sadd.s32 s0, s3;
	s0 =	sld [smem:$0x3FAD]  }
0x30: {  	s3 =	sld [smem:$0x3FB0]  }
0x31: {  	[smem:$0x3FB9] =	sst s10  }
0x32: {  	s10 =	sld [smem:$0x3FB7];
	_ =	sdelay $0x3  }
0x33: {  	p0 =	seq.s32 s10, $0x1;
	s10 =	sld [smem:$0x3FB9];
	_ =	sdelay $0x3  }
0x34: {  	[smem:$0x3FB9] =	sst s10  }
0x35: {  	s10 =	sld [smem:$0x3FB8];
	_ =	sdelay $0x3  }
0x36: {  	p1 =	seq.s32 s10, $0x1;
	s10 =	sld [smem:$0x3FB9];
	_ =	sdelay $0x3  }
0x37: {  	[smem:$0x3FB9] =	sst s10  }
0x38: {  	s10 =	sld [smem:$0x3FBA]  }
0x39: {  	_ = 	snop;
	(pc) =	sbr.ind lr, $3  }
0x3a: {  	_ = 	snop  }
0x3b: {  	_ = 	snop  }
0x3c: {  	p2 =	seq.s32 s10, $0x1;
	s10 =	sld [smem:$0x3FB9]  }
0x3d: {  	_ =	shalt  }
0x3e: {  	_ =	shalt  }
0x3f: {  	_ =	shalt  }
0x40: {  	_ =	shalt  }
0x41: {  	_ =	shalt  }
0x42: {  	_ =	shalt  }
0x43: {  	_ =	shalt  }
0x44: {  	_ =	shalt  }
0x45: {  	_ =	shalt  }
0x46: {  	_ =	shalt  }
0x47: {  	_ =	shalt  }
0x48: {  	_ =	shalt  }
0x49: {  	_ =	shalt  }
0x4a: {  	_ =	shalt  }
0x4b: {  	_ =	shalt  }
0x4c: {  	_ =	shalt  }
0x4d: {  	_ =	shalt  }
0x4e: {  	_ =	shalt  }
0x4f: {  	_ =	shalt  }
0x50: {  	_ =	shalt  }
0x51: {  	_ =	shalt  }
0x52: {  	_ =	shalt  }
0x53: {  	_ =	shalt  }
0x54: {  	_ =	shalt  }
0x55: {  	_ =	shalt  }
0x56: {  	_ =	shalt  }
0x57: {  	_ =	shalt  }
0x58: {  	_ =	shalt  }
0x59: {  	_ =	shalt  }
0x5a: {  	_ =	shalt  }
0x5b: {  	_ =	shalt  }
0x5c: {  	_ =	shalt  }
0x5d: {  	_ =	shalt  }
0x5e: {  	_ =	shalt  }
0x5f: {  	_ =	shalt  }
0x60: {  	_ =	shalt  }
0x61: {  	_ =	shalt  }
0x62: {  	_ =	shalt  }
0x63: {  	_ =	shalt  }
0x64: {  	_ =	shalt  }
0x65: {  	_ =	shalt  }
0x66: {  	_ =	shalt  }
0x67: {  	_ =	shalt  }
0x68: {  	_ =	shalt  }
0x69: {  	_ =	shalt  }
0x6a: {  	_ =	shalt  }
0x6b: {  	_ =	shalt  }
0x6c: {  	_ =	shalt  }
0x6d: {  	_ =	shalt  }
0x6e: {  	_ =	shalt  }
0x6f: {  	_ =	shalt  }
0x70: {  	_ =	shalt  }
0x71: {  	_ =	shalt  }
0x72: {  	_ =	shalt  }
0x73: {  	_ =	shalt  }
0x74: {  	_ =	shalt  }
0x75: {  	_ =	shalt  }
0x76: {  	_ =	shalt  }
0x77: {  	_ =	shalt  }
0x78: {  	_ =	shalt  }
0x79: {  	_ =	shalt  }
0x7a: {  	_ =	shalt  }
0x7b: {  	_ =	shalt  }
0x7c: {  	_ =	shalt  }
0x7d: {  	_ =	shalt  }
0x7e: {  	_ =	shalt  }
0x7f: {  	_ =	shalt  }
0x80: {  	_ =	shalt  }
0x81: {  	_ =	shalt  }
0x82: {  	_ =	shalt  }
0x83: {  	_ =	shalt  }
0x84: {  	_ =	shalt  }
0x85: {  	_ =	shalt  }
0x86: {  	_ =	shalt  }
0x87: {  	_ =	shalt  }
.Lfunc_end0:
.L_simem_size_0:
called_computation_lowered:
.L_overlay_start_0:
0x88: {  	s2 =	sld [smem:$0x3FD9]  }
0x89: {  	s3 =	sld [smem:$0x3FFE];
	_ =	sdelay $0x1  }
0x8a: {  	s1 =	srdreg.scid  }
0x8b: {  	s0 =	sand.u32 $0x1, s1  }
0x8c: {  	s17 =	sshll.u32 s0, $0xA;
	s2 =	sadd.s32 s3, s2  }
0x8d: {  	s2 =	sadd.s32 s2, s17  }
0x8e: {  	[smem:$0x3FC5] =	sst s2  }
0x8f: {  	_ = 	snop  }
0x90: {  	s2 =	sld [smem:$0x3FC9]  }
0x91: {  	s18 =	sld [smem:$0x3FC8]  }
0x92: {  	s4 =	sld [smem:$0x3FC7];
	(tm) =	ssettm $0x1  }
0x93: {  	s5 =	sld [smem:$0x3FFB];
	_ =	sdelay $0x3  }
0x94: {  	_ =	strace s5  }
0x95: {  	s5 =	sld [smem:$0x3FFC];
	_ =	sdelay $0x3  }
0x96: {  	_ =	strace s5  }
0x97: {  	s5 =	sld [smem:$0x3FFD];
	_ =	sdelay $0x3  }
0x98: {  	_ =	strace s5  }
0x99: {  	_ =	strace $0x8FFFFFFF  }
0x9a: {  	s19 =	sld [smem:$0x3FDB];
	_ =	sdelay $0x1  }
0x9b: {  	s6 =	simm.s32 $_scs_section_size  }
0x9c: {  	s7 =	simm.s32 $_size__tile_overlayer_lowered;
	s8 =	simm.s32 $_tile_overlayer_lowered  }
0x9d: {  	s22 =	simm.s32 $0x1BFF;
	s21 =	sshll.u32 s8, $0x1;
	s5 =	sadd.s32 s6, s19  }
0x9e: {  	s9 =	simm.s32 $0x0;
	s20 =	sshll.u32 s7, $0x1;
	s7 =	sadd.s32 s21, s5  }
0x9f: {  	[timem:s9], [sflag:s22] =	dma.local [hbm:s7], s20  }
0xa0: {  	_ =	swait.ge [sflag:s22], s20  }
0xa1: {  	s6 =	ssub.s32 $0x0, s20;
	[sflag:s22] =	ssyncset.done $0x0  }
0xa2: {  	[sflag:s22] =	ssyncadd.s32 s6;
	_ =	sdelay $0x1  }
0xa3: {  	s23 =	simm.s32 $0x1B8B  }
0xa4: {  	_ =	swait.ge [sflag:s23], $0x1  }
0xa5: {  	[sflag:s23] =	ssyncset.done $0x0  }
0xa6: {  	s25 =	simm.s32 $0x1B8E;
	s24 =	sld [smem:$0x3FFE];
	[sflag:s23] =	ssyncadd.s32 $0xFFFFFFFF  }
0xa7: {  	s26 =	simm.s32 $execute0_lowered;
	[smem:$0x3FD2] =	sst s25  }
0xa8: {  	s7 =	sshll.u32 s26, $0x1;
	_ =	strace $0x80000046;
	[dreg:$0x1] =	wrdreg $0xFFFFFFFF  }
0xa9: {  	s28 =	simm.s32 $_size_execute0_lowered;
	s5 =	sadd.s32 s5, s7;
	[dreg:$0x0] =	wrdreg $0x0  }
0xaa: {  	s7 =	sshll.u32 s28, $0x1;
	[dreg:$0x2] =	wrdreg s5  }
0xab: {  	[dreg:$0x3] =	wrdreg s7  }
0xac: {  	[dreg:$0x4] =	wrdreg $0xC0  }
0xad: {  	_ =	task [dreg:s9], $0x5FFFF  }
0xae: {  	[dreg:$0x1] =	wrdreg $0xFFFFFFFF  }
0xaf: {  	[dreg:$0x0] =	wrdreg $0x60  }
0xb0: {  	[dreg:$0x2] =	wrdreg s2  }
0xb1: {  	[dreg:$0x3] =	wrdreg s18  }
0xb2: {  	[dreg:$0x4] =	wrdreg s4  }
0xb3: {  	[dreg:$0x5] =	wrdreg s24  }
0xb4: {  	[dreg:$0x6] =	wrdreg $0x9  }
0xb5: {  	_ =	task.clear_ibuf [dreg:s9], $0x7FFFF;
	_ =	strace $0x90000046  }
0xb6: {  	s29 =	simm.s32 $0x9;
	_ =	strace $0x80000048  }
0xb7: {  	_ =	swait.ge [sflag:s29], $0x1  }
0xb8: {  	[sflag:s29] =	ssyncadd.s32 $0xFFFFFFFF  }
0xb9: {  	_ =	strace $0x90000048  }
0xba: {  	_ =	sfence  }
0xbb: {  	s30 =	sld [smem:$0x0];
	_ =	sdelay $0x2  }
0xbc: {  	s31 =	sshll.u32 s1, $0xD;
	s1 =	sshrl.u32 s1, $0x2  }
0xbd: {  	s3 =	sand.u32 $0x4000, s31;
	s1 =	sadd.s32 s1, s30  }
0xbe: {  	s0 =	sor.u32 s3, s0;
	s1 =	sshll.u32 s1, $0x11  }
0xbf: {  	s0 =	sor.u32 s1, s0  }
0xc0: {  	s0 =	sadd.s32 $0x8F2B, s0  }
0xc1: {  	[sflag:s0] =	ssyncadd.remote.s32 $0x1  }
0xc2: {  	_ =	sfence.sel $0xFFFF  }
0xc3: {  	[dreg:$0x0] =	wrdreg $0xFFFFFFFF;
	(pc) =	sbr.abs _section_cstart, $3  }
0xc4: {  	[dreg:$0x1] =	wrdreg $0xFFFFFFFF  }
0xc5: {  	_ =	task.clear_ibuf [dreg:s9], $0x2FFFF;
	_ =	strace $0x9FFFFFFF  }
0xc6: {  	(tm) =	ssettm $0x7FFFFFFF  }
0xc7: {  	_ =	shalt  }
tec
execute0_lowered:
.L_overlay_start_1:
0x0: {  	(tag) =	ssettag $0x1  }
0x1: {  	s0 =	rddreg [dreg:$0x0]  }
0x2: {  	s2 =	rddreg [dreg:$0x1]  }
0x3: {  	s5 =	srdreg.scid;
	s6 =	stileid.u32  }
0x4: {  	s3 =	rddreg [dreg:$0x2];
	s5 =	sand.u32 $0x1, s5;
	s6 =	sshll.u32 s6, $0x1  }
0x5: {  	s4 =	rddreg [dreg:$0x3];
	s6 =	sor.u32 s5, s6  }
0x6: {  	s1 =	simm.s32 $0x0;
	s7 =	sshll.u32 s6, $0x4;
	s6 =	sshll.u32 s6, $0xE  }
0x7: {  	s30 =	simm.s32 $0x8000;
	s31 =	simm.s32 $0x10000;
	s12 =	sor.u32 $0x800, s6  }
0x8: {  	[smem:$0x7FF] =	sst s1;
	s5 =	ssub.s32 $0x2, s5;
	s13 =	sadd.s32 s2, s12  }
0x9: {  	s4 =	sadd.s32 s7, s4;
	s14 =	sadd.s32 s0, s12;
	[dreg:$0x5] =	wrdreg s13  }
0xa: {  	s15 =	sor.u32 $0x1000, s6;
	s7 =	sadd.s32 s3, s12;
	[dreg:$0x6] =	wrdreg s14  }
0xb: {  	s8 =	sshrl.u32 s5, $0x1;
	s16 =	sadd.s32 s2, s15;
	[dreg:$0x7] =	wrdreg s7  }
0xc: {  	s5 =	ssub.s32 s5, s8;
	s9 =	sadd.s32 s0, s15;
	[dreg:$0x8] =	wrdreg s16  }
0xd: {  	s17 =	sor.u32 $0x1800, s6;
	s8 =	sadd.s32 s3, s15;
	[dreg:$0x9] =	wrdreg s9  }
0xe: {  	s20 =	sor.u32 $0x2000, s6;
	s18 =	sadd.s32 s2, s17;
	[dreg:$0xa] =	wrdreg s8  }
0xf: {  	s23 =	sor.u32 $0x2800, s6;
	s19 =	sadd.s32 s0, s17;
	[dreg:$0xb] =	wrdreg s18  }
0x10: {  	s25 =	sor.u32 $0x3000, s6;
	s21 =	sadd.s32 s2, s20;
	[dreg:$0xc] =	wrdreg s19  }
0x11: {  	s22 =	sadd.s32 s0, s20;
	s24 =	sadd.s32 s2, s23;
	[dreg:$0xe] =	wrdreg s21  }
0x12: {  	s26 =	sadd.s32 s0, s23;
	s28 =	sadd.s32 $0x400, s4;
	[dreg:$0xf] =	wrdreg s22  }
0x13: {  	s29 =	smax.u32 s5, $0x1;
	s4 =	simm.s32 $0x18000;
	[dreg:$0x11] =	wrdreg s24  }
0x14: {  	s5 =	simm.s32 $0x2;
	s7 =	sadd.s32 s3, s17;
	[dreg:$0x12] =	wrdreg s26  }
0x15: {  	s16 =	sadd.s32 s3, s23;
	s17 =	sadd.s32 s2, s25;
	s18 =	sadd.s32 s0, s25  }
0x16: {  	s19 =	sadd.s32 s3, s25;
	s21 =	sadd.s32 s2, s6;
	s22 =	sadd.s32 s0, s6  }
0x17: {  	s23 =	sadd.s32 s3, s6;
	s6 =	sor.u32 $0x3800, s6;
	[dreg:$0xd] =	wrdreg s7  }
0x18: {  	s7 =	sadd.s32 s3, s20;
	s24 =	sadd.s32 s2, s6;
	s25 =	sadd.s32 s0, s6  }
0x19: {  	s26 =	sadd.s32 s3, s6;
	s20 =	simm.s32 $0x4000;
	s0 =	simm.s32 $0xC000  }
0x1a: {  	v0 =	vlaneseq.u32;
	s2 =	simm.s32 $0x14000;
	s3 =	simm.s32 $0x1;
	[dreg:$0x10] =	wrdreg s7  }
0x1b: {  	v0 =	vmul.u32 $0x40, v0;
	s6 =	simm.s32 $0x3;
	s7 =	simm.s32 $0x0;
	_ =	strace $0x80000047  }
.LBB2_1:
0x1c: {  	v1 =	vimm.f32 $0.0e+00  }
0x1d: {  	[tilespmem:$0x18000] =	vst v1  }
0x1e: {  	[tilespmem:$0x18010] =	vst v1  }
0x1f: {  	[tilespmem:$0x18020] =	vst v1  }
0x20: {  	[tilespmem:$0x18030] =	vst v1  }
0x21: {  	[tilespmem:$0x18040] =	vst v1  }
0x22: {  	[tilespmem:$0x18050] =	vst v1  }
0x23: {  	[tilespmem:$0x18060] =	vst v1  }
0x24: {  	[tilespmem:$0x18070] =	vst v1  }
0x25: {  	[tilespmem:$0x18080] =	vst v1  }
0x26: {  	[tilespmem:$0x18090] =	vst v1  }
0x27: {  	[tilespmem:$0x180A0] =	vst v1  }
0x28: {  	[tilespmem:$0x180B0] =	vst v1  }
0x29: {  	[tilespmem:$0x180C0] =	vst v1  }
0x2a: {  	[tilespmem:$0x180D0] =	vst v1  }
0x2b: {  	[tilespmem:$0x180E0] =	vst v1  }
0x2c: {  	[tilespmem:$0x180F0] =	vst v1  }
0x2d: {  	[tilespmem:$0x18100] =	vst v1  }
0x2e: {  	[tilespmem:$0x18110] =	vst v1  }
0x2f: {  	[tilespmem:$0x18120] =	vst v1  }
0x30: {  	[tilespmem:$0x18130] =	vst v1  }
0x31: {  	[tilespmem:$0x18140] =	vst v1  }
0x32: {  	[tilespmem:$0x18150] =	vst v1  }
0x33: {  	[tilespmem:$0x18160] =	vst v1  }
0x34: {  	[tilespmem:$0x18170] =	vst v1  }
0x35: {  	[tilespmem:$0x18180] =	vst v1  }
0x36: {  	[tilespmem:$0x18190] =	vst v1  }
0x37: {  	[tilespmem:$0x181A0] =	vst v1  }
0x38: {  	[tilespmem:$0x181B0] =	vst v1  }
0x39: {  	[tilespmem:$0x181C0] =	vst v1  }
0x3a: {  	[tilespmem:$0x181D0] =	vst v1  }
0x3b: {  	[tilespmem:$0x181E0] =	vst v1  }
0x3c: {  	[tilespmem:$0x181F0] =	vst v1  }
0x3d: {  	[tilespmem:$0x18200] =	vst v1  }
0x3e: {  	[tilespmem:$0x18210] =	vst v1  }
0x3f: {  	[tilespmem:$0x18220] =	vst v1  }
0x40: {  	[tilespmem:$0x18230] =	vst v1  }
0x41: {  	[tilespmem:$0x18240] =	vst v1  }
0x42: {  	[tilespmem:$0x18250] =	vst v1  }
0x43: {  	[tilespmem:$0x18260] =	vst v1  }
0x44: {  	[tilespmem:$0x18270] =	vst v1  }
0x45: {  	[tilespmem:$0x18280] =	vst v1  }
0x46: {  	[tilespmem:$0x18290] =	vst v1  }
0x47: {  	[tilespmem:$0x182A0] =	vst v1  }
0x48: {  	[tilespmem:$0x182B0] =	vst v1  }
0x49: {  	[tilespmem:$0x182C0] =	vst v1  }
0x4a: {  	[tilespmem:$0x182D0] =	vst v1  }
0x4b: {  	[tilespmem:$0x182E0] =	vst v1  }
0x4c: {  	[tilespmem:$0x182F0] =	vst v1  }
0x4d: {  	[tilespmem:$0x18300] =	vst v1  }
0x4e: {  	[tilespmem:$0x18310] =	vst v1  }
0x4f: {  	[tilespmem:$0x18320] =	vst v1  }
0x50: {  	[tilespmem:$0x18330] =	vst v1  }
0x51: {  	[tilespmem:$0x18340] =	vst v1  }
0x52: {  	[tilespmem:$0x18350] =	vst v1  }
0x53: {  	[tilespmem:$0x18360] =	vst v1  }
0x54: {  	[tilespmem:$0x18370] =	vst v1  }
0x55: {  	[tilespmem:$0x18380] =	vst v1  }
0x56: {  	[tilespmem:$0x18390] =	vst v1  }
0x57: {  	[tilespmem:$0x183A0] =	vst v1  }
0x58: {  	[tilespmem:$0x183B0] =	vst v1  }
0x59: {  	[tilespmem:$0x183C0] =	vst v1  }
0x5a: {  	[tilespmem:$0x183D0] =	vst v1  }
0x5b: {  	[tilespmem:$0x183E0] =	vst v1  }
0x5c: {  	[tilespmem:$0x183F0] =	vst v1  }
0x5d: {  	[tilespmem:s1], [sflag:$0x1] =	stream.linear.gather [hbm4b:s21+s1], $0x4000, $0x38;
	[tilespmem:$0x18480] =	vst v63  }
0x5e: {  	_ = 	snop  }
0x5f: {  	[tilespmem:s30], [sflag:$0x1] =	stream.linear.gather [hbm4b:s22+s1], $0x4000, $0x38;
	[tilespmem:$0x18480] =	vst v63  }
0x60: {  	_ = 	snop  }
0x61: {  	[tilespmem:s31], [sflag:$0x1] =	stream.linear.gather [hbm4b:s23+s1], $0x4000, $0x38;
	[tilespmem:$0x18480] =	vst v63  }
0x62: {  	s8 =	rddreg [dreg:$0x5]  }
0x63: {  	[tilespmem:s20], [sflag:$0x2] =	stream.linear.gather [hbm4b:s8+s1], $0x4000, $0x38;
	[tilespmem:$0x18480] =	vst v63  }
0x64: {  	s14 =	rddreg [dreg:$0x6]  }
0x65: {  	[tilespmem:s0], [sflag:$0x2] =	stream.linear.gather [hbm4b:s14+s1], $0x4000, $0x38;
	[tilespmem:$0x18480] =	vst v63  }
0x66: {  	s15 =	rddreg [dreg:$0x7]  }
0x67: {  	[tilespmem:s2], [sflag:$0x2] =	stream.linear.gather [hbm4b:s15+s1], $0x4000, $0x38;
	[tilespmem:$0x18480] =	vst v63  }
0x68: {  	_ =	swait.ge [sflag:s3], $0x4000  }
0x69: {  	[sflag:s3] =	ssyncset.done $0x0  }
0x6a: {  	[sflag:s3] =	ssyncadd.s32 $0xFFFFC000  }
0x6b: {  	_ =	swait.ge [sflag:s3], $0x4000  }
0x6c: {  	[sflag:s3] =	ssyncset.done $0x0  }
0x6d: {  	[sflag:s3] =	ssyncadd.s32 $0xFFFFC000  }
0x6e: {  	_ =	swait.ge [sflag:s3], $0x4000  }
0x6f: {  	s9 =	simm.s32 $0x0;
	s10 =	simm.s32 $0x0;
	[sflag:s3] =	ssyncset.done $0x0  }
0x70: {  	s11 =	simm.s32 $0x0;
	s8 =	simm.s32 $0xFFFFFFFE;
	[sflag:s3] =	ssyncadd.s32 $0xFFFFC000  }
.LBB2_2:
0x71: {  	s12 =	sand.u32 $0x60, s9;
	s13 =	sand.u32 $0x3C00, s11  }
0x72: {  	s12 =	sor.u32 s12, s13  }
0x73: {  	v2 =	vld [tilespmem:s12+$0x0]  }
0x74: {  	v3 =	vld [tilespmem:s12+$0x80]  }
0x75: {  	v4 =	vld [tilespmem:s12+$0x100]  }
0x76: {  	v5 =	vld [tilespmem:s12+$0x180]  }
0x77: {  	v6 =	vld [tilespmem:s12+$0x200]  }
0x78: {  	v7 =	vld [tilespmem:s12+$0x280]  }
0x79: {  	v10 =	vld [tilespmem:s12+$0x10000]  }
0x7a: {  	v11 =	vld [tilespmem:s12+$0x10080]  }
0x7b: {  	v12 =	vld [tilespmem:s12+$0x10100]  }
0x7c: {  	v13 =	vld [tilespmem:s12+$0x10180]  }
0x7d: {  	v14 =	vld [tilespmem:s12+$0x10200]  }
0x7e: {  	v15 =	vld [tilespmem:s12+$0x10280]  }
0x7f: {  	v18 =	vld [tilespmem:s12+$0x8000]  }
0x80: {  	v19 =	vld [tilespmem:s12+$0x8080]  }
0x81: {  	v20 =	vld [tilespmem:s12+$0x8100]  }
0x82: {  	v21 =	vld [tilespmem:s12+$0x8180]  }
0x83: {  	v22 =	vld [tilespmem:s12+$0x8200]  }
0x84: {  	v23 =	vld [tilespmem:s12+$0x8280]  }
0x85: {  	v41 =	vld [tilespmem:s12+$0x110]  }
0x86: {  	v42 =	vld [tilespmem:s12+$0x190]  }
0x87: {  	v43 =	vld [tilespmem:s12+$0x210]  }
0x88: {  	v44 =	vld [tilespmem:s12+$0x290]  }
0x89: {  	v47 =	vld [tilespmem:s12+$0x10010]  }
0x8a: {  	v48 =	vld [tilespmem:s12+$0x10090]  }
0x8b: {  	v49 =	vld [tilespmem:s12+$0x10110]  }
0x8c: {  	v50 =	vld [tilespmem:s12+$0x10190]  }
0x8d: {  	v51 =	vld [tilespmem:s12+$0x10210]  }
0x8e: {  	v52 =	vld [tilespmem:s12+$0x10290]  }
0x8f: {  	s14 =	sand.u32 $0x3, s10;
	v55 =	vld [tilespmem:s12+$0x8010]  }
0x90: {  	s13 =	sshll.u32 s14, $0x5;
	v56 =	vld [tilespmem:s12+$0x8090]  }
0x91: {  	s13 =	sadd.s32 s13, s11;
	v57 =	vld [tilespmem:s12+$0x8110]  }
0x92: {  	v58 =	vld [tilespmem:s12+$0x8190];
	s14 =	sor.u32 $0x300, s13  }
0x93: {  	s15 =	sor.u32 $0x380, s13;
	v8 =	vld [tilespmem:s14+$0x0]  }
0x94: {  	v9 =	vld [tilespmem:s15+$0x0];
	v2 =	vadd.s32 v0, v2  }
0x95: {  	v16 =	vld [tilespmem:s14+$0x10000];
	v3 =	vadd.s32 v0, v3  }
0x96: {  	v17 =	vld [tilespmem:s15+$0x10000];
	v4 =	vadd.s32 v0, v4  }
0x97: {  	v24 =	vld [tilespmem:s14+$0x8000];
	v18 =	vsub.f32 v10, v18;
	v5 =	vadd.s32 v0, v5  }
0x98: {  	v25 =	vld [tilespmem:s15+$0x8000];
	v11 =	vsub.f32 v11, v19;
	v6 =	vadd.s32 v0, v6  }
0x99: {  	v7 =	vadd.s32 v0, v7;
	[tilespmem:v2+s4+$0x0] =	vst.idx.add.f32.msk $0xffff, v18;
	v2 =	vsub.f32 v12, v20  }
0x9a: {  	v8 =	vadd.s32 v0, v8;
	[tilespmem:v3+s4+$0x0] =	vst.idx.add.f32.msk $0xffff, v11;
	v3 =	vsub.f32 v13, v21  }
0x9b: {  	[tilespmem:v4+s4+$0x0] =	vst.idx.add.f32.msk $0xffff, v2;
	v2 =	vsub.f32 v14, v22  }
0x9c: {  	v40 =	vadd.s32 v0, v9;
	[tilespmem:v5+s4+$0x0] =	vst.idx.add.f32.msk $0xffff, v3;
	v3 =	vsub.f32 v15, v23  }
0x9d: {  	[tilespmem:v6+s4+$0x0] =	vst.idx.add.f32.msk $0xffff, v2;
	v2 =	vsub.f32 v16, v24  }
0x9e: {  	[tilespmem:v7+s4+$0x0] =	vst.idx.add.f32.msk $0xffff, v3  }
0x9f: {  	v3 =	vsub.f32 v17, v25;
	[tilespmem:v8+s4+$0x0] =	vst.idx.add.f32.msk $0xffff, v2  }
0xa0: {  	v2 =	vld [tilespmem:s12+$0x10]  }
0xa1: {  	[tilespmem:v40+s4+$0x0] =	vst.idx.add.f32.msk $0xffff, v3  }
0xa2: {  	v3 =	vld [tilespmem:s12+$0x90]  }
0xa3: {  	v59 =	vld [tilespmem:s12+$0x8210];
	s13 =	sadd.s32 $0x10, s13  }
0xa4: {  	v60 =	vld [tilespmem:s12+$0x8290];
	s15 =	sor.u32 $0x300, s13  }
0xa5: {  	s13 =	sor.u32 $0x380, s13;
	v45 =	vld [tilespmem:s15+$0x0]  }
0xa6: {  	v46 =	vld [tilespmem:s13+$0x0];
	v2 =	vadd.s32 v0, v2  }
0xa7: {  	v53 =	vld [tilespmem:s15+$0x10000];
	v3 =	vadd.s32 v0, v3  }
0xa8: {  	v54 =	vld [tilespmem:s13+$0x10000];
	v4 =	vadd.s32 v0, v41  }
0xa9: {  	v61 =	vld [tilespmem:s15+$0x8000];
	v19 =	vsub.f32 v47, v55;
	v5 =	vadd.s32 v0, v42  }
0xaa: {  	v62 =	vld [tilespmem:s13+$0x8000];
	v12 =	vsub.f32 v48, v56;
	v6 =	vadd.s32 v0, v43  }
0xab: {  	v7 =	vadd.s32 v0, v44;
	[tilespmem:v2+s4+$0x0] =	vst.idx.add.f32.msk $0xffff, v19;
	v2 =	vsub.f32 v49, v57  }
0xac: {  	s8 =	sadd.s32 $0x2, s8;
	v8 =	vadd.s32 v0, v45;
	[tilespmem:v3+s4+$0x0] =	vst.idx.add.f32.msk $0xffff, v12;
	v3 =	vsub.f32 v50, v58  }
0xad: {  	p0 =	slt.u32 s8, $0x7E;
	v63 =	vadd.s32 v0, v46;
	[tilespmem:v4+s4+$0x0] =	vst.idx.add.f32.msk $0xffff, v2;
	v2 =	vsub.f32 v51, v59  }
.Ltmp0:
0xae: {  	[tilespmem:v5+s4+$0x0] =	vst.idx.add.f32.msk $0xffff, v3;
	v3 =	vsub.f32 v52, v60;
	(pc) =	sbr.rel @p0 .LBB2_2-.Ltmp0, $4  }
0xaf: {  	[tilespmem:v6+s4+$0x0] =	vst.idx.add.f32.msk $0xffff, v2;
	v2 =	vsub.f32 v53, v61  }
0xb0: {  	v1 =	vadd.f32 v10, v1;
	[tilespmem:v7+s4+$0x0] =	vst.idx.add.f32.msk $0xffff, v3;
	v3 =	vsub.f32 v54, v62  }
0xb1: {  	[tilespmem:v8+s4+$0x0] =	vst.idx.add.f32.msk $0xffff, v2  }
0xb2: {  	s10 =	sadd.s32 $0x1, s10;
	s9 =	sadd.s32 $0x20, s9;
	s11 =	sadd.s32 $0x100, s11;
	v1 =	vadd.f32 v47, v1;
	[tilespmem:v63+s4+$0x0] =	vst.idx.add.f32.msk $0xffff, v3  }
0xb3: {  	_ = 	snop  }
0xb4: {  	v1 =	vmul.f32 $0.0e+00, v1;
	_ =	sdelay $0x1  }
0xb5: {  	s8 =	simm.s32 $0x0;
	s9 =	rddreg [dreg:$0x8];
	[tilespmem:s4+$0x0] =	vst.add.f32.msk $0xffff, v1  }
0xb6: {  	[tilespmem:s8], [sflag:$0x1] =	stream.linear.gather [hbm4b:s9+s8], $0x4000, $0x38;
	[tilespmem:$0x18480] =	vst v63  }
0xb7: {  	s14 =	rddreg [dreg:$0x9]  }
0xb8: {  	[tilespmem:s30], [sflag:$0x1] =	stream.linear.gather [hbm4b:s14+s8], $0x4000, $0x38;
	[tilespmem:$0x18480] =	vst v63  }
0xb9: {  	s15 =	rddreg [dreg:$0xa]  }
0xba: {  	[tilespmem:s31], [sflag:$0x1] =	stream.linear.gather [hbm4b:s15+s8], $0x4000, $0x38;
	[tilespmem:$0x18480] =	vst v63  }
0xbb: {  	_ =	swait.ge [sflag:s5], $0x4000  }
0xbc: {  	[sflag:s5] =	ssyncset.done $0x0  }
0xbd: {  	[sflag:s5] =	ssyncadd.s32 $0xFFFFC000  }
0xbe: {  	_ =	swait.ge [sflag:s5], $0x4000  }
0xbf: {  	[sflag:s5] =	ssyncset.done $0x0  }
0xc0: {  	[sflag:s5] =	ssyncadd.s32 $0xFFFFC000  }
0xc1: {  	_ =	swait.ge [sflag:s5], $0x4000  }
0xc2: {  	s10 =	simm.s32 $0x0;
	[sflag:s5] =	ssyncset.done $0x0  }
0xc3: {  	s11 =	simm.s32 $0x0;
	v1 =	vimm.f32 $0.0e+00;
	s9 =	simm.s32 $0xFFFFFFFE;
	[sflag:s5] =	ssyncadd.s32 $0xFFFFC000  }
.LBB2_4:
0xc4: {  	s12 =	sand.u32 $0x60, s8;
	s13 =	sand.u32 $0x3C00, s11  }
0xc5: {  	s12 =	sor.u32 s12, s13  }
0xc6: {  	v2 =	vld [tilespmem:s12+$0x4000]  }
0xc7: {  	v3 =	vld [tilespmem:s12+$0x4080]  }
0xc8: {  	v4 =	vld [tilespmem:s12+$0x4100]  }
0xc9: {  	v5 =	vld [tilespmem:s12+$0x4180]  }
0xca: {  	v6 =	vld [tilespmem:s12+$0x4200]  }
0xcb: {  	v7 =	vld [tilespmem:s12+$0x4280]  }
0xcc: {  	v10 =	vld [tilespmem:s12+$0x14000]  }
0xcd: {  	v11 =	vld [tilespmem:s12+$0x14080]  }
0xce: {  	v12 =	vld [tilespmem:s12+$0x14100]  }
0xcf: {  	v13 =	vld [tilespmem:s12+$0x14180]  }
0xd0: {  	v14 =	vld [tilespmem:s12+$0x14200]  }
0xd1: {  	v15 =	vld [tilespmem:s12+$0x14280]  }
0xd2: {  	v18 =	vld [tilespmem:s12+$0xC000]  }
0xd3: {  	v19 =	vld [tilespmem:s12+$0xC080]  }
0xd4: {  	v20 =	vld [tilespmem:s12+$0xC100]  }
0xd5: {  	v21 =	vld [tilespmem:s12+$0xC180]  }
0xd6: {  	v22 =	vld [tilespmem:s12+$0xC200]  }
0xd7: {  	v23 =	vld [tilespmem:s12+$0xC280]  }
0xd8: {  	v41 =	vld [tilespmem:s12+$0x4110]  }
0xd9: {  	v42 =	vld [tilespmem:s12+$0x4190]  }
0xda: {  	v43 =	vld [tilespmem:s12+$0x4210]  }
0xdb: {  	v44 =	vld [tilespmem:s12+$0x4290]  }
0xdc: {  	v47 =	vld [tilespmem:s12+$0x14010]  }
0xdd: {  	v48 =	vld [tilespmem:s12+$0x14090]  }
0xde: {  	v49 =	vld [tilespmem:s12+$0x14110]  }
0xdf: {  	v50 =	vld [tilespmem:s12+$0x14190]  }
0xe0: {  	v51 =	vld [tilespmem:s12+$0x14210]  }
0xe1: {  	v52 =	vld [tilespmem:s12+$0x14290]  }
0xe2: {  	s14 =	sand.u32 $0x3, s10;
	v55 =	vld [tilespmem:s12+$0xC010]  }
0xe3: {  	s13 =	sshll.u32 s14, $0x5;
	v56 =	vld [tilespmem:s12+$0xC090]  }
0xe4: {  	s13 =	sadd.s32 s13, s11;
	v57 =	vld [tilespmem:s12+$0xC110]  }
0xe5: {  	v58 =	vld [tilespmem:s12+$0xC190];
	s14 =	sor.u32 $0x300, s13  }
0xe6: {  	s15 =	sor.u32 $0x380, s13;
	v8 =	vld [tilespmem:s14+$0x4000]  }
0xe7: {  	v9 =	vld [tilespmem:s15+$0x4000];
	v2 =	vadd.s32 v0, v2  }
0xe8: {  	v16 =	vld [tilespmem:s14+$0x14000];
	v3 =	vadd.s32 v0, v3  }
0xe9: {  	v17 =	vld [tilespmem:s15+$0x14000];
	v4 =	vadd.s32 v0, v4  }
0xea: {  	v24 =	vld [tilespmem:s14+$0xC000];
	v18 =	vsub.f32 v10, v18;
	v5 =	vadd.s32 v0, v5  }
0xeb: {  	v25 =	vld [tilespmem:s15+$0xC000];
	v11 =	vsub.f32 v11, v19;
	v6 =	vadd.s32 v0, v6  }
0xec: {  	v7 =	vadd.s32 v0, v7;
	[tilespmem:v2+s4+$0x0] =	vst.idx.add.f32.msk $0xffff, v18;
	v2 =	vsub.f32 v12, v20  }
0xed: {  	v8 =	vadd.s32 v0, v8;
	[tilespmem:v3+s4+$0x0] =	vst.idx.add.f32.msk $0xffff, v11;
	v3 =	vsub.f32 v13, v21  }
0xee: {  	[tilespmem:v4+s4+$0x0] =	vst.idx.add.f32.msk $0xffff, v2;
	v2 =	vsub.f32 v14, v22  }
0xef: {  	v40 =	vadd.s32 v0, v9;
	[tilespmem:v5+s4+$0x0] =	vst.idx.add.f32.msk $0xffff, v3;
	v3 =	vsub.f32 v15, v23  }
0xf0: {  	[tilespmem:v6+s4+$0x0] =	vst.idx.add.f32.msk $0xffff, v2;
	v2 =	vsub.f32 v16, v24  }
0xf1: {  	[tilespmem:v7+s4+$0x0] =	vst.idx.add.f32.msk $0xffff, v3  }
0xf2: {  	v3 =	vsub.f32 v17, v25;
	[tilespmem:v8+s4+$0x0] =	vst.idx.add.f32.msk $0xffff, v2  }
0xf3: {  	v2 =	vld [tilespmem:s12+$0x4010]  }
0xf4: {  	[tilespmem:v40+s4+$0x0] =	vst.idx.add.f32.msk $0xffff, v3  }
0xf5: {  	v3 =	vld [tilespmem:s12+$0x4090]  }
0xf6: {  	v59 =	vld [tilespmem:s12+$0xC210];
	s13 =	sadd.s32 $0x10, s13  }
0xf7: {  	v60 =	vld [tilespmem:s12+$0xC290];
	s15 =	sor.u32 $0x300, s13  }
0xf8: {  	s13 =	sor.u32 $0x380, s13;
	v45 =	vld [tilespmem:s15+$0x4000]  }
0xf9: {  	v46 =	vld [tilespmem:s13+$0x4000];
	v2 =	vadd.s32 v0, v2  }
0xfa: {  	v53 =	vld [tilespmem:s15+$0x14000];
	v3 =	vadd.s32 v0, v3  }
0xfb: {  	v54 =	vld [tilespmem:s13+$0x14000];
	v4 =	vadd.s32 v0, v41  }
0xfc: {  	v61 =	vld [tilespmem:s15+$0xC000];
	v19 =	vsub.f32 v47, v55;
	v5 =	vadd.s32 v0, v42  }
0xfd: {  	v62 =	vld [tilespmem:s13+$0xC000];
	v12 =	vsub.f32 v48, v56;
	v6 =	vadd.s32 v0, v43  }
0xfe: {  	v7 =	vadd.s32 v0, v44;
	[tilespmem:v2+s4+$0x0] =	vst.idx.add.f32.msk $0xffff, v19;
	v2 =	vsub.f32 v49, v57  }
0xff: {  	s9 =	sadd.s32 $0x2, s9;
	v8 =	vadd.s32 v0, v45;
	[tilespmem:v3+s4+$0x0] =	vst.idx.add.f32.msk $0xffff, v12;
	v3 =	vsub.f32 v50, v58  }
0x100: {  	p0 =	slt.u32 s9, $0x7E;
	v63 =	vadd.s32 v0, v46;
	[tilespmem:v4+s4+$0x0] =	vst.idx.add.f32.msk $0xffff, v2;
	v2 =	vsub.f32 v51, v59  }
.Ltmp1:
0x101: {  	[tilespmem:v5+s4+$0x0] =	vst.idx.add.f32.msk $0xffff, v3;
	v3 =	vsub.f32 v52, v60;
	(pc) =	sbr.rel @p0 .LBB2_4-.Ltmp1, $4  }
0x102: {  	[tilespmem:v6+s4+$0x0] =	vst.idx.add.f32.msk $0xffff, v2;
	v2 =	vsub.f32 v53, v61  }
0x103: {  	v1 =	vadd.f32 v10, v1;
	[tilespmem:v7+s4+$0x0] =	vst.idx.add.f32.msk $0xffff, v3;
	v3 =	vsub.f32 v54, v62  }
0x104: {  	[tilespmem:v8+s4+$0x0] =	vst.idx.add.f32.msk $0xffff, v2  }
0x105: {  	s10 =	sadd.s32 $0x1, s10;
	s8 =	sadd.s32 $0x20, s8;
	s11 =	sadd.s32 $0x100, s11;
	v1 =	vadd.f32 v47, v1;
	[tilespmem:v63+s4+$0x0] =	vst.idx.add.f32.msk $0xffff, v3  }
0x106: {  	_ = 	snop  }
0x107: {  	v1 =	vmul.f32 $0.0e+00, v1;
	_ =	sdelay $0x1  }
0x108: {  	s8 =	simm.s32 $0x0;
	s9 =	rddreg [dreg:$0xb];
	[tilespmem:s4+$0x0] =	vst.add.f32.msk $0xffff, v1  }
0x109: {  	[tilespmem:s20], [sflag:$0x2] =	stream.linear.gather [hbm4b:s9+s8], $0x4000, $0x38;
	[tilespmem:$0x18480] =	vst v63  }
0x10a: {  	s14 =	rddreg [dreg:$0xc]  }
0x10b: {  	[tilespmem:s0], [sflag:$0x2] =	stream.linear.gather [hbm4b:s14+s8], $0x4000, $0x38;
	[tilespmem:$0x18480] =	vst v63  }
0x10c: {  	s15 =	rddreg [dreg:$0xd]  }
0x10d: {  	[tilespmem:s2], [sflag:$0x2] =	stream.linear.gather [hbm4b:s15+s8], $0x4000, $0x38;
	[tilespmem:$0x18480] =	vst v63  }
0x10e: {  	_ =	swait.ge [sflag:s3], $0x4000  }
0x10f: {  	[sflag:s3] =	ssyncset.done $0x0  }
0x110: {  	[sflag:s3] =	ssyncadd.s32 $0xFFFFC000  }
0x111: {  	_ =	swait.ge [sflag:s3], $0x4000  }
0x112: {  	[sflag:s3] =	ssyncset.done $0x0  }
0x113: {  	[sflag:s3] =	ssyncadd.s32 $0xFFFFC000  }
0x114: {  	_ =	swait.ge [sflag:s3], $0x4000  }
0x115: {  	s10 =	simm.s32 $0x0;
	[sflag:s3] =	ssyncset.done $0x0  }
0x116: {  	s11 =	simm.s32 $0x0;
	v1 =	vimm.f32 $0.0e+00;
	s9 =	simm.s32 $0xFFFFFFFE;
	[sflag:s3] =	ssyncadd.s32 $0xFFFFC000  }
.LBB2_6:
0x117: {  	s12 =	sand.u32 $0x60, s8;
	s13 =	sand.u32 $0x3C00, s11  }
0x118: {  	s12 =	sor.u32 s12, s13  }
0x119: {  	v2 =	vld [tilespmem:s12+$0x0]  }
0x11a: {  	v3 =	vld [tilespmem:s12+$0x80]  }
0x11b: {  	v4 =	vld [tilespmem:s12+$0x100]  }
0x11c: {  	v5 =	vld [tilespmem:s12+$0x180]  }
0x11d: {  	v6 =	vld [tilespmem:s12+$0x200]  }
0x11e: {  	v7 =	vld [tilespmem:s12+$0x280]  }
0x11f: {  	v10 =	vld [tilespmem:s12+$0x10000]  }
0x120: {  	v11 =	vld [tilespmem:s12+$0x10080]  }
0x121: {  	v12 =	vld [tilespmem:s12+$0x10100]  }
0x122: {  	v13 =	vld [tilespmem:s12+$0x10180]  }
0x123: {  	v14 =	vld [tilespmem:s12+$0x10200]  }
0x124: {  	v15 =	vld [tilespmem:s12+$0x10280]  }
0x125: {  	v18 =	vld [tilespmem:s12+$0x8000]  }
0x126: {  	v19 =	vld [tilespmem:s12+$0x8080]  }
0x127: {  	v20 =	vld [tilespmem:s12+$0x8100]  }
0x128: {  	v21 =	vld [tilespmem:s12+$0x8180]  }
0x129: {  	v22 =	vld [tilespmem:s12+$0x8200]  }
0x12a: {  	v23 =	vld [tilespmem:s12+$0x8280]  }
0x12b: {  	v41 =	vld [tilespmem:s12+$0x110]  }
0x12c: {  	v42 =	vld [tilespmem:s12+$0x190]  }
0x12d: {  	v43 =	vld [tilespmem:s12+$0x210]  }
0x12e: {  	v44 =	vld [tilespmem:s12+$0x290]  }
0x12f: {  	v47 =	vld [tilespmem:s12+$0x10010]  }
0x130: {  	v48 =	vld [tilespmem:s12+$0x10090]  }
0x131: {  	v49 =	vld [tilespmem:s12+$0x10110]  }
0x132: {  	v50 =	vld [tilespmem:s12+$0x10190]  }
0x133: {  	v51 =	vld [tilespmem:s12+$0x10210]  }
0x134: {  	v52 =	vld [tilespmem:s12+$0x10290]  }
0x135: {  	s14 =	sand.u32 $0x3, s10;
	v55 =	vld [tilespmem:s12+$0x8010]  }
0x136: {  	s13 =	sshll.u32 s14, $0x5;
	v56 =	vld [tilespmem:s12+$0x8090]  }
0x137: {  	s13 =	sadd.s32 s13, s11;
	v57 =	vld [tilespmem:s12+$0x8110]  }
0x138: {  	v58 =	vld [tilespmem:s12+$0x8190];
	s14 =	sor.u32 $0x300, s13  }
0x139: {  	s15 =	sor.u32 $0x380, s13;
	v8 =	vld [tilespmem:s14+$0x0]  }
0x13a: {  	v9 =	vld [tilespmem:s15+$0x0];
	v2 =	vadd.s32 v0, v2  }
0x13b: {  	v16 =	vld [tilespmem:s14+$0x10000];
	v3 =	vadd.s32 v0, v3  }
0x13c: {  	v17 =	vld [tilespmem:s15+$0x10000];
	v4 =	vadd.s32 v0, v4  }
0x13d: {  	v24 =	vld [tilespmem:s14+$0x8000];
	v18 =	vsub.f32 v10, v18;
	v5 =	vadd.s32 v0, v5  }
0x13e: {  	v25 =	vld [tilespmem:s15+$0x8000];
	v11 =	vsub.f32 v11, v19;
	v6 =	vadd.s32 v0, v6  }
0x13f: {  	v7 =	vadd.s32 v0, v7;
	[tilespmem:v2+s4+$0x0] =	vst.idx.add.f32.msk $0xffff, v18;
	v2 =	vsub.f32 v12, v20  }
0x140: {  	v8 =	vadd.s32 v0, v8;
	[tilespmem:v3+s4+$0x0] =	vst.idx.add.f32.msk $0xffff, v11;
	v3 =	vsub.f32 v13, v21  }
0x141: {  	[tilespmem:v4+s4+$0x0] =	vst.idx.add.f32.msk $0xffff, v2;
	v2 =	vsub.f32 v14, v22  }
0x142: {  	v40 =	vadd.s32 v0, v9;
	[tilespmem:v5+s4+$0x0] =	vst.idx.add.f32.msk $0xffff, v3;
	v3 =	vsub.f32 v15, v23  }
0x143: {  	[tilespmem:v6+s4+$0x0] =	vst.idx.add.f32.msk $0xffff, v2;
	v2 =	vsub.f32 v16, v24  }
0x144: {  	[tilespmem:v7+s4+$0x0] =	vst.idx.add.f32.msk $0xffff, v3  }
0x145: {  	v3 =	vsub.f32 v17, v25;
	[tilespmem:v8+s4+$0x0] =	vst.idx.add.f32.msk $0xffff, v2  }
0x146: {  	v2 =	vld [tilespmem:s12+$0x10]  }
0x147: {  	[tilespmem:v40+s4+$0x0] =	vst.idx.add.f32.msk $0xffff, v3  }
0x148: {  	v3 =	vld [tilespmem:s12+$0x90]  }
0x149: {  	v59 =	vld [tilespmem:s12+$0x8210];
	s13 =	sadd.s32 $0x10, s13  }
0x14a: {  	v60 =	vld [tilespmem:s12+$0x8290];
	s15 =	sor.u32 $0x300, s13  }
0x14b: {  	s13 =	sor.u32 $0x380, s13;
	v45 =	vld [tilespmem:s15+$0x0]  }
0x14c: {  	v46 =	vld [tilespmem:s13+$0x0];
	v2 =	vadd.s32 v0, v2  }
0x14d: {  	v53 =	vld [tilespmem:s15+$0x10000];
	v3 =	vadd.s32 v0, v3  }
0x14e: {  	v54 =	vld [tilespmem:s13+$0x10000];
	v4 =	vadd.s32 v0, v41  }
0x14f: {  	v61 =	vld [tilespmem:s15+$0x8000];
	v19 =	vsub.f32 v47, v55;
	v5 =	vadd.s32 v0, v42  }
0x150: {  	v62 =	vld [tilespmem:s13+$0x8000];
	v12 =	vsub.f32 v48, v56;
	v6 =	vadd.s32 v0, v43  }
0x151: {  	v7 =	vadd.s32 v0, v44;
	[tilespmem:v2+s4+$0x0] =	vst.idx.add.f32.msk $0xffff, v19;
	v2 =	vsub.f32 v49, v57  }
0x152: {  	s9 =	sadd.s32 $0x2, s9;
	v8 =	vadd.s32 v0, v45;
	[tilespmem:v3+s4+$0x0] =	vst.idx.add.f32.msk $0xffff, v12;
	v3 =	vsub.f32 v50, v58  }
0x153: {  	p0 =	slt.u32 s9, $0x7E;
	v63 =	vadd.s32 v0, v46;
	[tilespmem:v4+s4+$0x0] =	vst.idx.add.f32.msk $0xffff, v2;
	v2 =	vsub.f32 v51, v59  }
.Ltmp2:
0x154: {  	[tilespmem:v5+s4+$0x0] =	vst.idx.add.f32.msk $0xffff, v3;
	v3 =	vsub.f32 v52, v60;
	(pc) =	sbr.rel @p0 .LBB2_6-.Ltmp2, $4  }
0x155: {  	[tilespmem:v6+s4+$0x0] =	vst.idx.add.f32.msk $0xffff, v2;
	v2 =	vsub.f32 v53, v61  }
0x156: {  	v1 =	vadd.f32 v10, v1;
	[tilespmem:v7+s4+$0x0] =	vst.idx.add.f32.msk $0xffff, v3;
	v3 =	vsub.f32 v54, v62  }
0x157: {  	[tilespmem:v8+s4+$0x0] =	vst.idx.add.f32.msk $0xffff, v2  }
0x158: {  	s10 =	sadd.s32 $0x1, s10;
	s8 =	sadd.s32 $0x20, s8;
	s11 =	sadd.s32 $0x100, s11;
	v1 =	vadd.f32 v47, v1;
	[tilespmem:v63+s4+$0x0] =	vst.idx.add.f32.msk $0xffff, v3  }
0x159: {  	_ = 	snop  }
0x15a: {  	v1 =	vmul.f32 $0.0e+00, v1;
	_ =	sdelay $0x1  }
0x15b: {  	s8 =	simm.s32 $0x0;
	s9 =	rddreg [dreg:$0xe];
	[tilespmem:s4+$0x0] =	vst.add.f32.msk $0xffff, v1  }
0x15c: {  	[tilespmem:s8], [sflag:$0x1] =	stream.linear.gather [hbm4b:s9+s8], $0x4000, $0x38;
	[tilespmem:$0x18480] =	vst v63  }
0x15d: {  	s14 =	rddreg [dreg:$0xf]  }
0x15e: {  	[tilespmem:s30], [sflag:$0x1] =	stream.linear.gather [hbm4b:s14+s8], $0x4000, $0x38;
	[tilespmem:$0x18480] =	vst v63  }
0x15f: {  	s15 =	rddreg [dreg:$0x10]  }
0x160: {  	[tilespmem:s31], [sflag:$0x1] =	stream.linear.gather [hbm4b:s15+s8], $0x4000, $0x38;
	[tilespmem:$0x18480] =	vst v63  }
0x161: {  	_ =	swait.ge [sflag:s5], $0x4000  }
0x162: {  	[sflag:s5] =	ssyncset.done $0x0  }
0x163: {  	[sflag:s5] =	ssyncadd.s32 $0xFFFFC000  }
0x164: {  	_ =	swait.ge [sflag:s5], $0x4000  }
0x165: {  	[sflag:s5] =	ssyncset.done $0x0  }
0x166: {  	[sflag:s5] =	ssyncadd.s32 $0xFFFFC000  }
0x167: {  	_ =	swait.ge [sflag:s5], $0x4000  }
0x168: {  	s10 =	simm.s32 $0x0;
	[sflag:s5] =	ssyncset.done $0x0  }
0x169: {  	s11 =	simm.s32 $0x0;
	v1 =	vimm.f32 $0.0e+00;
	s9 =	simm.s32 $0xFFFFFFFE;
	[sflag:s5] =	ssyncadd.s32 $0xFFFFC000  }
.LBB2_8:
0x16a: {  	s12 =	sand.u32 $0x60, s8;
	s13 =	sand.u32 $0x3C00, s11  }
0x16b: {  	s12 =	sor.u32 s12, s13  }
0x16c: {  	v2 =	vld [tilespmem:s12+$0x4000]  }
0x16d: {  	v3 =	vld [tilespmem:s12+$0x4080]  }
0x16e: {  	v4 =	vld [tilespmem:s12+$0x4100]  }
0x16f: {  	v5 =	vld [tilespmem:s12+$0x4180]  }
0x170: {  	v6 =	vld [tilespmem:s12+$0x4200]  }
0x171: {  	v7 =	vld [tilespmem:s12+$0x4280]  }
0x172: {  	v10 =	vld [tilespmem:s12+$0x14000]  }
0x173: {  	v11 =	vld [tilespmem:s12+$0x14080]  }
0x174: {  	v12 =	vld [tilespmem:s12+$0x14100]  }
0x175: {  	v13 =	vld [tilespmem:s12+$0x14180]  }
0x176: {  	v14 =	vld [tilespmem:s12+$0x14200]  }
0x177: {  	v15 =	vld [tilespmem:s12+$0x14280]  }
0x178: {  	v18 =	vld [tilespmem:s12+$0xC000]  }
0x179: {  	v19 =	vld [tilespmem:s12+$0xC080]  }
0x17a: {  	v20 =	vld [tilespmem:s12+$0xC100]  }
0x17b: {  	v21 =	vld [tilespmem:s12+$0xC180]  }
0x17c: {  	v22 =	vld [tilespmem:s12+$0xC200]  }
0x17d: {  	v23 =	vld [tilespmem:s12+$0xC280]  }
0x17e: {  	v41 =	vld [tilespmem:s12+$0x4110]  }
0x17f: {  	v42 =	vld [tilespmem:s12+$0x4190]  }
0x180: {  	v43 =	vld [tilespmem:s12+$0x4210]  }
0x181: {  	v44 =	vld [tilespmem:s12+$0x4290]  }
0x182: {  	v47 =	vld [tilespmem:s12+$0x14010]  }
0x183: {  	v48 =	vld [tilespmem:s12+$0x14090]  }
0x184: {  	v49 =	vld [tilespmem:s12+$0x14110]  }
0x185: {  	v50 =	vld [tilespmem:s12+$0x14190]  }
0x186: {  	v51 =	vld [tilespmem:s12+$0x14210]  }
0x187: {  	v52 =	vld [tilespmem:s12+$0x14290]  }
0x188: {  	s14 =	sand.u32 $0x3, s10;
	v55 =	vld [tilespmem:s12+$0xC010]  }
0x189: {  	s13 =	sshll.u32 s14, $0x5;
	v56 =	vld [tilespmem:s12+$0xC090]  }
0x18a: {  	s13 =	sadd.s32 s13, s11;
	v57 =	vld [tilespmem:s12+$0xC110]  }
0x18b: {  	v58 =	vld [tilespmem:s12+$0xC190];
	s14 =	sor.u32 $0x300, s13  }
0x18c: {  	s15 =	sor.u32 $0x380, s13;
	v8 =	vld [tilespmem:s14+$0x4000]  }
0x18d: {  	v9 =	vld [tilespmem:s15+$0x4000];
	v2 =	vadd.s32 v0, v2  }
0x18e: {  	v16 =	vld [tilespmem:s14+$0x14000];
	v3 =	vadd.s32 v0, v3  }
0x18f: {  	v17 =	vld [tilespmem:s15+$0x14000];
	v4 =	vadd.s32 v0, v4  }
0x190: {  	v24 =	vld [tilespmem:s14+$0xC000];
	v18 =	vsub.f32 v10, v18;
	v5 =	vadd.s32 v0, v5  }
0x191: {  	v25 =	vld [tilespmem:s15+$0xC000];
	v11 =	vsub.f32 v11, v19;
	v6 =	vadd.s32 v0, v6  }
0x192: {  	v7 =	vadd.s32 v0, v7;
	[tilespmem:v2+s4+$0x0] =	vst.idx.add.f32.msk $0xffff, v18;
	v2 =	vsub.f32 v12, v20  }
0x193: {  	v8 =	vadd.s32 v0, v8;
	[tilespmem:v3+s4+$0x0] =	vst.idx.add.f32.msk $0xffff, v11;
	v3 =	vsub.f32 v13, v21  }
0x194: {  	[tilespmem:v4+s4+$0x0] =	vst.idx.add.f32.msk $0xffff, v2;
	v2 =	vsub.f32 v14, v22  }
0x195: {  	v40 =	vadd.s32 v0, v9;
	[tilespmem:v5+s4+$0x0] =	vst.idx.add.f32.msk $0xffff, v3;
	v3 =	vsub.f32 v15, v23  }
0x196: {  	[tilespmem:v6+s4+$0x0] =	vst.idx.add.f32.msk $0xffff, v2;
	v2 =	vsub.f32 v16, v24  }
0x197: {  	[tilespmem:v7+s4+$0x0] =	vst.idx.add.f32.msk $0xffff, v3  }
0x198: {  	v3 =	vsub.f32 v17, v25;
	[tilespmem:v8+s4+$0x0] =	vst.idx.add.f32.msk $0xffff, v2  }
0x199: {  	v2 =	vld [tilespmem:s12+$0x4010]  }
0x19a: {  	[tilespmem:v40+s4+$0x0] =	vst.idx.add.f32.msk $0xffff, v3  }
0x19b: {  	v3 =	vld [tilespmem:s12+$0x4090]  }
0x19c: {  	v59 =	vld [tilespmem:s12+$0xC210];
	s13 =	sadd.s32 $0x10, s13  }
0x19d: {  	v60 =	vld [tilespmem:s12+$0xC290];
	s15 =	sor.u32 $0x300, s13  }
0x19e: {  	s13 =	sor.u32 $0x380, s13;
	v45 =	vld [tilespmem:s15+$0x4000]  }
0x19f: {  	v46 =	vld [tilespmem:s13+$0x4000];
	v2 =	vadd.s32 v0, v2  }
0x1a0: {  	v53 =	vld [tilespmem:s15+$0x14000];
	v3 =	vadd.s32 v0, v3  }
0x1a1: {  	v54 =	vld [tilespmem:s13+$0x14000];
	v4 =	vadd.s32 v0, v41  }
0x1a2: {  	v61 =	vld [tilespmem:s15+$0xC000];
	v19 =	vsub.f32 v47, v55;
	v5 =	vadd.s32 v0, v42  }
0x1a3: {  	v62 =	vld [tilespmem:s13+$0xC000];
	v12 =	vsub.f32 v48, v56;
	v6 =	vadd.s32 v0, v43  }
0x1a4: {  	v7 =	vadd.s32 v0, v44;
	[tilespmem:v2+s4+$0x0] =	vst.idx.add.f32.msk $0xffff, v19;
	v2 =	vsub.f32 v49, v57  }
0x1a5: {  	s9 =	sadd.s32 $0x2, s9;
	v8 =	vadd.s32 v0, v45;
	[tilespmem:v3+s4+$0x0] =	vst.idx.add.f32.msk $0xffff, v12;
	v3 =	vsub.f32 v50, v58  }
0x1a6: {  	p0 =	slt.u32 s9, $0x7E;
	v63 =	vadd.s32 v0, v46;
	[tilespmem:v4+s4+$0x0] =	vst.idx.add.f32.msk $0xffff, v2;
	v2 =	vsub.f32 v51, v59  }
.Ltmp3:
0x1a7: {  	[tilespmem:v5+s4+$0x0] =	vst.idx.add.f32.msk $0xffff, v3;
	v3 =	vsub.f32 v52, v60;
	(pc) =	sbr.rel @p0 .LBB2_8-.Ltmp3, $4  }
0x1a8: {  	[tilespmem:v6+s4+$0x0] =	vst.idx.add.f32.msk $0xffff, v2;
	v2 =	vsub.f32 v53, v61  }
0x1a9: {  	v1 =	vadd.f32 v10, v1;
	[tilespmem:v7+s4+$0x0] =	vst.idx.add.f32.msk $0xffff, v3;
	v3 =	vsub.f32 v54, v62  }
0x1aa: {  	[tilespmem:v8+s4+$0x0] =	vst.idx.add.f32.msk $0xffff, v2  }
0x1ab: {  	s10 =	sadd.s32 $0x1, s10;
	s8 =	sadd.s32 $0x20, s8;
	s11 =	sadd.s32 $0x100, s11;
	v1 =	vadd.f32 v47, v1;
	[tilespmem:v63+s4+$0x0] =	vst.idx.add.f32.msk $0xffff, v3  }
0x1ac: {  	_ = 	snop  }
0x1ad: {  	v1 =	vmul.f32 $0.0e+00, v1;
	_ =	sdelay $0x1  }
0x1ae: {  	s8 =	simm.s32 $0x0;
	s9 =	rddreg [dreg:$0x11];
	[tilespmem:s4+$0x0] =	vst.add.f32.msk $0xffff, v1  }
0x1af: {  	[tilespmem:s20], [sflag:$0x2] =	stream.linear.gather [hbm4b:s9+s8], $0x4000, $0x38;
	[tilespmem:$0x18480] =	vst v63  }
0x1b0: {  	s15 =	rddreg [dreg:$0x12]  }
0x1b1: {  	[tilespmem:s0], [sflag:$0x2] =	stream.linear.gather [hbm4b:s15+s8], $0x4000, $0x38;
	[tilespmem:$0x18480] =	vst v63  }
0x1b2: {  	_ = 	snop  }
0x1b3: {  	[tilespmem:s2], [sflag:$0x2] =	stream.linear.gather [hbm4b:s16+s8], $0x4000, $0x38;
	[tilespmem:$0x18480] =	vst v63  }
0x1b4: {  	_ =	swait.ge [sflag:s3], $0x4000  }
0x1b5: {  	[sflag:s3] =	ssyncset.done $0x0  }
0x1b6: {  	[sflag:s3] =	ssyncadd.s32 $0xFFFFC000  }
0x1b7: {  	_ =	swait.ge [sflag:s3], $0x4000  }
0x1b8: {  	[sflag:s3] =	ssyncset.done $0x0  }
0x1b9: {  	[sflag:s3] =	ssyncadd.s32 $0xFFFFC000  }
0x1ba: {  	_ =	swait.ge [sflag:s3], $0x4000  }
0x1bb: {  	s10 =	simm.s32 $0x0;
	[sflag:s3] =	ssyncset.done $0x0  }
0x1bc: {  	s11 =	simm.s32 $0x0;
	v1 =	vimm.f32 $0.0e+00;
	s9 =	simm.s32 $0xFFFFFFFE;
	[sflag:s3] =	ssyncadd.s32 $0xFFFFC000  }
.LBB2_10:
0x1bd: {  	s12 =	sand.u32 $0x60, s8;
	s13 =	sand.u32 $0x3C00, s11  }
0x1be: {  	s12 =	sor.u32 s12, s13  }
0x1bf: {  	v2 =	vld [tilespmem:s12+$0x0]  }
0x1c0: {  	v3 =	vld [tilespmem:s12+$0x80]  }
0x1c1: {  	v4 =	vld [tilespmem:s12+$0x100]  }
0x1c2: {  	v5 =	vld [tilespmem:s12+$0x180]  }
0x1c3: {  	v6 =	vld [tilespmem:s12+$0x200]  }
0x1c4: {  	v7 =	vld [tilespmem:s12+$0x280]  }
0x1c5: {  	v10 =	vld [tilespmem:s12+$0x10000]  }
0x1c6: {  	v11 =	vld [tilespmem:s12+$0x10080]  }
0x1c7: {  	v12 =	vld [tilespmem:s12+$0x10100]  }
0x1c8: {  	v13 =	vld [tilespmem:s12+$0x10180]  }
0x1c9: {  	v14 =	vld [tilespmem:s12+$0x10200]  }
0x1ca: {  	v15 =	vld [tilespmem:s12+$0x10280]  }
0x1cb: {  	v18 =	vld [tilespmem:s12+$0x8000]  }
0x1cc: {  	v19 =	vld [tilespmem:s12+$0x8080]  }
0x1cd: {  	v20 =	vld [tilespmem:s12+$0x8100]  }
0x1ce: {  	v21 =	vld [tilespmem:s12+$0x8180]  }
0x1cf: {  	v22 =	vld [tilespmem:s12+$0x8200]  }
0x1d0: {  	v23 =	vld [tilespmem:s12+$0x8280]  }
0x1d1: {  	v41 =	vld [tilespmem:s12+$0x110]  }
0x1d2: {  	v42 =	vld [tilespmem:s12+$0x190]  }
0x1d3: {  	v43 =	vld [tilespmem:s12+$0x210]  }
0x1d4: {  	v44 =	vld [tilespmem:s12+$0x290]  }
0x1d5: {  	v47 =	vld [tilespmem:s12+$0x10010]  }
0x1d6: {  	v48 =	vld [tilespmem:s12+$0x10090]  }
0x1d7: {  	v49 =	vld [tilespmem:s12+$0x10110]  }
0x1d8: {  	v50 =	vld [tilespmem:s12+$0x10190]  }
0x1d9: {  	v51 =	vld [tilespmem:s12+$0x10210]  }
0x1da: {  	v52 =	vld [tilespmem:s12+$0x10290]  }
0x1db: {  	s14 =	sand.u32 $0x3, s10;
	v55 =	vld [tilespmem:s12+$0x8010]  }
0x1dc: {  	s13 =	sshll.u32 s14, $0x5;
	v56 =	vld [tilespmem:s12+$0x8090]  }
0x1dd: {  	s13 =	sadd.s32 s13, s11;
	v57 =	vld [tilespmem:s12+$0x8110]  }
0x1de: {  	v58 =	vld [tilespmem:s12+$0x8190];
	s14 =	sor.u32 $0x300, s13  }
0x1df: {  	s15 =	sor.u32 $0x380, s13;
	v8 =	vld [tilespmem:s14+$0x0]  }
0x1e0: {  	v9 =	vld [tilespmem:s15+$0x0];
	v2 =	vadd.s32 v0, v2  }
0x1e1: {  	v16 =	vld [tilespmem:s14+$0x10000];
	v3 =	vadd.s32 v0, v3  }
0x1e2: {  	v17 =	vld [tilespmem:s15+$0x10000];
	v4 =	vadd.s32 v0, v4  }
0x1e3: {  	v24 =	vld [tilespmem:s14+$0x8000];
	v18 =	vsub.f32 v10, v18;
	v5 =	vadd.s32 v0, v5  }
0x1e4: {  	v25 =	vld [tilespmem:s15+$0x8000];
	v11 =	vsub.f32 v11, v19;
	v6 =	vadd.s32 v0, v6  }
0x1e5: {  	v7 =	vadd.s32 v0, v7;
	[tilespmem:v2+s4+$0x0] =	vst.idx.add.f32.msk $0xffff, v18;
	v2 =	vsub.f32 v12, v20  }
0x1e6: {  	v8 =	vadd.s32 v0, v8;
	[tilespmem:v3+s4+$0x0] =	vst.idx.add.f32.msk $0xffff, v11;
	v3 =	vsub.f32 v13, v21  }
0x1e7: {  	[tilespmem:v4+s4+$0x0] =	vst.idx.add.f32.msk $0xffff, v2;
	v2 =	vsub.f32 v14, v22  }
0x1e8: {  	v40 =	vadd.s32 v0, v9;
	[tilespmem:v5+s4+$0x0] =	vst.idx.add.f32.msk $0xffff, v3;
	v3 =	vsub.f32 v15, v23  }
0x1e9: {  	[tilespmem:v6+s4+$0x0] =	vst.idx.add.f32.msk $0xffff, v2;
	v2 =	vsub.f32 v16, v24  }
0x1ea: {  	[tilespmem:v7+s4+$0x0] =	vst.idx.add.f32.msk $0xffff, v3  }
0x1eb: {  	v3 =	vsub.f32 v17, v25;
	[tilespmem:v8+s4+$0x0] =	vst.idx.add.f32.msk $0xffff, v2  }
0x1ec: {  	v2 =	vld [tilespmem:s12+$0x10]  }
0x1ed: {  	[tilespmem:v40+s4+$0x0] =	vst.idx.add.f32.msk $0xffff, v3  }
0x1ee: {  	v3 =	vld [tilespmem:s12+$0x90]  }
0x1ef: {  	v59 =	vld [tilespmem:s12+$0x8210];
	s13 =	sadd.s32 $0x10, s13  }
0x1f0: {  	v60 =	vld [tilespmem:s12+$0x8290];
	s15 =	sor.u32 $0x300, s13  }
0x1f1: {  	s13 =	sor.u32 $0x380, s13;
	v45 =	vld [tilespmem:s15+$0x0]  }
0x1f2: {  	v46 =	vld [tilespmem:s13+$0x0];
	v2 =	vadd.s32 v0, v2  }
0x1f3: {  	v53 =	vld [tilespmem:s15+$0x10000];
	v3 =	vadd.s32 v0, v3  }
0x1f4: {  	v54 =	vld [tilespmem:s13+$0x10000];
	v4 =	vadd.s32 v0, v41  }
0x1f5: {  	v61 =	vld [tilespmem:s15+$0x8000];
	v19 =	vsub.f32 v47, v55;
	v5 =	vadd.s32 v0, v42  }
0x1f6: {  	v62 =	vld [tilespmem:s13+$0x8000];
	v12 =	vsub.f32 v48, v56;
	v6 =	vadd.s32 v0, v43  }
0x1f7: {  	v7 =	vadd.s32 v0, v44;
	[tilespmem:v2+s4+$0x0] =	vst.idx.add.f32.msk $0xffff, v19;
	v2 =	vsub.f32 v49, v57  }
0x1f8: {  	s9 =	sadd.s32 $0x2, s9;
	v8 =	vadd.s32 v0, v45;
	[tilespmem:v3+s4+$0x0] =	vst.idx.add.f32.msk $0xffff, v12;
	v3 =	vsub.f32 v50, v58  }
0x1f9: {  	p0 =	slt.u32 s9, $0x7E;
	v63 =	vadd.s32 v0, v46;
	[tilespmem:v4+s4+$0x0] =	vst.idx.add.f32.msk $0xffff, v2;
	v2 =	vsub.f32 v51, v59  }
.Ltmp4:
0x1fa: {  	[tilespmem:v5+s4+$0x0] =	vst.idx.add.f32.msk $0xffff, v3;
	v3 =	vsub.f32 v52, v60;
	(pc) =	sbr.rel @p0 .LBB2_10-.Ltmp4, $4  }
0x1fb: {  	[tilespmem:v6+s4+$0x0] =	vst.idx.add.f32.msk $0xffff, v2;
	v2 =	vsub.f32 v53, v61  }
0x1fc: {  	v1 =	vadd.f32 v10, v1;
	[tilespmem:v7+s4+$0x0] =	vst.idx.add.f32.msk $0xffff, v3;
	v3 =	vsub.f32 v54, v62  }
0x1fd: {  	[tilespmem:v8+s4+$0x0] =	vst.idx.add.f32.msk $0xffff, v2  }
0x1fe: {  	s10 =	sadd.s32 $0x1, s10;
	s8 =	sadd.s32 $0x20, s8;
	s11 =	sadd.s32 $0x100, s11;
	v1 =	vadd.f32 v47, v1;
	[tilespmem:v63+s4+$0x0] =	vst.idx.add.f32.msk $0xffff, v3  }
0x1ff: {  	_ = 	snop  }
0x200: {  	v1 =	vmul.f32 $0.0e+00, v1;
	_ =	sdelay $0x1  }
0x201: {  	s8 =	simm.s32 $0x0;
	[tilespmem:s4+$0x0] =	vst.add.f32.msk $0xffff, v1  }
0x202: {  	[tilespmem:s8], [sflag:$0x1] =	stream.linear.gather [hbm4b:s17+s8], $0x4000, $0x38;
	[tilespmem:$0x18480] =	vst v63  }
0x203: {  	_ = 	snop  }
0x204: {  	[tilespmem:s30], [sflag:$0x1] =	stream.linear.gather [hbm4b:s18+s8], $0x4000, $0x38;
	[tilespmem:$0x18480] =	vst v63  }
0x205: {  	_ = 	snop  }
0x206: {  	[tilespmem:s31], [sflag:$0x1] =	stream.linear.gather [hbm4b:s19+s8], $0x4000, $0x38;
	[tilespmem:$0x18480] =	vst v63  }
0x207: {  	_ =	swait.ge [sflag:s5], $0x4000  }
0x208: {  	[sflag:s5] =	ssyncset.done $0x0  }
0x209: {  	[sflag:s5] =	ssyncadd.s32 $0xFFFFC000  }
0x20a: {  	_ =	swait.ge [sflag:s5], $0x4000  }
0x20b: {  	[sflag:s5] =	ssyncset.done $0x0  }
0x20c: {  	[sflag:s5] =	ssyncadd.s32 $0xFFFFC000  }
0x20d: {  	_ =	swait.ge [sflag:s5], $0x4000  }
0x20e: {  	s9 =	simm.s32 $0xFFFFFFFE;
	[sflag:s5] =	ssyncset.done $0x0  }
0x20f: {  	s10 =	simm.s32 $0x0;
	s11 =	simm.s32 $0x0;
	v1 =	vimm.f32 $0.0e+00;
	[sflag:s5] =	ssyncadd.s32 $0xFFFFC000  }
.LBB2_12:
0x210: {  	s12 =	sand.u32 $0x60, s8;
	s13 =	sand.u32 $0x3C00, s11  }
0x211: {  	s12 =	sor.u32 s12, s13  }
0x212: {  	v2 =	vld [tilespmem:s12+$0x4000]  }
0x213: {  	v3 =	vld [tilespmem:s12+$0x4080]  }
0x214: {  	v4 =	vld [tilespmem:s12+$0x4100]  }
0x215: {  	v5 =	vld [tilespmem:s12+$0x4180]  }
0x216: {  	v6 =	vld [tilespmem:s12+$0x4200]  }
0x217: {  	v7 =	vld [tilespmem:s12+$0x4280]  }
0x218: {  	v10 =	vld [tilespmem:s12+$0x14000]  }
0x219: {  	v11 =	vld [tilespmem:s12+$0x14080]  }
0x21a: {  	v12 =	vld [tilespmem:s12+$0x14100]  }
0x21b: {  	v13 =	vld [tilespmem:s12+$0x14180]  }
0x21c: {  	v14 =	vld [tilespmem:s12+$0x14200]  }
0x21d: {  	v15 =	vld [tilespmem:s12+$0x14280]  }
0x21e: {  	v18 =	vld [tilespmem:s12+$0xC000]  }
0x21f: {  	v19 =	vld [tilespmem:s12+$0xC080]  }
0x220: {  	v20 =	vld [tilespmem:s12+$0xC100]  }
0x221: {  	v21 =	vld [tilespmem:s12+$0xC180]  }
0x222: {  	v22 =	vld [tilespmem:s12+$0xC200]  }
0x223: {  	v23 =	vld [tilespmem:s12+$0xC280]  }
0x224: {  	v41 =	vld [tilespmem:s12+$0x4110]  }
0x225: {  	v42 =	vld [tilespmem:s12+$0x4190]  }
0x226: {  	v43 =	vld [tilespmem:s12+$0x4210]  }
0x227: {  	v44 =	vld [tilespmem:s12+$0x4290]  }
0x228: {  	v47 =	vld [tilespmem:s12+$0x14010]  }
0x229: {  	v48 =	vld [tilespmem:s12+$0x14090]  }
0x22a: {  	v49 =	vld [tilespmem:s12+$0x14110]  }
0x22b: {  	v50 =	vld [tilespmem:s12+$0x14190]  }
0x22c: {  	v51 =	vld [tilespmem:s12+$0x14210]  }
0x22d: {  	v52 =	vld [tilespmem:s12+$0x14290]  }
0x22e: {  	s14 =	sand.u32 $0x3, s10;
	v55 =	vld [tilespmem:s12+$0xC010]  }
0x22f: {  	s13 =	sshll.u32 s14, $0x5;
	v56 =	vld [tilespmem:s12+$0xC090]  }
0x230: {  	s13 =	sadd.s32 s13, s11;
	v57 =	vld [tilespmem:s12+$0xC110]  }
0x231: {  	v58 =	vld [tilespmem:s12+$0xC190];
	s14 =	sor.u32 $0x300, s13  }
0x232: {  	s15 =	sor.u32 $0x380, s13;
	v8 =	vld [tilespmem:s14+$0x4000]  }
0x233: {  	v9 =	vld [tilespmem:s15+$0x4000];
	v2 =	vadd.s32 v0, v2  }
0x234: {  	v16 =	vld [tilespmem:s14+$0x14000];
	v3 =	vadd.s32 v0, v3  }
0x235: {  	v17 =	vld [tilespmem:s15+$0x14000];
	v4 =	vadd.s32 v0, v4  }
0x236: {  	v24 =	vld [tilespmem:s14+$0xC000];
	v18 =	vsub.f32 v10, v18;
	v5 =	vadd.s32 v0, v5  }
0x237: {  	v25 =	vld [tilespmem:s15+$0xC000];
	v11 =	vsub.f32 v11, v19;
	v6 =	vadd.s32 v0, v6  }
0x238: {  	v7 =	vadd.s32 v0, v7;
	[tilespmem:v2+s4+$0x0] =	vst.idx.add.f32.msk $0xffff, v18;
	v2 =	vsub.f32 v12, v20  }
0x239: {  	v8 =	vadd.s32 v0, v8;
	[tilespmem:v3+s4+$0x0] =	vst.idx.add.f32.msk $0xffff, v11;
	v3 =	vsub.f32 v13, v21  }
0x23a: {  	[tilespmem:v4+s4+$0x0] =	vst.idx.add.f32.msk $0xffff, v2;
	v2 =	vsub.f32 v14, v22  }
0x23b: {  	v40 =	vadd.s32 v0, v9;
	[tilespmem:v5+s4+$0x0] =	vst.idx.add.f32.msk $0xffff, v3;
	v3 =	vsub.f32 v15, v23  }
0x23c: {  	[tilespmem:v6+s4+$0x0] =	vst.idx.add.f32.msk $0xffff, v2;
	v2 =	vsub.f32 v16, v24  }
0x23d: {  	[tilespmem:v7+s4+$0x0] =	vst.idx.add.f32.msk $0xffff, v3  }
0x23e: {  	v3 =	vsub.f32 v17, v25;
	[tilespmem:v8+s4+$0x0] =	vst.idx.add.f32.msk $0xffff, v2  }
0x23f: {  	v2 =	vld [tilespmem:s12+$0x4010]  }
0x240: {  	[tilespmem:v40+s4+$0x0] =	vst.idx.add.f32.msk $0xffff, v3  }
0x241: {  	v3 =	vld [tilespmem:s12+$0x4090]  }
0x242: {  	v59 =	vld [tilespmem:s12+$0xC210];
	s13 =	sadd.s32 $0x10, s13  }
0x243: {  	v60 =	vld [tilespmem:s12+$0xC290];
	s15 =	sor.u32 $0x300, s13  }
0x244: {  	s13 =	sor.u32 $0x380, s13;
	v45 =	vld [tilespmem:s15+$0x4000]  }
0x245: {  	v46 =	vld [tilespmem:s13+$0x4000];
	v2 =	vadd.s32 v0, v2  }
0x246: {  	v53 =	vld [tilespmem:s15+$0x14000];
	v3 =	vadd.s32 v0, v3  }
0x247: {  	v54 =	vld [tilespmem:s13+$0x14000];
	v4 =	vadd.s32 v0, v41  }
0x248: {  	v61 =	vld [tilespmem:s15+$0xC000];
	v19 =	vsub.f32 v47, v55;
	v5 =	vadd.s32 v0, v42  }
0x249: {  	v62 =	vld [tilespmem:s13+$0xC000];
	v12 =	vsub.f32 v48, v56;
	v6 =	vadd.s32 v0, v43  }
0x24a: {  	v7 =	vadd.s32 v0, v44;
	[tilespmem:v2+s4+$0x0] =	vst.idx.add.f32.msk $0xffff, v19;
	v2 =	vsub.f32 v49, v57  }
0x24b: {  	s9 =	sadd.s32 $0x2, s9;
	v8 =	vadd.s32 v0, v45;
	[tilespmem:v3+s4+$0x0] =	vst.idx.add.f32.msk $0xffff, v12;
	v3 =	vsub.f32 v50, v58  }
0x24c: {  	p0 =	slt.u32 s9, $0x7E;
	v63 =	vadd.s32 v0, v46;
	[tilespmem:v4+s4+$0x0] =	vst.idx.add.f32.msk $0xffff, v2;
	v2 =	vsub.f32 v51, v59  }
.Ltmp5:
0x24d: {  	[tilespmem:v5+s4+$0x0] =	vst.idx.add.f32.msk $0xffff, v3;
	v3 =	vsub.f32 v52, v60;
	(pc) =	sbr.rel @p0 .LBB2_12-.Ltmp5, $4  }
0x24e: {  	[tilespmem:v6+s4+$0x0] =	vst.idx.add.f32.msk $0xffff, v2;
	v2 =	vsub.f32 v53, v61  }
0x24f: {  	v1 =	vadd.f32 v10, v1;
	[tilespmem:v7+s4+$0x0] =	vst.idx.add.f32.msk $0xffff, v3;
	v3 =	vsub.f32 v54, v62  }
0x250: {  	[tilespmem:v8+s4+$0x0] =	vst.idx.add.f32.msk $0xffff, v2  }
0x251: {  	s10 =	sadd.s32 $0x1, s10;
	s8 =	sadd.s32 $0x20, s8;
	s11 =	sadd.s32 $0x100, s11;
	v1 =	vadd.f32 v47, v1;
	[tilespmem:v63+s4+$0x0] =	vst.idx.add.f32.msk $0xffff, v3  }
0x252: {  	_ = 	snop  }
0x253: {  	v1 =	vmul.f32 $0.0e+00, v1;
	_ =	sdelay $0x1  }
0x254: {  	s8 =	simm.s32 $0x0;
	[tilespmem:s4+$0x0] =	vst.add.f32.msk $0xffff, v1  }
0x255: {  	[tilespmem:s20], [sflag:$0x2] =	stream.linear.gather [hbm4b:s24+s8], $0x4000, $0x38;
	[tilespmem:$0x18480] =	vst v63  }
0x256: {  	_ = 	snop  }
0x257: {  	[tilespmem:s0], [sflag:$0x2] =	stream.linear.gather [hbm4b:s25+s8], $0x4000, $0x38;
	[tilespmem:$0x18480] =	vst v63  }
0x258: {  	_ = 	snop  }
0x259: {  	[tilespmem:s2], [sflag:$0x2] =	stream.linear.gather [hbm4b:s26+s8], $0x4000, $0x38;
	[tilespmem:$0x18480] =	vst v63  }
0x25a: {  	_ =	swait.ge [sflag:s3], $0x4000  }
0x25b: {  	[sflag:s3] =	ssyncset.done $0x0  }
0x25c: {  	[sflag:s3] =	ssyncadd.s32 $0xFFFFC000  }
0x25d: {  	_ =	swait.ge [sflag:s3], $0x4000  }
0x25e: {  	[sflag:s3] =	ssyncset.done $0x0  }
0x25f: {  	[sflag:s3] =	ssyncadd.s32 $0xFFFFC000  }
0x260: {  	_ =	swait.ge [sflag:s3], $0x4000  }
0x261: {  	s9 =	simm.s32 $0xFFFFFFFE;
	[sflag:s3] =	ssyncset.done $0x0  }
0x262: {  	s10 =	simm.s32 $0x0;
	s11 =	simm.s32 $0x0;
	v1 =	vimm.f32 $0.0e+00;
	[sflag:s3] =	ssyncadd.s32 $0xFFFFC000  }
.LBB2_14:
0x263: {  	s12 =	sand.u32 $0x60, s8;
	s13 =	sand.u32 $0x3C00, s11  }
0x264: {  	s12 =	sor.u32 s12, s13  }
0x265: {  	v2 =	vld [tilespmem:s12+$0x0]  }
0x266: {  	v3 =	vld [tilespmem:s12+$0x80]  }
0x267: {  	v4 =	vld [tilespmem:s12+$0x100]  }
0x268: {  	v5 =	vld [tilespmem:s12+$0x180]  }
0x269: {  	v6 =	vld [tilespmem:s12+$0x200]  }
0x26a: {  	v7 =	vld [tilespmem:s12+$0x280]  }
0x26b: {  	v10 =	vld [tilespmem:s12+$0x10000]  }
0x26c: {  	v11 =	vld [tilespmem:s12+$0x10080]  }
0x26d: {  	v12 =	vld [tilespmem:s12+$0x10100]  }
0x26e: {  	v13 =	vld [tilespmem:s12+$0x10180]  }
0x26f: {  	v14 =	vld [tilespmem:s12+$0x10200]  }
0x270: {  	v15 =	vld [tilespmem:s12+$0x10280]  }
0x271: {  	v18 =	vld [tilespmem:s12+$0x8000]  }
0x272: {  	v19 =	vld [tilespmem:s12+$0x8080]  }
0x273: {  	v20 =	vld [tilespmem:s12+$0x8100]  }
0x274: {  	v21 =	vld [tilespmem:s12+$0x8180]  }
0x275: {  	v22 =	vld [tilespmem:s12+$0x8200]  }
0x276: {  	v23 =	vld [tilespmem:s12+$0x8280]  }
0x277: {  	v41 =	vld [tilespmem:s12+$0x110]  }
0x278: {  	v42 =	vld [tilespmem:s12+$0x190]  }
0x279: {  	v43 =	vld [tilespmem:s12+$0x210]  }
0x27a: {  	v44 =	vld [tilespmem:s12+$0x290]  }
0x27b: {  	v47 =	vld [tilespmem:s12+$0x10010]  }
0x27c: {  	v48 =	vld [tilespmem:s12+$0x10090]  }
0x27d: {  	v49 =	vld [tilespmem:s12+$0x10110]  }
0x27e: {  	v50 =	vld [tilespmem:s12+$0x10190]  }
0x27f: {  	v51 =	vld [tilespmem:s12+$0x10210]  }
0x280: {  	v52 =	vld [tilespmem:s12+$0x10290]  }
0x281: {  	s14 =	sand.u32 $0x3, s10;
	v55 =	vld [tilespmem:s12+$0x8010]  }
0x282: {  	s13 =	sshll.u32 s14, $0x5;
	v56 =	vld [tilespmem:s12+$0x8090]  }
0x283: {  	s13 =	sadd.s32 s13, s11;
	v57 =	vld [tilespmem:s12+$0x8110]  }
0x284: {  	v58 =	vld [tilespmem:s12+$0x8190];
	s14 =	sor.u32 $0x300, s13  }
0x285: {  	s15 =	sor.u32 $0x380, s13;
	v8 =	vld [tilespmem:s14+$0x0]  }
0x286: {  	v9 =	vld [tilespmem:s15+$0x0];
	v2 =	vadd.s32 v0, v2  }
0x287: {  	v16 =	vld [tilespmem:s14+$0x10000];
	v3 =	vadd.s32 v0, v3  }
0x288: {  	v17 =	vld [tilespmem:s15+$0x10000];
	v4 =	vadd.s32 v0, v4  }
0x289: {  	v24 =	vld [tilespmem:s14+$0x8000];
	v18 =	vsub.f32 v10, v18;
	v5 =	vadd.s32 v0, v5  }
0x28a: {  	v25 =	vld [tilespmem:s15+$0x8000];
	v11 =	vsub.f32 v11, v19;
	v6 =	vadd.s32 v0, v6  }
0x28b: {  	v7 =	vadd.s32 v0, v7;
	[tilespmem:v2+s4+$0x0] =	vst.idx.add.f32.msk $0xffff, v18;
	v2 =	vsub.f32 v12, v20  }
0x28c: {  	v8 =	vadd.s32 v0, v8;
	[tilespmem:v3+s4+$0x0] =	vst.idx.add.f32.msk $0xffff, v11;
	v3 =	vsub.f32 v13, v21  }
0x28d: {  	[tilespmem:v4+s4+$0x0] =	vst.idx.add.f32.msk $0xffff, v2;
	v2 =	vsub.f32 v14, v22  }
0x28e: {  	v40 =	vadd.s32 v0, v9;
	[tilespmem:v5+s4+$0x0] =	vst.idx.add.f32.msk $0xffff, v3;
	v3 =	vsub.f32 v15, v23  }
0x28f: {  	[tilespmem:v6+s4+$0x0] =	vst.idx.add.f32.msk $0xffff, v2;
	v2 =	vsub.f32 v16, v24  }
0x290: {  	[tilespmem:v7+s4+$0x0] =	vst.idx.add.f32.msk $0xffff, v3  }
0x291: {  	v3 =	vsub.f32 v17, v25;
	[tilespmem:v8+s4+$0x0] =	vst.idx.add.f32.msk $0xffff, v2  }
0x292: {  	v2 =	vld [tilespmem:s12+$0x10]  }
0x293: {  	[tilespmem:v40+s4+$0x0] =	vst.idx.add.f32.msk $0xffff, v3  }
0x294: {  	v3 =	vld [tilespmem:s12+$0x90]  }
0x295: {  	v59 =	vld [tilespmem:s12+$0x8210];
	s13 =	sadd.s32 $0x10, s13  }
0x296: {  	v60 =	vld [tilespmem:s12+$0x8290];
	s15 =	sor.u32 $0x300, s13  }
0x297: {  	s13 =	sor.u32 $0x380, s13;
	v45 =	vld [tilespmem:s15+$0x0]  }
0x298: {  	v46 =	vld [tilespmem:s13+$0x0];
	v2 =	vadd.s32 v0, v2  }
0x299: {  	v53 =	vld [tilespmem:s15+$0x10000];
	v3 =	vadd.s32 v0, v3  }
0x29a: {  	v54 =	vld [tilespmem:s13+$0x10000];
	v4 =	vadd.s32 v0, v41  }
0x29b: {  	v61 =	vld [tilespmem:s15+$0x8000];
	v19 =	vsub.f32 v47, v55;
	v5 =	vadd.s32 v0, v42  }
0x29c: {  	v62 =	vld [tilespmem:s13+$0x8000];
	v12 =	vsub.f32 v48, v56;
	v6 =	vadd.s32 v0, v43  }
0x29d: {  	v7 =	vadd.s32 v0, v44;
	[tilespmem:v2+s4+$0x0] =	vst.idx.add.f32.msk $0xffff, v19;
	v2 =	vsub.f32 v49, v57  }
0x29e: {  	s9 =	sadd.s32 $0x2, s9;
	v8 =	vadd.s32 v0, v45;
	[tilespmem:v3+s4+$0x0] =	vst.idx.add.f32.msk $0xffff, v12;
	v3 =	vsub.f32 v50, v58  }
0x29f: {  	p0 =	slt.u32 s9, $0x7E;
	v63 =	vadd.s32 v0, v46;
	[tilespmem:v4+s4+$0x0] =	vst.idx.add.f32.msk $0xffff, v2;
	v2 =	vsub.f32 v51, v59  }
.Ltmp6:
0x2a0: {  	[tilespmem:v5+s4+$0x0] =	vst.idx.add.f32.msk $0xffff, v3;
	v3 =	vsub.f32 v52, v60;
	(pc) =	sbr.rel @p0 .LBB2_14-.Ltmp6, $4  }
0x2a1: {  	[tilespmem:v6+s4+$0x0] =	vst.idx.add.f32.msk $0xffff, v2;
	v2 =	vsub.f32 v53, v61  }
0x2a2: {  	v1 =	vadd.f32 v10, v1;
	[tilespmem:v7+s4+$0x0] =	vst.idx.add.f32.msk $0xffff, v3;
	v3 =	vsub.f32 v54, v62  }
0x2a3: {  	[tilespmem:v8+s4+$0x0] =	vst.idx.add.f32.msk $0xffff, v2  }
0x2a4: {  	s10 =	sadd.s32 $0x1, s10;
	s8 =	sadd.s32 $0x20, s8;
	s11 =	sadd.s32 $0x100, s11;
	v1 =	vadd.f32 v47, v1;
	[tilespmem:v63+s4+$0x0] =	vst.idx.add.f32.msk $0xffff, v3  }
0x2a5: {  	_ = 	snop  }
0x2a6: {  	v1 =	vmul.f32 $0.0e+00, v1;
	_ =	sdelay $0x1  }
0x2a7: {  	[tilespmem:s4+$0x0] =	vst.add.f32.msk $0xffff, v1  }
0x2a8: {  	_ =	swait.ge [sflag:s5], $0x4000  }
0x2a9: {  	[sflag:s5] =	ssyncset.done $0x0  }
0x2aa: {  	[sflag:s5] =	ssyncadd.s32 $0xFFFFC000  }
0x2ab: {  	_ =	swait.ge [sflag:s5], $0x4000  }
0x2ac: {  	[sflag:s5] =	ssyncset.done $0x0  }
0x2ad: {  	[sflag:s5] =	ssyncadd.s32 $0xFFFFC000  }
0x2ae: {  	_ =	swait.ge [sflag:s5], $0x4000  }
0x2af: {  	s8 =	simm.s32 $0xFFFFFFFE;
	s9 =	simm.s32 $0x0;
	[sflag:s5] =	ssyncset.done $0x0  }
0x2b0: {  	s10 =	simm.s32 $0x0;
	s11 =	simm.s32 $0x0;
	v1 =	vimm.f32 $0.0e+00;
	[sflag:s5] =	ssyncadd.s32 $0xFFFFC000  }
.LBB2_16:
0x2b1: {  	s12 =	sand.u32 $0x60, s9;
	s13 =	sand.u32 $0x3C00, s11  }
0x2b2: {  	s12 =	sor.u32 s12, s13  }
0x2b3: {  	v2 =	vld [tilespmem:s12+$0x4000]  }
0x2b4: {  	v3 =	vld [tilespmem:s12+$0x4080]  }
0x2b5: {  	v4 =	vld [tilespmem:s12+$0x4100]  }
0x2b6: {  	v5 =	vld [tilespmem:s12+$0x4180]  }
0x2b7: {  	v6 =	vld [tilespmem:s12+$0x4200]  }
0x2b8: {  	v7 =	vld [tilespmem:s12+$0x4280]  }
0x2b9: {  	v10 =	vld [tilespmem:s12+$0x14000]  }
0x2ba: {  	v11 =	vld [tilespmem:s12+$0x14080]  }
0x2bb: {  	v12 =	vld [tilespmem:s12+$0x14100]  }
0x2bc: {  	v13 =	vld [tilespmem:s12+$0x14180]  }
0x2bd: {  	v14 =	vld [tilespmem:s12+$0x14200]  }
0x2be: {  	v15 =	vld [tilespmem:s12+$0x14280]  }
0x2bf: {  	v18 =	vld [tilespmem:s12+$0xC000]  }
0x2c0: {  	v19 =	vld [tilespmem:s12+$0xC080]  }
0x2c1: {  	v20 =	vld [tilespmem:s12+$0xC100]  }
0x2c2: {  	v21 =	vld [tilespmem:s12+$0xC180]  }
0x2c3: {  	v22 =	vld [tilespmem:s12+$0xC200]  }
0x2c4: {  	v23 =	vld [tilespmem:s12+$0xC280]  }
0x2c5: {  	v41 =	vld [tilespmem:s12+$0x4110]  }
0x2c6: {  	v42 =	vld [tilespmem:s12+$0x4190]  }
0x2c7: {  	v43 =	vld [tilespmem:s12+$0x4210]  }
0x2c8: {  	v44 =	vld [tilespmem:s12+$0x4290]  }
0x2c9: {  	v47 =	vld [tilespmem:s12+$0x14010]  }
0x2ca: {  	v48 =	vld [tilespmem:s12+$0x14090]  }
0x2cb: {  	v49 =	vld [tilespmem:s12+$0x14110]  }
0x2cc: {  	v50 =	vld [tilespmem:s12+$0x14190]  }
0x2cd: {  	v51 =	vld [tilespmem:s12+$0x14210]  }
0x2ce: {  	v52 =	vld [tilespmem:s12+$0x14290]  }
0x2cf: {  	s14 =	sand.u32 $0x3, s10;
	v55 =	vld [tilespmem:s12+$0xC010]  }
0x2d0: {  	s13 =	sshll.u32 s14, $0x5;
	v56 =	vld [tilespmem:s12+$0xC090]  }
0x2d1: {  	s13 =	sadd.s32 s13, s11;
	v57 =	vld [tilespmem:s12+$0xC110]  }
0x2d2: {  	v58 =	vld [tilespmem:s12+$0xC190];
	s14 =	sor.u32 $0x300, s13  }
0x2d3: {  	s15 =	sor.u32 $0x380, s13;
	v8 =	vld [tilespmem:s14+$0x4000]  }
0x2d4: {  	v9 =	vld [tilespmem:s15+$0x4000];
	v2 =	vadd.s32 v0, v2  }
0x2d5: {  	v16 =	vld [tilespmem:s14+$0x14000];
	v3 =	vadd.s32 v0, v3  }
0x2d6: {  	v17 =	vld [tilespmem:s15+$0x14000];
	v4 =	vadd.s32 v0, v4  }
0x2d7: {  	v24 =	vld [tilespmem:s14+$0xC000];
	v18 =	vsub.f32 v10, v18;
	v5 =	vadd.s32 v0, v5  }
0x2d8: {  	v25 =	vld [tilespmem:s15+$0xC000];
	v11 =	vsub.f32 v11, v19;
	v6 =	vadd.s32 v0, v6  }
0x2d9: {  	v7 =	vadd.s32 v0, v7;
	[tilespmem:v2+s4+$0x0] =	vst.idx.add.f32.msk $0xffff, v18;
	v2 =	vsub.f32 v12, v20  }
0x2da: {  	v8 =	vadd.s32 v0, v8;
	[tilespmem:v3+s4+$0x0] =	vst.idx.add.f32.msk $0xffff, v11;
	v3 =	vsub.f32 v13, v21  }
0x2db: {  	[tilespmem:v4+s4+$0x0] =	vst.idx.add.f32.msk $0xffff, v2;
	v2 =	vsub.f32 v14, v22  }
0x2dc: {  	v40 =	vadd.s32 v0, v9;
	[tilespmem:v5+s4+$0x0] =	vst.idx.add.f32.msk $0xffff, v3;
	v3 =	vsub.f32 v15, v23  }
0x2dd: {  	[tilespmem:v6+s4+$0x0] =	vst.idx.add.f32.msk $0xffff, v2;
	v2 =	vsub.f32 v16, v24  }
0x2de: {  	[tilespmem:v7+s4+$0x0] =	vst.idx.add.f32.msk $0xffff, v3  }
0x2df: {  	v3 =	vsub.f32 v17, v25;
	[tilespmem:v8+s4+$0x0] =	vst.idx.add.f32.msk $0xffff, v2  }
0x2e0: {  	v2 =	vld [tilespmem:s12+$0x4010]  }
0x2e1: {  	[tilespmem:v40+s4+$0x0] =	vst.idx.add.f32.msk $0xffff, v3  }
0x2e2: {  	v3 =	vld [tilespmem:s12+$0x4090]  }
0x2e3: {  	v59 =	vld [tilespmem:s12+$0xC210];
	s13 =	sadd.s32 $0x10, s13  }
0x2e4: {  	v60 =	vld [tilespmem:s12+$0xC290];
	s15 =	sor.u32 $0x300, s13  }
0x2e5: {  	s13 =	sor.u32 $0x380, s13;
	v45 =	vld [tilespmem:s15+$0x4000]  }
0x2e6: {  	v46 =	vld [tilespmem:s13+$0x4000];
	v2 =	vadd.s32 v0, v2  }
0x2e7: {  	v53 =	vld [tilespmem:s15+$0x14000];
	v3 =	vadd.s32 v0, v3  }
0x2e8: {  	v54 =	vld [tilespmem:s13+$0x14000];
	v4 =	vadd.s32 v0, v41  }
0x2e9: {  	v61 =	vld [tilespmem:s15+$0xC000];
	v19 =	vsub.f32 v47, v55;
	v5 =	vadd.s32 v0, v42  }
0x2ea: {  	v62 =	vld [tilespmem:s13+$0xC000];
	v12 =	vsub.f32 v48, v56;
	v6 =	vadd.s32 v0, v43  }
0x2eb: {  	v7 =	vadd.s32 v0, v44;
	[tilespmem:v2+s4+$0x0] =	vst.idx.add.f32.msk $0xffff, v19;
	v2 =	vsub.f32 v49, v57  }
0x2ec: {  	s8 =	sadd.s32 $0x2, s8;
	v8 =	vadd.s32 v0, v45;
	[tilespmem:v3+s4+$0x0] =	vst.idx.add.f32.msk $0xffff, v12;
	v3 =	vsub.f32 v50, v58  }
0x2ed: {  	p0 =	slt.u32 s8, $0x7E;
	v63 =	vadd.s32 v0, v46;
	[tilespmem:v4+s4+$0x0] =	vst.idx.add.f32.msk $0xffff, v2;
	v2 =	vsub.f32 v51, v59  }
.Ltmp7:
0x2ee: {  	[tilespmem:v5+s4+$0x0] =	vst.idx.add.f32.msk $0xffff, v3;
	v3 =	vsub.f32 v52, v60;
	(pc) =	sbr.rel @p0 .LBB2_16-.Ltmp7, $4  }
0x2ef: {  	[tilespmem:v6+s4+$0x0] =	vst.idx.add.f32.msk $0xffff, v2;
	v2 =	vsub.f32 v53, v61  }
0x2f0: {  	v1 =	vadd.f32 v10, v1;
	[tilespmem:v7+s4+$0x0] =	vst.idx.add.f32.msk $0xffff, v3;
	v3 =	vsub.f32 v54, v62  }
0x2f1: {  	[tilespmem:v8+s4+$0x0] =	vst.idx.add.f32.msk $0xffff, v2  }
0x2f2: {  	s10 =	sadd.s32 $0x1, s10;
	s9 =	sadd.s32 $0x20, s9;
	s11 =	sadd.s32 $0x100, s11;
	v1 =	vadd.f32 v47, v1;
	[tilespmem:v63+s4+$0x0] =	vst.idx.add.f32.msk $0xffff, v3  }
0x2f3: {  	_ = 	snop  }
0x2f4: {  	v1 =	vmul.f32 $0.0e+00, v1;
	_ =	sdelay $0x1  }
0x2f5: {  	[tilespmem:s4+$0x0] =	vst.add.f32.msk $0xffff, v1  }
0x2f6: {  	v1 =	vld [tilespmem:$0x18000]  }
0x2f7: {  	v2 =	vld [tilespmem:$0x18040]  }
0x2f8: {  	v3 =	vld [tilespmem:$0x18080]  }
0x2f9: {  	v4 =	vld [tilespmem:$0x180C0]  }
0x2fa: {  	v5 =	vld [tilespmem:$0x18100]  }
0x2fb: {  	v6 =	vld [tilespmem:$0x18140]  }
0x2fc: {  	v7 =	vld [tilespmem:$0x18180]  }
0x2fd: {  	v8 =	vld [tilespmem:$0x181C0]  }
0x2fe: {  	v9 =	vld [tilespmem:$0x18200]  }
0x2ff: {  	v10 =	vld [tilespmem:$0x18240]  }
0x300: {  	v11 =	vld [tilespmem:$0x18280]  }
0x301: {  	v12 =	vld [tilespmem:$0x182C0]  }
0x302: {  	v13 =	vld [tilespmem:$0x18300]  }
0x303: {  	v14 =	vld [tilespmem:$0x18340]  }
0x304: {  	v15 =	vld [tilespmem:$0x18380]  }
0x305: {  	v16 =	vld [tilespmem:$0x183C0]  }
0x306: {  	v17 =	vld [tilespmem:$0x18010]  }
0x307: {  	v18 =	vld [tilespmem:$0x18050]  }
0x308: {  	v19 =	vld [tilespmem:$0x18090]  }
0x309: {  	v20 =	vld [tilespmem:$0x180D0]  }
0x30a: {  	v21 =	vld [tilespmem:$0x18110]  }
0x30b: {  	v22 =	vld [tilespmem:$0x18150]  }
0x30c: {  	v23 =	vld [tilespmem:$0x18190]  }
0x30d: {  	v24 =	vld [tilespmem:$0x181D0]  }
0x30e: {  	v25 =	vld [tilespmem:$0x18210]  }
0x30f: {  	v26 =	vld [tilespmem:$0x18250]  }
0x310: {  	v27 =	vld [tilespmem:$0x18290]  }
0x311: {  	v28 =	vld [tilespmem:$0x182D0]  }
0x312: {  	v29 =	vld [tilespmem:$0x18310]  }
0x313: {  	v30 =	vld [tilespmem:$0x18350]  }
0x314: {  	v31 =	vld [tilespmem:$0x18390]  }
0x315: {  	v32 =	vld [tilespmem:$0x183D0]  }
0x316: {  	v33 =	vld [tilespmem:$0x18020]  }
0x317: {  	v34 =	vld [tilespmem:$0x18060]  }
0x318: {  	v35 =	vld [tilespmem:$0x18030]  }
0x319: {  	v36 =	vld [tilespmem:$0x18070]  }
0x31a: {  	v37 =	vld [tilespmem:$0x180A0]  }
0x31b: {  	v1 =	vadd.f32 v2, v1;
	v2 =	vld [tilespmem:$0x180B0]  }
0x31c: {  	v62 =	vld [tilespmem:$0x180E0];
	v17 =	vadd.f32 v18, v17  }
0x31d: {  	v63 =	vld [tilespmem:$0x180F0];
	v1 =	vadd.f32 v3, v1;
	v3 =	vadd.f32 v34, v33  }
0x31e: {  	v38 =	vld [tilespmem:$0x18120];
	v36 =	vadd.f32 v36, v35;
	v17 =	vadd.f32 v19, v17  }
0x31f: {  	v39 =	vld [tilespmem:$0x18130];
	v1 =	vadd.f32 v4, v1;
	v3 =	vadd.f32 v37, v3  }
0x320: {  	v40 =	vld [tilespmem:$0x18160];
	v17 =	vadd.f32 v20, v17;
	v2 =	vadd.f32 v2, v36  }
0x321: {  	v41 =	vld [tilespmem:$0x18170];
	v1 =	vadd.f32 v5, v1;
	v3 =	vadd.f32 v62, v3  }
0x322: {  	v42 =	vld [tilespmem:$0x181A0];
	v17 =	vadd.f32 v21, v17;
	v2 =	vadd.f32 v63, v2  }
0x323: {  	v43 =	vld [tilespmem:$0x181B0];
	v1 =	vadd.f32 v6, v1;
	v3 =	vadd.f32 v38, v3  }
0x324: {  	v44 =	vld [tilespmem:$0x181E0];
	v17 =	vadd.f32 v22, v17;
	v2 =	vadd.f32 v39, v2  }
0x325: {  	v45 =	vld [tilespmem:$0x181F0];
	v1 =	vadd.f32 v7, v1;
	v3 =	vadd.f32 v40, v3  }
0x326: {  	v46 =	vld [tilespmem:$0x18220];
	v17 =	vadd.f32 v23, v17;
	v2 =	vadd.f32 v41, v2  }
0x327: {  	v47 =	vld [tilespmem:$0x18230];
	v1 =	vadd.f32 v8, v1;
	v3 =	vadd.f32 v42, v3  }
0x328: {  	v48 =	vld [tilespmem:$0x18260];
	v17 =	vadd.f32 v24, v17;
	v2 =	vadd.f32 v43, v2  }
0x329: {  	v49 =	vld [tilespmem:$0x18270];
	v1 =	vadd.f32 v9, v1;
	v3 =	vadd.f32 v44, v3  }
0x32a: {  	v51 =	vld [tilespmem:$0x182A0];
	v50 =	vadd.f32 v25, v17;
	v2 =	vadd.f32 v45, v2  }
0x32b: {  	v52 =	vld [tilespmem:$0x182B0];
	v1 =	vadd.f32 v10, v1;
	v3 =	vadd.f32 v46, v3  }
0x32c: {  	v53 =	vld [tilespmem:$0x182E0];
	v9 =	vadd.f32 v26, v50;
	v2 =	vadd.f32 v47, v2  }
0x32d: {  	v54 =	vld [tilespmem:$0x182F0];
	v1 =	vadd.f32 v11, v1;
	v3 =	vadd.f32 v48, v3  }
0x32e: {  	v55 =	vld [tilespmem:$0x18320];
	v9 =	vadd.f32 v27, v9;
	v2 =	vadd.f32 v49, v2  }
0x32f: {  	v56 =	vld [tilespmem:$0x18330];
	v1 =	vadd.f32 v12, v1;
	v3 =	vadd.f32 v51, v3  }
0x330: {  	v57 =	vld [tilespmem:$0x18360];
	v9 =	vadd.f32 v28, v9;
	v2 =	vadd.f32 v52, v2  }
0x331: {  	v58 =	vld [tilespmem:$0x18370];
	v1 =	vadd.f32 v13, v1;
	v3 =	vadd.f32 v53, v3  }
0x332: {  	v59 =	vld [tilespmem:$0x183A0];
	v9 =	vadd.f32 v29, v9;
	v2 =	vadd.f32 v54, v2  }
0x333: {  	v60 =	vld [tilespmem:$0x183B0];
	v1 =	vadd.f32 v14, v1;
	v3 =	vadd.f32 v55, v3  }
0x334: {  	v61 =	vld [tilespmem:$0x183E0];
	v9 =	vadd.f32 v30, v9;
	v2 =	vadd.f32 v56, v2  }
0x335: {  	v62 =	vld [tilespmem:$0x183F0];
	v1 =	vadd.f32 v15, v1;
	v3 =	vadd.f32 v57, v3  }
0x336: {  	v9 =	vadd.f32 v31, v9;
	v2 =	vadd.f32 v58, v2  }
0x337: {  	v1 =	vadd.f32 v16, v1;
	v3 =	vadd.f32 v59, v3  }
0x338: {  	v63 =	vadd.f32 v32, v9;
	v2 =	vadd.f32 v60, v2  }
0x339: {  	[tilespmem:$0x18400] =	vst v1;
	v1 =	vadd.f32 v61, v3  }
0x33a: {  	s7 =	sadd.s32 $0x1, s7;
	[tilespmem:$0x18410] =	vst v63;
	v2 =	vadd.f32 v62, v2  }
0x33b: {  	p0 =	sne.s32 s7, s29;
	[tilespmem:$0x18420] =	vst v1  }
.Ltmp8:
0x33c: {  	s8 =	simm.s32 $0x18400;
	[tilespmem:$0x18430] =	vst v2;
	(pc) =	sbr.rel @p0 .LBB2_1-.Ltmp8, $4  }
0x33d: {  	[hbm4b:s28+s1] =	stream.linear.scatter [tilespmem:s8], [sflag:$0x3], $0x80, $0x38;
	[tilespmem:$0x18480] =	vst v63  }
0x33e: {  	_ =	swait.ge [sflag:s6], $0x80  }
0x33f: {  	[sflag:s6] =	ssyncset.done $0x0  }
0x340: {  	[sflag:s6] =	ssyncadd.s32 $0xFFFFFF80  }
0x341: {  	_ =	sfence.sel $0x180000  }
0x342: {  	[bflag:$0x0] =	sbarrier.arrive $0xFFFF  }
0x343: {  	_ =	strace $0x90000047  }
0x344: {  	s0 =	stileid.u32;
	[bflag:$0x2] =	sbarrier.arrive $0xFFFF  }
0x345: {  	p0 =	sne.s32 s0, $0x0;
	s0 =	rddreg [dreg:$0x4]  }
0x346: {  	s0 =	sadd.s32 @!p0 $0x100000, s0  }
0x347: {  	[sflag:s0] =	ssyncadd.tile.s32 @!p0 $0x1;
	_ =	shalt  }
.Lfunc_end2:
_tile_overlayer_lowered:
.L_overlay_start_2:
0x348: {  	(tag) =	ssettag $0x2  }
0x349: {  	s0 =	rddreg [dreg:$0x0];
	s2 =	stileid.u32  }
0x34a: {  	s1 =	rddreg [dreg:$0x1];
	p0 =	sne.s32 s2, $0x0  }
0x34b: {  	s3 =	rddreg [dreg:$0x2];
	[bflag:$0x3] =	sbarrier.arrive $0xFFFF;
	s2 =	simm.s32 @!p0 $0x1C03  }
0x34c: {  	[timem:s3], [sflag:s2] =	dma.local @!p0 [hbm:s0], s1  }
0x34d: {  	s0 =	simm.s32 @!p0 $0x3  }
0x34e: {  	_ =	swait.ge @!p0 [sflag:s0], s1  }
0x34f: {  	s1 =	ssub.s32 @!p0 $0x0, s1;
	[sflag:s0] =	ssyncset.done @!p0 $0x0  }
0x350: {  	[sflag:s0] =	ssyncadd.s32 @!p0 s1  }
0x351: {  	[bflag:$0x3] =	sbarrier.arrive $0xFFFF  }
0x352: {  	_ =	shalt  }

</sc_bundles>
